<compile_context>
chip_gen: v7x
topology: tpu7x:2x2x1
jax: 0.10.2.dev20260603
libtpu: 0.0.44.dev20260713+nightly
codegen_flags: <defaults>
</compile_context>

<pallas_src>
import functools

import jax
import jax.numpy as jnp
from jax import lax
from jax.experimental import pallas as pl
from jax.experimental.pallas import tpu as pltpu
from jax.experimental.pallas import tpu_sc as plsc

_NC = 2
_NS = 16
_B = 40

_f32 = jnp.float32


def _pad_rows(N):
    return ((N + 8 * _NS - 1) // (8 * _NS)) * (8 * _NS)


_BD = 40


@functools.lru_cache(maxsize=None)
def _make_deg(N, E):
    EPT = E // (_NC * _NS)
    ITERS = EPT // _BD
    GROUPS = ITERS // _NBUF
    NP = _pad_rows(N)
    RPT = NP // _NS
    mesh = plsc.VectorSubcoreMesh(core_axis_name="c", subcore_axis_name="s")

    @functools.partial(
        pl.kernel,
        out_type=jax.ShapeDtypeStruct((_NC * NP, 8), _f32),
        mesh=mesh,
        scratch_types=[
            pltpu.VMEM((ITERS, _BD), jnp.int32),
            pltpu.VMEM((_BD, 8), _f32),
            pltpu.VMEM_SHARED((NP, 8), _f32),
        ] + [pltpu.SemaphoreType.DMA] * _NBUF,
        compiler_params=pltpu.CompilerParams(use_tc_tiling_on_sc=False),
    )
    def deg_kernel(ei3_hbm, ones_hbm, zeros_hbm, out_hbm, idxd, rows, acc,
                   *sems):
        c = lax.axis_index("c")
        s = lax.axis_index("s")
        rowbase = (c * _NS + s) * ITERS
        pltpu.sync_copy(zeros_hbm.at[pl.ds(s * RPT, RPT)],
                        acc.at[pl.ds(s * RPT, RPT)])
        pltpu.sync_copy(ones_hbm, rows)
        pltpu.sync_copy(ei3_hbm.at[1, pl.ds(rowbase, ITERS)], idxd)
        plsc.subcore_barrier()

        for b in range(_NBUF):
            pltpu.async_copy(rows, acc.at[idxd.at[b]], sems[b], add=True)

        def group(g, carry):
            for b in range(_NBUF):
                chunk = g * _NBUF + b
                pltpu.make_async_copy(rows, acc.at[idxd.at[chunk]],
                                      sems[b]).wait()

                @pl.when(g < GROUPS - 1)
                def _next():
                    pltpu.async_copy(rows, acc.at[idxd.at[chunk + _NBUF]],
                                     sems[b], add=True)
            return carry

        lax.fori_loop(0, GROUPS, group, 0)
        plsc.subcore_barrier()
        pltpu.sync_copy(acc.at[pl.ds(s * RPT, RPT)],
                        out_hbm.at[pl.ds(c * NP + s * RPT, RPT)])

    return deg_kernel


_NBUF = 5


@functools.lru_cache(maxsize=None)
def _make_agg(N, E, F, nbuf):
    EPT = E // (_NC * _NS)
    ITERS = EPT // _B
    GROUPS = ITERS // nbuf
    NP = _pad_rows(N)
    RPT = NP // _NS
    mesh = plsc.VectorSubcoreMesh(core_axis_name="c", subcore_axis_name="s")

    @functools.partial(
        pl.kernel,
        out_type=jax.ShapeDtypeStruct((_NC * NP, F), _f32),
        mesh=mesh,
        scratch_types=[
            pltpu.VMEM((ITERS, _B), jnp.int32),
            pltpu.VMEM((ITERS, _B), jnp.int32),
            pltpu.VMEM((nbuf, _B, F), _f32),
            pltpu.VMEM_SHARED((NP, F), _f32),
        ] + [pltpu.SemaphoreType.DMA] * nbuf,
        compiler_params=pltpu.CompilerParams(use_tc_tiling_on_sc=False),
    )
    def agg_kernel(ei3_hbm, table_hbm, zeros_hbm, out_hbm,
                   idxs, idxd, bufs, acc, *sems):
        c = lax.axis_index("c")
        s = lax.axis_index("s")
        rowbase = (c * _NS + s) * ITERS
        pltpu.sync_copy(zeros_hbm.at[pl.ds(s * RPT, RPT)],
                        acc.at[pl.ds(s * RPT, RPT)])
        pltpu.sync_copy(ei3_hbm.at[0, pl.ds(rowbase, ITERS)], idxs)
        pltpu.sync_copy(ei3_hbm.at[1, pl.ds(rowbase, ITERS)], idxd)
        plsc.subcore_barrier()

        for b in range(nbuf):
            pltpu.async_copy(table_hbm.at[idxs.at[b]], bufs.at[b], sems[b])

        def group(g, carry):
            for b in range(nbuf):
                chunk = g * nbuf + b
                pltpu.make_async_copy(table_hbm.at[idxs.at[chunk]],
                                      bufs.at[b], sems[b]).wait()
                pltpu.sync_copy(bufs.at[b], acc.at[idxd.at[chunk]],
                                add=True)

                @pl.when(g < GROUPS - 1)
                def _prefetch():
                    pltpu.async_copy(table_hbm.at[idxs.at[chunk + nbuf]],
                                     bufs.at[b], sems[b])
            return carry

        lax.fori_loop(0, GROUPS, group, 0)
        plsc.subcore_barrier()
        pltpu.sync_copy(acc.at[pl.ds(s * RPT, RPT)],
                        out_hbm.at[pl.ds(c * NP + s * RPT, RPT)])

    return agg_kernel


def _tc_bn(x, *, interpret=False):
    N, D = x.shape

    def body(x_ref, hb_ref):
        xv = x_ref[...]
        mean = jnp.mean(xv, axis=0, keepdims=True)
        var = jnp.mean((xv - mean) ** 2, axis=0, keepdims=True)
        hb_ref[...] = (xv - mean) / jnp.sqrt(var + 1e-5)

    return pl.pallas_call(
        body,
        out_shape=jax.ShapeDtypeStruct((N, D), _f32),
        interpret=interpret,
    )(x)


def _tc_scale(h_bn, deg_raw, *, interpret=False):
    N, D = h_bn.shape
    NP = _pad_rows(N)

    def body(hb_ref, dr_ref, hp_ref, dis_ref):
        dr = dr_ref[...]
        deg = (jnp.sum(dr[:N], axis=1, keepdims=True)
               + jnp.sum(dr[NP:NP + N], axis=1, keepdims=True)) / 8.0
        dis = 1.0 / jnp.sqrt(jnp.maximum(deg, 1.0))
        dis_ref[...] = dis
        hp_ref[...] = hb_ref[...] * dis

    return pl.pallas_call(
        body,
        out_shape=[jax.ShapeDtypeStruct((N, D), _f32),
                   jax.ShapeDtypeStruct((N, 1), _f32)],
        interpret=interpret,
    )(h_bn, deg_raw)


def _tc_mid(agg_raw, dis, W1, b1, W2p, *, interpret=False):
    N = dis.shape[0]
    NP = _pad_rows(N)
    CP = W2p.shape[1]

    def body(ar_ref, dis_ref, w1_ref, b1_ref, w2_ref, u_ref):
        a = ar_ref[...]
        d = dis_ref[...]
        agg = (a[:N] + a[NP:NP + N]) * d
        t = jnp.dot(agg, w1_ref[...], preferred_element_type=_f32)
        t = t + b1_ref[...][None, :]
        t = t - jnp.mean(t, axis=0, keepdims=True)
        rn = jnp.sqrt(1e-6 + jnp.mean(jnp.sum(t * t, axis=1)))
        t = jnp.maximum(t / rn, 0.0) * d
        u_ref[...] = jnp.dot(t, w2_ref[...], preferred_element_type=_f32)

    return pl.pallas_call(
        body,
        out_shape=jax.ShapeDtypeStruct((N, CP), _f32),
        interpret=interpret,
    )(agg_raw, dis, W1, b1, W2p)


def _tc_out(agg2_raw, dis, b2, *, interpret=False):
    N = dis.shape[0]
    NP = _pad_rows(N)
    C = b2.shape[0]

    def body(ar_ref, dis_ref, b2_ref, o_ref):
        a = ar_ref[...]
        v = (a[:N] + a[NP:NP + N])[:, :C] * dis_ref[...] + b2_ref[...][None, :]
        v = v - jnp.mean(v, axis=0, keepdims=True)
        rn = jnp.sqrt(1e-6 + jnp.mean(jnp.sum(v * v, axis=1)))
        o_ref[...] = v / rn

    return pl.pallas_call(
        body,
        out_shape=jax.ShapeDtypeStruct((N, C), _f32),
        interpret=interpret,
    )(agg2_raw, dis, b2)


def kernel(x, edge_index, W1, b1, W2, b2):
    N, D = x.shape
    E = edge_index.shape[1]
    C = W2.shape[1]
    CP = 48

    ei3 = edge_index.reshape(2, E // _B, _B)

    NP = _pad_rows(N)
    deg_raw = _make_deg(N, E)(
        ei3, jnp.ones((_BD, 8), _f32), jnp.zeros((NP, 8), _f32))
    h_bn = _tc_bn(x)
    h_pre, dis = _tc_scale(h_bn, deg_raw)
    agg1 = _make_agg(N, E, D, _NBUF)(ei3, h_pre, jnp.zeros((NP, D), _f32))
    W2p = jnp.pad(W2, ((0, 0), (0, CP - C)))
    u_pad = _tc_mid(agg1, dis, W1, b1, W2p)
    agg2 = _make_agg(N, E, CP, 10)(ei3, u_pad, jnp.zeros((NP, CP), _f32))
    return _tc_out(agg2, dis, b2)

# --- scband reference (transcript-rebuilt; emitter-appended) ---
"""Pipeline reference for scband-gcn-pairnorm-78529182040075 (READ-ONLY COPY).

The authoritative reference and input builder live on the scoring server;
editing this copy changes nothing except your own understanding.
"""

import jax, jax.numpy as jnp
import numpy as np

N = 10000
E = 320000
D = 128
H = 128
C = 40


def setup_inputs(seed: int = 0) -> dict:
    key = jax.random.key(seed)
    k1, k2, k3, k4 = jax.random.split(key, 4)
    x = jax.random.normal(k1, (N, D), dtype=jnp.float32)
    edge_index = jax.random.randint(k2, (2, E), 0, N, dtype=jnp.int32)
    W1 = jax.random.normal(k3, (D, H), dtype=jnp.float32) * (1.0 / np.sqrt(D))
    b1 = jnp.zeros((H,), dtype=jnp.float32)
    W2 = jax.random.normal(k4, (H, C), dtype=jnp.float32) * (1.0 / np.sqrt(H))
    b2 = jnp.zeros((C,), dtype=jnp.float32)
    return {"x": x, "edge_index": edge_index, "W1": W1, "b1": b1, "W2": W2, "b2": b2}


def _pairnorm(h):
    # PairNorm mode='PN', scale=1
    h = h - h.mean(axis=0, keepdims=True)
    rownorm_mean = jnp.sqrt(1e-6 + (h ** 2).sum(axis=1).mean())
    return h / rownorm_mean


def _gcn_layer(h, src, dst, deg_inv_sqrt, W, b):
    norm = deg_inv_sqrt[src] * deg_inv_sqrt[dst]
    msg = h[src] * norm[:, None]  # gather
    agg = jnp.zeros((h.shape[0], h.shape[1]), dtype=h.dtype).at[dst].add(msg)  # scatter-add
    return agg @ W + b


def reference(x, edge_index, W1, b1, W2, b2):
    src = edge_index[0]
    dst = edge_index[1]
    n = x.shape[0]
    deg = jnp.zeros((n,), dtype=x.dtype).at[dst].add(1.0)
    deg_inv_sqrt = 1.0 / jnp.sqrt(jnp.maximum(deg, 1.0))
    # BatchNorm1d(affine=False), training-mode batch stats
    mean = x.mean(axis=0)
    var = x.var(axis=0)
    h = (x - mean) / jnp.sqrt(var + 1e-5)
    # layer 1 (dropout p=0 is identity)
    h = _gcn_layer(h, src, dst, deg_inv_sqrt, W1, b1)
    h = _pairnorm(h)
    h = jax.nn.relu(h)
    # layer 2 (final layer: pairnorm but no activation)
    h = _gcn_layer(h, src, dst, deg_inv_sqrt, W2, b2)
    h = _pairnorm(h)
    return h

if __name__ == "__main__":
    import jax
    _d = setup_inputs()
    print(jax.jit(kernel)(*tuple(_d.values())))

</pallas_src>

<mosaic_0001>
#map = affine_map<(d0, d1) -> (0, 0, 0)>
#map1 = affine_map<(d0, d1) -> (0, 0)>
module attributes {stable_mosaic.version = 14 : i64} {
  func.func @agg_kernel(%arg0: i32, %arg1: i32, %arg2: memref<2x8000x40xi32, #tpu.memory_space<hbm>>, %arg3: memref<10000x48xf32, #tpu.memory_space<hbm>>, %arg4: memref<10112x48xf32, #tpu.memory_space<hbm>>, %arg5: memref<20224x48xf32, #tpu.memory_space<hbm>>, %arg6: memref<250x40xi32, #tpu.memory_space<vmem>>, %arg7: memref<250x40xi32, #tpu.memory_space<vmem>>, %arg8: memref<10x40x48xf32, #tpu.memory_space<vmem>>, %arg9: memref<10112x48xf32, #tpu.memory_space<vmem_shared>>, %arg10: memref<!tpu.dma_semaphore, #tpu.memory_space<semaphore_mem>>, %arg11: memref<!tpu.dma_semaphore, #tpu.memory_space<semaphore_mem>>, %arg12: memref<!tpu.dma_semaphore, #tpu.memory_space<semaphore_mem>>, %arg13: memref<!tpu.dma_semaphore, #tpu.memory_space<semaphore_mem>>, %arg14: memref<!tpu.dma_semaphore, #tpu.memory_space<semaphore_mem>>, %arg15: memref<!tpu.dma_semaphore, #tpu.memory_space<semaphore_mem>>, %arg16: memref<!tpu.dma_semaphore, #tpu.memory_space<semaphore_mem>>, %arg17: memref<!tpu.dma_semaphore, #tpu.memory_space<semaphore_mem>>, %arg18: memref<!tpu.dma_semaphore, #tpu.memory_space<semaphore_mem>>, %arg19: memref<!tpu.dma_semaphore, #tpu.memory_space<semaphore_mem>>) attributes {dimension_semantics = [#tpu.dimension_semantics<core_parallel>, #tpu.dimension_semantics<subcore_parallel>], iteration_bounds = array<i64: 2, 16>, scalar_prefetch = 0 : i64, scratch_operands = 14 : i64, tpu.core_type = #tpu.core_type<sc_vector_subcore>, window_params = [{transform_indices = #map}, {transform_indices = #map1}, {transform_indices = #map1}, {transform_indices = #map1}]} {
    %mul3A = arith.constant 16 : i32
    %mul3A_0 = arith.muli %arg0, %mul3A : i32
    %add3A = arith.addi %mul3A_0, %arg1 : i32
    %mul3A_1 = arith.constant 250 : i32
    %mul3A_2 = arith.muli %add3A, %mul3A_1 : i32
    %mul3A_3 = arith.constant 632 : i32
    %mul3A_4 = arith.muli %arg1, %mul3A_3 : i32
    %mul3A_5 = arith.constant 632 : i32
    %mul3A_6 = arith.muli %arg1, %mul3A_5 : i32
    "tpu.region"() ({
      %run_scoped3A_140 = tpu.sem_alloc : memref<!tpu.dma_semaphore, #tpu.memory_space<semaphore_mem>>
      %dma_start3A_141 = arith.constant 0 : i32
      %dma_start3A_142 = tpu.memref_slice %arg9[%mul3A_6, %dma_start3A_141] : memref<10112x48xf32, #tpu.memory_space<vmem_shared>> -> memref<632x48xf32, #tpu.memory_space<vmem_shared>>
      %dma_start3A_143 = arith.constant 0 : i32
      %dma_start3A_144 = tpu.memref_slice %arg4[%mul3A_4, %dma_start3A_143] : memref<10112x48xf32, #tpu.memory_space<hbm>> -> memref<632x48xf32, #tpu.memory_space<hbm>>
      tpu.enqueue_dma source(%dma_start3A_144 : memref<632x48xf32, #tpu.memory_space<hbm>>) target(%dma_start3A_142 : memref<632x48xf32, #tpu.memory_space<vmem_shared>>) target_semaphore(%run_scoped3A_140 : memref<!tpu.dma_semaphore, #tpu.memory_space<semaphore_mem>>)
      %dma_wait3A = arith.constant 0 : i32
      %dma_wait3A_145 = tpu.memref_slice %arg9[%mul3A_6, %dma_wait3A] : memref<10112x48xf32, #tpu.memory_space<vmem_shared>> -> memref<632x48xf32, #tpu.memory_space<vmem_shared>>
      %dma_wait3A_146 = arith.constant 0 : i32
      %dma_wait3A_147 = tpu.memref_slice %arg4[%mul3A_4, %dma_wait3A_146] : memref<10112x48xf32, #tpu.memory_space<hbm>> -> memref<632x48xf32, #tpu.memory_space<hbm>>
      tpu.wait_dma2 semaphore(%run_scoped3A_140 : memref<!tpu.dma_semaphore, #tpu.memory_space<semaphore_mem>>) src(%dma_wait3A_147 : memref<632x48xf32, #tpu.memory_space<hbm>>) dst(%dma_wait3A_145 : memref<632x48xf32, #tpu.memory_space<vmem_shared>>)
      tpu.yield
    }) : () -> ()
    %run_scoped3A = arith.constant 0 : i32
    "tpu.region"() ({
      %run_scoped3A_140 = tpu.sem_alloc : memref<!tpu.dma_semaphore, #tpu.memory_space<semaphore_mem>>
      %dma_start3A_141 = arith.constant 0 : i32
      %dma_start3A_142 = tpu.memref_slice %arg2[%run_scoped3A, %mul3A_2, %dma_start3A_141] : memref<2x8000x40xi32, #tpu.memory_space<hbm>> -> memref<1x250x40xi32, #tpu.memory_space<hbm>>
      %dma_start3A_143 = tpu.memref_squeeze %dma_start3A_142 : memref<1x250x40xi32, #tpu.memory_space<hbm>> -> memref<250x40xi32, #tpu.memory_space<hbm>>
      %dma_start3A_144 = arith.constant 0 : i32
      %dma_start3A_145 = tpu.memref_slice %arg2[%run_scoped3A, %mul3A_2, %dma_start3A_144] : memref<2x8000x40xi32, #tpu.memory_space<hbm>> -> memref<1x250x40xi32, #tpu.memory_space<hbm>>
      %dma_start3A_146 = tpu.memref_squeeze %dma_start3A_145 : memref<1x250x40xi32, #tpu.memory_space<hbm>> -> memref<250x40xi32, #tpu.memory_space<hbm>>
      tpu.enqueue_dma source(%dma_start3A_146 : memref<250x40xi32, #tpu.memory_space<hbm>>) target(%arg6 : memref<250x40xi32, #tpu.memory_space<vmem>>) target_semaphore(%run_scoped3A_140 : memref<!tpu.dma_semaphore, #tpu.memory_space<semaphore_mem>>)
      %dma_wait3A = arith.constant 0 : i32
      %dma_wait3A_147 = tpu.memref_slice %arg2[%run_scoped3A, %mul3A_2, %dma_wait3A] : memref<2x8000x40xi32, #tpu.memory_space<hbm>> -> memref<1x250x40xi32, #tpu.memory_space<hbm>>
      %dma_wait3A_148 = tpu.memref_squeeze %dma_wait3A_147 : memref<1x250x40xi32, #tpu.memory_space<hbm>> -> memref<250x40xi32, #tpu.memory_space<hbm>>
      %dma_wait3A_149 = arith.constant 0 : i32
      %dma_wait3A_150 = tpu.memref_slice %arg2[%run_scoped3A, %mul3A_2, %dma_wait3A_149] : memref<2x8000x40xi32, #tpu.memory_space<hbm>> -> memref<1x250x40xi32, #tpu.memory_space<hbm>>
      %dma_wait3A_151 = tpu.memref_squeeze %dma_wait3A_150 : memref<1x250x40xi32, #tpu.memory_space<hbm>> -> memref<250x40xi32, #tpu.memory_space<hbm>>
      tpu.wait_dma2 semaphore(%run_scoped3A_140 : memref<!tpu.dma_semaphore, #tpu.memory_space<semaphore_mem>>) src(%dma_wait3A_151 : memref<250x40xi32, #tpu.memory_space<hbm>>) dst(%arg6 : memref<250x40xi32, #tpu.memory_space<vmem>>)
      tpu.yield
    }) : () -> ()
    %run_scoped3A_7 = arith.constant 1 : i32
    "tpu.region"() ({
      %run_scoped3A_140 = tpu.sem_alloc : memref<!tpu.dma_semaphore, #tpu.memory_space<semaphore_mem>>
      %dma_start3A_141 = arith.constant 0 : i32
      %dma_start3A_142 = tpu.memref_slice %arg2[%run_scoped3A_7, %mul3A_2, %dma_start3A_141] : memref<2x8000x40xi32, #tpu.memory_space<hbm>> -> memref<1x250x40xi32, #tpu.memory_space<hbm>>
      %dma_start3A_143 = tpu.memref_squeeze %dma_start3A_142 : memref<1x250x40xi32, #tpu.memory_space<hbm>> -> memref<250x40xi32, #tpu.memory_space<hbm>>
      %dma_start3A_144 = arith.constant 0 : i32
      %dma_start3A_145 = tpu.memref_slice %arg2[%run_scoped3A_7, %mul3A_2, %dma_start3A_144] : memref<2x8000x40xi32, #tpu.memory_space<hbm>> -> memref<1x250x40xi32, #tpu.memory_space<hbm>>
      %dma_start3A_146 = tpu.memref_squeeze %dma_start3A_145 : memref<1x250x40xi32, #tpu.memory_space<hbm>> -> memref<250x40xi32, #tpu.memory_space<hbm>>
      tpu.enqueue_dma source(%dma_start3A_146 : memref<250x40xi32, #tpu.memory_space<hbm>>) target(%arg7 : memref<250x40xi32, #tpu.memory_space<vmem>>) target_semaphore(%run_scoped3A_140 : memref<!tpu.dma_semaphore, #tpu.memory_space<semaphore_mem>>)
      %dma_wait3A = arith.constant 0 : i32
      %dma_wait3A_147 = tpu.memref_slice %arg2[%run_scoped3A_7, %mul3A_2, %dma_wait3A] : memref<2x8000x40xi32, #tpu.memory_space<hbm>> -> memref<1x250x40xi32, #tpu.memory_space<hbm>>
      %dma_wait3A_148 = tpu.memref_squeeze %dma_wait3A_147 : memref<1x250x40xi32, #tpu.memory_space<hbm>> -> memref<250x40xi32, #tpu.memory_space<hbm>>
      %dma_wait3A_149 = arith.constant 0 : i32
      %dma_wait3A_150 = tpu.memref_slice %arg2[%run_scoped3A_7, %mul3A_2, %dma_wait3A_149] : memref<2x8000x40xi32, #tpu.memory_space<hbm>> -> memref<1x250x40xi32, #tpu.memory_space<hbm>>
      %dma_wait3A_151 = tpu.memref_squeeze %dma_wait3A_150 : memref<1x250x40xi32, #tpu.memory_space<hbm>> -> memref<250x40xi32, #tpu.memory_space<hbm>>
      tpu.wait_dma2 semaphore(%run_scoped3A_140 : memref<!tpu.dma_semaphore, #tpu.memory_space<semaphore_mem>>) src(%dma_wait3A_151 : memref<250x40xi32, #tpu.memory_space<hbm>>) dst(%arg7 : memref<250x40xi32, #tpu.memory_space<vmem>>)
      tpu.yield
    }) : () -> ()
    %barrier3A = arith.constant 0 : index
    tpu.barrier barrier_id(%barrier3A)
    %dma_start3A = arith.constant 0 : i32
    %dma_start3A_8 = arith.constant 0 : i32
    %dma_start3A_9 = arith.constant 0 : i32
    %dma_start3A_10 = arith.constant 0 : i32
    %dma_start3A_11 = tpu.memref_slice %arg8[%dma_start3A_8, %dma_start3A_9, %dma_start3A_10] : memref<10x40x48xf32, #tpu.memory_space<vmem>> -> memref<1x40x48xf32, #tpu.memory_space<vmem>>
    %dma_start3A_12 = tpu.memref_squeeze %dma_start3A_11 : memref<1x40x48xf32, #tpu.memory_space<vmem>> -> memref<40x48xf32, #tpu.memory_space<vmem>>
    %dma_start3A_13 = arith.constant 0 : i32
    %dma_start3A_14 = tpu.memref_slice %arg6[%dma_start3A, %dma_start3A_13] : memref<250x40xi32, #tpu.memory_space<vmem>> -> memref<1x40xi32, #tpu.memory_space<vmem>>
    %dma_start3A_15 = tpu.memref_squeeze %dma_start3A_14 : memref<1x40xi32, #tpu.memory_space<vmem>> -> memref<40xi32, #tpu.memory_space<vmem>>
    %dma_start3A_16 = arith.constant 0 : i32
    %dma_start3A_17 = arith.constant 0 : i32
    %dma_start3A_18 = tpu.memref_slice %arg3[%dma_start3A_16, %dma_start3A_17] : memref<10000x48xf32, #tpu.memory_space<hbm>> -> memref<10000x48xf32, #tpu.memory_space<hbm>>
    tpu.enqueue_indirect_dma source(%dma_start3A_18 : memref<10000x48xf32, #tpu.memory_space<hbm>>) target(%dma_start3A_12 : memref<40x48xf32, #tpu.memory_space<vmem>>) offsets(%dma_start3A_15 : memref<40xi32, #tpu.memory_space<vmem>>) semaphore(%arg10 : memref<!tpu.dma_semaphore, #tpu.memory_space<semaphore_mem>>)
    %dma_start3A_19 = arith.constant 1 : i32
    %dma_start3A_20 = arith.constant 1 : i32
    %dma_start3A_21 = arith.constant 0 : i32
    %dma_start3A_22 = arith.constant 0 : i32
    %dma_start3A_23 = tpu.memref_slice %arg8[%dma_start3A_20, %dma_start3A_21, %dma_start3A_22] : memref<10x40x48xf32, #tpu.memory_space<vmem>> -> memref<1x40x48xf32, #tpu.memory_space<vmem>>
    %dma_start3A_24 = tpu.memref_squeeze %dma_start3A_23 : memref<1x40x48xf32, #tpu.memory_space<vmem>> -> memref<40x48xf32, #tpu.memory_space<vmem>>
    %dma_start3A_25 = arith.constant 0 : i32
    %dma_start3A_26 = tpu.memref_slice %arg6[%dma_start3A_19, %dma_start3A_25] : memref<250x40xi32, #tpu.memory_space<vmem>> -> memref<1x40xi32, #tpu.memory_space<vmem>>
    %dma_start3A_27 = tpu.memref_squeeze %dma_start3A_26 : memref<1x40xi32, #tpu.memory_space<vmem>> -> memref<40xi32, #tpu.memory_space<vmem>>
    %dma_start3A_28 = arith.constant 0 : i32
    %dma_start3A_29 = arith.constant 0 : i32
    %dma_start3A_30 = tpu.memref_slice %arg3[%dma_start3A_28, %dma_start3A_29] : memref<10000x48xf32, #tpu.memory_space<hbm>> -> memref<10000x48xf32, #tpu.memory_space<hbm>>
    tpu.enqueue_indirect_dma source(%dma_start3A_30 : memref<10000x48xf32, #tpu.memory_space<hbm>>) target(%dma_start3A_24 : memref<40x48xf32, #tpu.memory_space<vmem>>) offsets(%dma_start3A_27 : memref<40xi32, #tpu.memory_space<vmem>>) semaphore(%arg11 : memref<!tpu.dma_semaphore, #tpu.memory_space<semaphore_mem>>)
    %dma_start3A_31 = arith.constant 2 : i32
    %dma_start3A_32 = arith.constant 2 : i32
    %dma_start3A_33 = arith.constant 0 : i32
    %dma_start3A_34 = arith.constant 0 : i32
    %dma_start3A_35 = tpu.memref_slice %arg8[%dma_start3A_32, %dma_start3A_33, %dma_start3A_34] : memref<10x40x48xf32, #tpu.memory_space<vmem>> -> memref<1x40x48xf32, #tpu.memory_space<vmem>>
    %dma_start3A_36 = tpu.memref_squeeze %dma_start3A_35 : memref<1x40x48xf32, #tpu.memory_space<vmem>> -> memref<40x48xf32, #tpu.memory_space<vmem>>
    %dma_start3A_37 = arith.constant 0 : i32
    %dma_start3A_38 = tpu.memref_slice %arg6[%dma_start3A_31, %dma_start3A_37] : memref<250x40xi32, #tpu.memory_space<vmem>> -> memref<1x40xi32, #tpu.memory_space<vmem>>
    %dma_start3A_39 = tpu.memref_squeeze %dma_start3A_38 : memref<1x40xi32, #tpu.memory_space<vmem>> -> memref<40xi32, #tpu.memory_space<vmem>>
    %dma_start3A_40 = arith.constant 0 : i32
    %dma_start3A_41 = arith.constant 0 : i32
    %dma_start3A_42 = tpu.memref_slice %arg3[%dma_start3A_40, %dma_start3A_41] : memref<10000x48xf32, #tpu.memory_space<hbm>> -> memref<10000x48xf32, #tpu.memory_space<hbm>>
    tpu.enqueue_indirect_dma source(%dma_start3A_42 : memref<10000x48xf32, #tpu.memory_space<hbm>>) target(%dma_start3A_36 : memref<40x48xf32, #tpu.memory_space<vmem>>) offsets(%dma_start3A_39 : memref<40xi32, #tpu.memory_space<vmem>>) semaphore(%arg12 : memref<!tpu.dma_semaphore, #tpu.memory_space<semaphore_mem>>)
    %dma_start3A_43 = arith.constant 3 : i32
    %dma_start3A_44 = arith.constant 3 : i32
    %dma_start3A_45 = arith.constant 0 : i32
    %dma_start3A_46 = arith.constant 0 : i32
    %dma_start3A_47 = tpu.memref_slice %arg8[%dma_start3A_44, %dma_start3A_45, %dma_start3A_46] : memref<10x40x48xf32, #tpu.memory_space<vmem>> -> memref<1x40x48xf32, #tpu.memory_space<vmem>>
    %dma_start3A_48 = tpu.memref_squeeze %dma_start3A_47 : memref<1x40x48xf32, #tpu.memory_space<vmem>> -> memref<40x48xf32, #tpu.memory_space<vmem>>
    %dma_start3A_49 = arith.constant 0 : i32
    %dma_start3A_50 = tpu.memref_slice %arg6[%dma_start3A_43, %dma_start3A_49] : memref<250x40xi32, #tpu.memory_space<vmem>> -> memref<1x40xi32, #tpu.memory_space<vmem>>
    %dma_start3A_51 = tpu.memref_squeeze %dma_start3A_50 : memref<1x40xi32, #tpu.memory_space<vmem>> -> memref<40xi32, #tpu.memory_space<vmem>>
    %dma_start3A_52 = arith.constant 0 : i32
    %dma_start3A_53 = arith.constant 0 : i32
    %dma_start3A_54 = tpu.memref_slice %arg3[%dma_start3A_52, %dma_start3A_53] : memref<10000x48xf32, #tpu.memory_space<hbm>> -> memref<10000x48xf32, #tpu.memory_space<hbm>>
    tpu.enqueue_indirect_dma source(%dma_start3A_54 : memref<10000x48xf32, #tpu.memory_space<hbm>>) target(%dma_start3A_48 : memref<40x48xf32, #tpu.memory_space<vmem>>) offsets(%dma_start3A_51 : memref<40xi32, #tpu.memory_space<vmem>>) semaphore(%arg13 : memref<!tpu.dma_semaphore, #tpu.memory_space<semaphore_mem>>)
    %dma_start3A_55 = arith.constant 4 : i32
    %dma_start3A_56 = arith.constant 4 : i32
    %dma_start3A_57 = arith.constant 0 : i32
    %dma_start3A_58 = arith.constant 0 : i32
    %dma_start3A_59 = tpu.memref_slice %arg8[%dma_start3A_56, %dma_start3A_57, %dma_start3A_58] : memref<10x40x48xf32, #tpu.memory_space<vmem>> -> memref<1x40x48xf32, #tpu.memory_space<vmem>>
    %dma_start3A_60 = tpu.memref_squeeze %dma_start3A_59 : memref<1x40x48xf32, #tpu.memory_space<vmem>> -> memref<40x48xf32, #tpu.memory_space<vmem>>
    %dma_start3A_61 = arith.constant 0 : i32
    %dma_start3A_62 = tpu.memref_slice %arg6[%dma_start3A_55, %dma_start3A_61] : memref<250x40xi32, #tpu.memory_space<vmem>> -> memref<1x40xi32, #tpu.memory_space<vmem>>
    %dma_start3A_63 = tpu.memref_squeeze %dma_start3A_62 : memref<1x40xi32, #tpu.memory_space<vmem>> -> memref<40xi32, #tpu.memory_space<vmem>>
    %dma_start3A_64 = arith.constant 0 : i32
    %dma_start3A_65 = arith.constant 0 : i32
    %dma_start3A_66 = tpu.memref_slice %arg3[%dma_start3A_64, %dma_start3A_65] : memref<10000x48xf32, #tpu.memory_space<hbm>> -> memref<10000x48xf32, #tpu.memory_space<hbm>>
    tpu.enqueue_indirect_dma source(%dma_start3A_66 : memref<10000x48xf32, #tpu.memory_space<hbm>>) target(%dma_start3A_60 : memref<40x48xf32, #tpu.memory_space<vmem>>) offsets(%dma_start3A_63 : memref<40xi32, #tpu.memory_space<vmem>>) semaphore(%arg14 : memref<!tpu.dma_semaphore, #tpu.memory_space<semaphore_mem>>)
    %dma_start3A_67 = arith.constant 5 : i32
    %dma_start3A_68 = arith.constant 5 : i32
    %dma_start3A_69 = arith.constant 0 : i32
    %dma_start3A_70 = arith.constant 0 : i32
    %dma_start3A_71 = tpu.memref_slice %arg8[%dma_start3A_68, %dma_start3A_69, %dma_start3A_70] : memref<10x40x48xf32, #tpu.memory_space<vmem>> -> memref<1x40x48xf32, #tpu.memory_space<vmem>>
    %dma_start3A_72 = tpu.memref_squeeze %dma_start3A_71 : memref<1x40x48xf32, #tpu.memory_space<vmem>> -> memref<40x48xf32, #tpu.memory_space<vmem>>
    %dma_start3A_73 = arith.constant 0 : i32
    %dma_start3A_74 = tpu.memref_slice %arg6[%dma_start3A_67, %dma_start3A_73] : memref<250x40xi32, #tpu.memory_space<vmem>> -> memref<1x40xi32, #tpu.memory_space<vmem>>
    %dma_start3A_75 = tpu.memref_squeeze %dma_start3A_74 : memref<1x40xi32, #tpu.memory_space<vmem>> -> memref<40xi32, #tpu.memory_space<vmem>>
    %dma_start3A_76 = arith.constant 0 : i32
    %dma_start3A_77 = arith.constant 0 : i32
    %dma_start3A_78 = tpu.memref_slice %arg3[%dma_start3A_76, %dma_start3A_77] : memref<10000x48xf32, #tpu.memory_space<hbm>> -> memref<10000x48xf32, #tpu.memory_space<hbm>>
    tpu.enqueue_indirect_dma source(%dma_start3A_78 : memref<10000x48xf32, #tpu.memory_space<hbm>>) target(%dma_start3A_72 : memref<40x48xf32, #tpu.memory_space<vmem>>) offsets(%dma_start3A_75 : memref<40xi32, #tpu.memory_space<vmem>>) semaphore(%arg15 : memref<!tpu.dma_semaphore, #tpu.memory_space<semaphore_mem>>)
    %dma_start3A_79 = arith.constant 6 : i32
    %dma_start3A_80 = arith.constant 6 : i32
    %dma_start3A_81 = arith.constant 0 : i32
    %dma_start3A_82 = arith.constant 0 : i32
    %dma_start3A_83 = tpu.memref_slice %arg8[%dma_start3A_80, %dma_start3A_81, %dma_start3A_82] : memref<10x40x48xf32, #tpu.memory_space<vmem>> -> memref<1x40x48xf32, #tpu.memory_space<vmem>>
    %dma_start3A_84 = tpu.memref_squeeze %dma_start3A_83 : memref<1x40x48xf32, #tpu.memory_space<vmem>> -> memref<40x48xf32, #tpu.memory_space<vmem>>
    %dma_start3A_85 = arith.constant 0 : i32
    %dma_start3A_86 = tpu.memref_slice %arg6[%dma_start3A_79, %dma_start3A_85] : memref<250x40xi32, #tpu.memory_space<vmem>> -> memref<1x40xi32, #tpu.memory_space<vmem>>
    %dma_start3A_87 = tpu.memref_squeeze %dma_start3A_86 : memref<1x40xi32, #tpu.memory_space<vmem>> -> memref<40xi32, #tpu.memory_space<vmem>>
    %dma_start3A_88 = arith.constant 0 : i32
    %dma_start3A_89 = arith.constant 0 : i32
    %dma_start3A_90 = tpu.memref_slice %arg3[%dma_start3A_88, %dma_start3A_89] : memref<10000x48xf32, #tpu.memory_space<hbm>> -> memref<10000x48xf32, #tpu.memory_space<hbm>>
    tpu.enqueue_indirect_dma source(%dma_start3A_90 : memref<10000x48xf32, #tpu.memory_space<hbm>>) target(%dma_start3A_84 : memref<40x48xf32, #tpu.memory_space<vmem>>) offsets(%dma_start3A_87 : memref<40xi32, #tpu.memory_space<vmem>>) semaphore(%arg16 : memref<!tpu.dma_semaphore, #tpu.memory_space<semaphore_mem>>)
    %dma_start3A_91 = arith.constant 7 : i32
    %dma_start3A_92 = arith.constant 7 : i32
    %dma_start3A_93 = arith.constant 0 : i32
    %dma_start3A_94 = arith.constant 0 : i32
    %dma_start3A_95 = tpu.memref_slice %arg8[%dma_start3A_92, %dma_start3A_93, %dma_start3A_94] : memref<10x40x48xf32, #tpu.memory_space<vmem>> -> memref<1x40x48xf32, #tpu.memory_space<vmem>>
    %dma_start3A_96 = tpu.memref_squeeze %dma_start3A_95 : memref<1x40x48xf32, #tpu.memory_space<vmem>> -> memref<40x48xf32, #tpu.memory_space<vmem>>
    %dma_start3A_97 = arith.constant 0 : i32
    %dma_start3A_98 = tpu.memref_slice %arg6[%dma_start3A_91, %dma_start3A_97] : memref<250x40xi32, #tpu.memory_space<vmem>> -> memref<1x40xi32, #tpu.memory_space<vmem>>
    %dma_start3A_99 = tpu.memref_squeeze %dma_start3A_98 : memref<1x40xi32, #tpu.memory_space<vmem>> -> memref<40xi32, #tpu.memory_space<vmem>>
    %dma_start3A_100 = arith.constant 0 : i32
    %dma_start3A_101 = arith.constant 0 : i32
    %dma_start3A_102 = tpu.memref_slice %arg3[%dma_start3A_100, %dma_start3A_101] : memref<10000x48xf32, #tpu.memory_space<hbm>> -> memref<10000x48xf32, #tpu.memory_space<hbm>>
    tpu.enqueue_indirect_dma source(%dma_start3A_102 : memref<10000x48xf32, #tpu.memory_space<hbm>>) target(%dma_start3A_96 : memref<40x48xf32, #tpu.memory_space<vmem>>) offsets(%dma_start3A_99 : memref<40xi32, #tpu.memory_space<vmem>>) semaphore(%arg17 : memref<!tpu.dma_semaphore, #tpu.memory_space<semaphore_mem>>)
    %dma_start3A_103 = arith.constant 8 : i32
    %dma_start3A_104 = arith.constant 8 : i32
    %dma_start3A_105 = arith.constant 0 : i32
    %dma_start3A_106 = arith.constant 0 : i32
    %dma_start3A_107 = tpu.memref_slice %arg8[%dma_start3A_104, %dma_start3A_105, %dma_start3A_106] : memref<10x40x48xf32, #tpu.memory_space<vmem>> -> memref<1x40x48xf32, #tpu.memory_space<vmem>>
    %dma_start3A_108 = tpu.memref_squeeze %dma_start3A_107 : memref<1x40x48xf32, #tpu.memory_space<vmem>> -> memref<40x48xf32, #tpu.memory_space<vmem>>
    %dma_start3A_109 = arith.constant 0 : i32
    %dma_start3A_110 = tpu.memref_slice %arg6[%dma_start3A_103, %dma_start3A_109] : memref<250x40xi32, #tpu.memory_space<vmem>> -> memref<1x40xi32, #tpu.memory_space<vmem>>
    %dma_start3A_111 = tpu.memref_squeeze %dma_start3A_110 : memref<1x40xi32, #tpu.memory_space<vmem>> -> memref<40xi32, #tpu.memory_space<vmem>>
    %dma_start3A_112 = arith.constant 0 : i32
    %dma_start3A_113 = arith.constant 0 : i32
    %dma_start3A_114 = tpu.memref_slice %arg3[%dma_start3A_112, %dma_start3A_113] : memref<10000x48xf32, #tpu.memory_space<hbm>> -> memref<10000x48xf32, #tpu.memory_space<hbm>>
    tpu.enqueue_indirect_dma source(%dma_start3A_114 : memref<10000x48xf32, #tpu.memory_space<hbm>>) target(%dma_start3A_108 : memref<40x48xf32, #tpu.memory_space<vmem>>) offsets(%dma_start3A_111 : memref<40xi32, #tpu.memory_space<vmem>>) semaphore(%arg18 : memref<!tpu.dma_semaphore, #tpu.memory_space<semaphore_mem>>)
    %dma_start3A_115 = arith.constant 9 : i32
    %dma_start3A_116 = arith.constant 9 : i32
    %dma_start3A_117 = arith.constant 0 : i32
    %dma_start3A_118 = arith.constant 0 : i32
    %dma_start3A_119 = tpu.memref_slice %arg8[%dma_start3A_116, %dma_start3A_117, %dma_start3A_118] : memref<10x40x48xf32, #tpu.memory_space<vmem>> -> memref<1x40x48xf32, #tpu.memory_space<vmem>>
    %dma_start3A_120 = tpu.memref_squeeze %dma_start3A_119 : memref<1x40x48xf32, #tpu.memory_space<vmem>> -> memref<40x48xf32, #tpu.memory_space<vmem>>
    %dma_start3A_121 = arith.constant 0 : i32
    %dma_start3A_122 = tpu.memref_slice %arg6[%dma_start3A_115, %dma_start3A_121] : memref<250x40xi32, #tpu.memory_space<vmem>> -> memref<1x40xi32, #tpu.memory_space<vmem>>
    %dma_start3A_123 = tpu.memref_squeeze %dma_start3A_122 : memref<1x40xi32, #tpu.memory_space<vmem>> -> memref<40xi32, #tpu.memory_space<vmem>>
    %dma_start3A_124 = arith.constant 0 : i32
    %dma_start3A_125 = arith.constant 0 : i32
    %dma_start3A_126 = tpu.memref_slice %arg3[%dma_start3A_124, %dma_start3A_125] : memref<10000x48xf32, #tpu.memory_space<hbm>> -> memref<10000x48xf32, #tpu.memory_space<hbm>>
    tpu.enqueue_indirect_dma source(%dma_start3A_126 : memref<10000x48xf32, #tpu.memory_space<hbm>>) target(%dma_start3A_120 : memref<40x48xf32, #tpu.memory_space<vmem>>) offsets(%dma_start3A_123 : memref<40xi32, #tpu.memory_space<vmem>>) semaphore(%arg19 : memref<!tpu.dma_semaphore, #tpu.memory_space<semaphore_mem>>)
    %scan3A = arith.constant 0 : i32
    %scan3A_127 = arith.constant 0 : i32
    %scan3A_128 = arith.constant 25 : i32
    %scan3A_129 = arith.addi %scan3A_127, %scan3A_128 : i32
    %scan3A_130 = arith.constant 1 : i32
    scf.for %scan3A_140 = %scan3A_127 to %scan3A_129 step %scan3A_130  : i32 {
      %mul3A_141 = arith.constant 10 : i32
      %mul3A_142 = arith.muli %scan3A_140, %mul3A_141 : i32
      %add3A_143 = arith.constant 0 : i32
      %add3A_144 = arith.addi %mul3A_142, %add3A_143 : i32
      %dma_wait3A = arith.constant 0 : i32
      %dma_wait3A_145 = arith.constant 0 : i32
      %dma_wait3A_146 = arith.constant 0 : i32
      %dma_wait3A_147 = tpu.memref_slice %arg8[%dma_wait3A, %dma_wait3A_145, %dma_wait3A_146] : memref<10x40x48xf32, #tpu.memory_space<vmem>> -> memref<1x40x48xf32, #tpu.memory_space<vmem>>
      %dma_wait3A_148 = tpu.memref_squeeze %dma_wait3A_147 : memref<1x40x48xf32, #tpu.memory_space<vmem>> -> memref<40x48xf32, #tpu.memory_space<vmem>>
      %dma_wait3A_149 = arith.constant 0 : i32
      %dma_wait3A_150 = tpu.memref_slice %arg6[%add3A_144, %dma_wait3A_149] : memref<250x40xi32, #tpu.memory_space<vmem>> -> memref<1x40xi32, #tpu.memory_space<vmem>>
      %dma_wait3A_151 = tpu.memref_squeeze %dma_wait3A_150 : memref<1x40xi32, #tpu.memory_space<vmem>> -> memref<40xi32, #tpu.memory_space<vmem>>
      %dma_wait3A_152 = arith.constant 0 : i32
      %dma_wait3A_153 = arith.constant 0 : i32
      %dma_wait3A_154 = tpu.memref_slice %arg3[%dma_wait3A_152, %dma_wait3A_153] : memref<10000x48xf32, #tpu.memory_space<hbm>> -> memref<10000x48xf32, #tpu.memory_space<hbm>>
      tpu.wait_indirect_dma semaphore(%arg10 : memref<!tpu.dma_semaphore, #tpu.memory_space<semaphore_mem>>) src(%dma_wait3A_154 : memref<10000x48xf32, #tpu.memory_space<hbm>>) dst(%dma_wait3A_148 : memref<40x48xf32, #tpu.memory_space<vmem>>)
      %run_scoped3A_155 = arith.constant 0 : i32
      "tpu.region"() ({
        %run_scoped3A_347 = tpu.sem_alloc : memref<!tpu.dma_semaphore, #tpu.memory_space<semaphore_mem>>
        %dma_start3A_348 = arith.constant 0 : i32
        %dma_start3A_349 = arith.constant 0 : i32
        %dma_start3A_350 = tpu.memref_slice %arg8[%run_scoped3A_155, %dma_start3A_348, %dma_start3A_349] : memref<10x40x48xf32, #tpu.memory_space<vmem>> -> memref<1x40x48xf32, #tpu.memory_space<vmem>>
        %dma_start3A_351 = tpu.memref_squeeze %dma_start3A_350 : memref<1x40x48xf32, #tpu.memory_space<vmem>> -> memref<40x48xf32, #tpu.memory_space<vmem>>
        %dma_start3A_352 = arith.constant 0 : i32
        %dma_start3A_353 = tpu.memref_slice %arg7[%add3A_144, %dma_start3A_352] : memref<250x40xi32, #tpu.memory_space<vmem>> -> memref<1x40xi32, #tpu.memory_space<vmem>>
        %dma_start3A_354 = tpu.memref_squeeze %dma_start3A_353 : memref<1x40xi32, #tpu.memory_space<vmem>> -> memref<40xi32, #tpu.memory_space<vmem>>
        %dma_start3A_355 = arith.constant 0 : i32
        %dma_start3A_356 = arith.constant 0 : i32
        %dma_start3A_357 = tpu.memref_slice %arg9[%dma_start3A_355, %dma_start3A_356] : memref<10112x48xf32, #tpu.memory_space<vmem_shared>> -> memref<10112x48xf32, #tpu.memory_space<vmem_shared>>
        tpu.enqueue_indirect_dma source(%dma_start3A_351 : memref<40x48xf32, #tpu.memory_space<vmem>>) target(%dma_start3A_357 : memref<10112x48xf32, #tpu.memory_space<vmem_shared>>) offsets(%dma_start3A_354 : memref<40xi32, #tpu.memory_space<vmem>>) semaphore(%run_scoped3A_347 : memref<!tpu.dma_semaphore, #tpu.memory_space<semaphore_mem>>) {add = true}
        %dma_wait3A_358 = arith.constant 0 : i32
        %dma_wait3A_359 = arith.constant 0 : i32
        %dma_wait3A_360 = tpu.memref_slice %arg8[%run_scoped3A_155, %dma_wait3A_358, %dma_wait3A_359] : memref<10x40x48xf32, #tpu.memory_space<vmem>> -> memref<1x40x48xf32, #tpu.memory_space<vmem>>
        %dma_wait3A_361 = tpu.memref_squeeze %dma_wait3A_360 : memref<1x40x48xf32, #tpu.memory_space<vmem>> -> memref<40x48xf32, #tpu.memory_space<vmem>>
        %dma_wait3A_362 = arith.constant 0 : i32
        %dma_wait3A_363 = tpu.memref_slice %arg7[%add3A_144, %dma_wait3A_362] : memref<250x40xi32, #tpu.memory_space<vmem>> -> memref<1x40xi32, #tpu.memory_space<vmem>>
        %dma_wait3A_364 = tpu.memref_squeeze %dma_wait3A_363 : memref<1x40xi32, #tpu.memory_space<vmem>> -> memref<40xi32, #tpu.memory_space<vmem>>
        %dma_wait3A_365 = arith.constant 0 : i32
        %dma_wait3A_366 = arith.constant 0 : i32
        %dma_wait3A_367 = tpu.memref_slice %arg9[%dma_wait3A_365, %dma_wait3A_366] : memref<10112x48xf32, #tpu.memory_space<vmem_shared>> -> memref<10112x48xf32, #tpu.memory_space<vmem_shared>>
        tpu.wait_indirect_dma semaphore(%run_scoped3A_347 : memref<!tpu.dma_semaphore, #tpu.memory_space<semaphore_mem>>) src(%dma_wait3A_361 : memref<40x48xf32, #tpu.memory_space<vmem>>) dst(%dma_wait3A_367 : memref<10112x48xf32, #tpu.memory_space<vmem_shared>>)
        tpu.yield
      }) : () -> ()
      %lt3A = arith.constant 24 : i32
      %lt3A_156 = arith.cmpi slt, %scan3A_140, %lt3A : i32
      %convert_element_type3A = arith.extui %lt3A_156 : i1 to i32
      %cond3A = arith.constant 0 : i32
      %cond3A_157 = arith.cmpi ne, %convert_element_type3A, %cond3A : i32
      scf.if %cond3A_157 {
        %add3A_347 = arith.constant 10 : i32
        %add3A_348 = arith.addi %add3A_144, %add3A_347 : i32
        %dma_start3A_349 = arith.constant 0 : i32
        %dma_start3A_350 = arith.constant 0 : i32
        %dma_start3A_351 = arith.constant 0 : i32
        %dma_start3A_352 = tpu.memref_slice %arg8[%dma_start3A_349, %dma_start3A_350, %dma_start3A_351] : memref<10x40x48xf32, #tpu.memory_space<vmem>> -> memref<1x40x48xf32, #tpu.memory_space<vmem>>
        %dma_start3A_353 = tpu.memref_squeeze %dma_start3A_352 : memref<1x40x48xf32, #tpu.memory_space<vmem>> -> memref<40x48xf32, #tpu.memory_space<vmem>>
        %dma_start3A_354 = arith.constant 0 : i32
        %dma_start3A_355 = tpu.memref_slice %arg6[%add3A_348, %dma_start3A_354] : memref<250x40xi32, #tpu.memory_space<vmem>> -> memref<1x40xi32, #tpu.memory_space<vmem>>
        %dma_start3A_356 = tpu.memref_squeeze %dma_start3A_355 : memref<1x40xi32, #tpu.memory_space<vmem>> -> memref<40xi32, #tpu.memory_space<vmem>>
        %dma_start3A_357 = arith.constant 0 : i32
        %dma_start3A_358 = arith.constant 0 : i32
        %dma_start3A_359 = tpu.memref_slice %arg3[%dma_start3A_357, %dma_start3A_358] : memref<10000x48xf32, #tpu.memory_space<hbm>> -> memref<10000x48xf32, #tpu.memory_space<hbm>>
        tpu.enqueue_indirect_dma source(%dma_start3A_359 : memref<10000x48xf32, #tpu.memory_space<hbm>>) target(%dma_start3A_353 : memref<40x48xf32, #tpu.memory_space<vmem>>) offsets(%dma_start3A_356 : memref<40xi32, #tpu.memory_space<vmem>>) semaphore(%arg10 : memref<!tpu.dma_semaphore, #tpu.memory_space<semaphore_mem>>)
      } else {
      }
      %mul3A_158 = arith.constant 10 : i32
      %mul3A_159 = arith.muli %scan3A_140, %mul3A_158 : i32
      %add3A_160 = arith.constant 1 : i32
      %add3A_161 = arith.addi %mul3A_159, %add3A_160 : i32
      %dma_wait3A_162 = arith.constant 1 : i32
      %dma_wait3A_163 = arith.constant 0 : i32
      %dma_wait3A_164 = arith.constant 0 : i32
      %dma_wait3A_165 = tpu.memref_slice %arg8[%dma_wait3A_162, %dma_wait3A_163, %dma_wait3A_164] : memref<10x40x48xf32, #tpu.memory_space<vmem>> -> memref<1x40x48xf32, #tpu.memory_space<vmem>>
      %dma_wait3A_166 = tpu.memref_squeeze %dma_wait3A_165 : memref<1x40x48xf32, #tpu.memory_space<vmem>> -> memref<40x48xf32, #tpu.memory_space<vmem>>
      %dma_wait3A_167 = arith.constant 0 : i32
      %dma_wait3A_168 = tpu.memref_slice %arg6[%add3A_161, %dma_wait3A_167] : memref<250x40xi32, #tpu.memory_space<vmem>> -> memref<1x40xi32, #tpu.memory_space<vmem>>
      %dma_wait3A_169 = tpu.memref_squeeze %dma_wait3A_168 : memref<1x40xi32, #tpu.memory_space<vmem>> -> memref<40xi32, #tpu.memory_space<vmem>>
      %dma_wait3A_170 = arith.constant 0 : i32
      %dma_wait3A_171 = arith.constant 0 : i32
      %dma_wait3A_172 = tpu.memref_slice %arg3[%dma_wait3A_170, %dma_wait3A_171] : memref<10000x48xf32, #tpu.memory_space<hbm>> -> memref<10000x48xf32, #tpu.memory_space<hbm>>
      tpu.wait_indirect_dma semaphore(%arg11 : memref<!tpu.dma_semaphore, #tpu.memory_space<semaphore_mem>>) src(%dma_wait3A_172 : memref<10000x48xf32, #tpu.memory_space<hbm>>) dst(%dma_wait3A_166 : memref<40x48xf32, #tpu.memory_space<vmem>>)
      %run_scoped3A_173 = arith.constant 1 : i32
      "tpu.region"() ({
        %run_scoped3A_347 = tpu.sem_alloc : memref<!tpu.dma_semaphore, #tpu.memory_space<semaphore_mem>>
        %dma_start3A_348 = arith.constant 0 : i32
        %dma_start3A_349 = arith.constant 0 : i32
        %dma_start3A_350 = tpu.memref_slice %arg8[%run_scoped3A_173, %dma_start3A_348, %dma_start3A_349] : memref<10x40x48xf32, #tpu.memory_space<vmem>> -> memref<1x40x48xf32, #tpu.memory_space<vmem>>
        %dma_start3A_351 = tpu.memref_squeeze %dma_start3A_350 : memref<1x40x48xf32, #tpu.memory_space<vmem>> -> memref<40x48xf32, #tpu.memory_space<vmem>>
        %dma_start3A_352 = arith.constant 0 : i32
        %dma_start3A_353 = tpu.memref_slice %arg7[%add3A_161, %dma_start3A_352] : memref<250x40xi32, #tpu.memory_space<vmem>> -> memref<1x40xi32, #tpu.memory_space<vmem>>
        %dma_start3A_354 = tpu.memref_squeeze %dma_start3A_353 : memref<1x40xi32, #tpu.memory_space<vmem>> -> memref<40xi32, #tpu.memory_space<vmem>>
        %dma_start3A_355 = arith.constant 0 : i32
        %dma_start3A_356 = arith.constant 0 : i32
        %dma_start3A_357 = tpu.memref_slice %arg9[%dma_start3A_355, %dma_start3A_356] : memref<10112x48xf32, #tpu.memory_space<vmem_shared>> -> memref<10112x48xf32, #tpu.memory_space<vmem_shared>>
        tpu.enqueue_indirect_dma source(%dma_start3A_351 : memref<40x48xf32, #tpu.memory_space<vmem>>) target(%dma_start3A_357 : memref<10112x48xf32, #tpu.memory_space<vmem_shared>>) offsets(%dma_start3A_354 : memref<40xi32, #tpu.memory_space<vmem>>) semaphore(%run_scoped3A_347 : memref<!tpu.dma_semaphore, #tpu.memory_space<semaphore_mem>>) {add = true}
        %dma_wait3A_358 = arith.constant 0 : i32
        %dma_wait3A_359 = arith.constant 0 : i32
        %dma_wait3A_360 = tpu.memref_slice %arg8[%run_scoped3A_173, %dma_wait3A_358, %dma_wait3A_359] : memref<10x40x48xf32, #tpu.memory_space<vmem>> -> memref<1x40x48xf32, #tpu.memory_space<vmem>>
        %dma_wait3A_361 = tpu.memref_squeeze %dma_wait3A_360 : memref<1x40x48xf32, #tpu.memory_space<vmem>> -> memref<40x48xf32, #tpu.memory_space<vmem>>
        %dma_wait3A_362 = arith.constant 0 : i32
        %dma_wait3A_363 = tpu.memref_slice %arg7[%add3A_161, %dma_wait3A_362] : memref<250x40xi32, #tpu.memory_space<vmem>> -> memref<1x40xi32, #tpu.memory_space<vmem>>
        %dma_wait3A_364 = tpu.memref_squeeze %dma_wait3A_363 : memref<1x40xi32, #tpu.memory_space<vmem>> -> memref<40xi32, #tpu.memory_space<vmem>>
        %dma_wait3A_365 = arith.constant 0 : i32
        %dma_wait3A_366 = arith.constant 0 : i32
        %dma_wait3A_367 = tpu.memref_slice %arg9[%dma_wait3A_365, %dma_wait3A_366] : memref<10112x48xf32, #tpu.memory_space<vmem_shared>> -> memref<10112x48xf32, #tpu.memory_space<vmem_shared>>
        tpu.wait_indirect_dma semaphore(%run_scoped3A_347 : memref<!tpu.dma_semaphore, #tpu.memory_space<semaphore_mem>>) src(%dma_wait3A_361 : memref<40x48xf32, #tpu.memory_space<vmem>>) dst(%dma_wait3A_367 : memref<10112x48xf32, #tpu.memory_space<vmem_shared>>)
        tpu.yield
      }) : () -> ()
      %lt3A_174 = arith.constant 24 : i32
      %lt3A_175 = arith.cmpi slt, %scan3A_140, %lt3A_174 : i32
      %convert_element_type3A_176 = arith.extui %lt3A_175 : i1 to i32
      %cond3A_177 = arith.constant 0 : i32
      %cond3A_178 = arith.cmpi ne, %convert_element_type3A_176, %cond3A_177 : i32
      scf.if %cond3A_178 {
        %add3A_347 = arith.constant 10 : i32
        %add3A_348 = arith.addi %add3A_161, %add3A_347 : i32
        %dma_start3A_349 = arith.constant 1 : i32
        %dma_start3A_350 = arith.constant 0 : i32
        %dma_start3A_351 = arith.constant 0 : i32
        %dma_start3A_352 = tpu.memref_slice %arg8[%dma_start3A_349, %dma_start3A_350, %dma_start3A_351] : memref<10x40x48xf32, #tpu.memory_space<vmem>> -> memref<1x40x48xf32, #tpu.memory_space<vmem>>
        %dma_start3A_353 = tpu.memref_squeeze %dma_start3A_352 : memref<1x40x48xf32, #tpu.memory_space<vmem>> -> memref<40x48xf32, #tpu.memory_space<vmem>>
        %dma_start3A_354 = arith.constant 0 : i32
        %dma_start3A_355 = tpu.memref_slice %arg6[%add3A_348, %dma_start3A_354] : memref<250x40xi32, #tpu.memory_space<vmem>> -> memref<1x40xi32, #tpu.memory_space<vmem>>
        %dma_start3A_356 = tpu.memref_squeeze %dma_start3A_355 : memref<1x40xi32, #tpu.memory_space<vmem>> -> memref<40xi32, #tpu.memory_space<vmem>>
        %dma_start3A_357 = arith.constant 0 : i32
        %dma_start3A_358 = arith.constant 0 : i32
        %dma_start3A_359 = tpu.memref_slice %arg3[%dma_start3A_357, %dma_start3A_358] : memref<10000x48xf32, #tpu.memory_space<hbm>> -> memref<10000x48xf32, #tpu.memory_space<hbm>>
        tpu.enqueue_indirect_dma source(%dma_start3A_359 : memref<10000x48xf32, #tpu.memory_space<hbm>>) target(%dma_start3A_353 : memref<40x48xf32, #tpu.memory_space<vmem>>) offsets(%dma_start3A_356 : memref<40xi32, #tpu.memory_space<vmem>>) semaphore(%arg11 : memref<!tpu.dma_semaphore, #tpu.memory_space<semaphore_mem>>)
      } else {
      }
      %mul3A_179 = arith.constant 10 : i32
      %mul3A_180 = arith.muli %scan3A_140, %mul3A_179 : i32
      %add3A_181 = arith.constant 2 : i32
      %add3A_182 = arith.addi %mul3A_180, %add3A_181 : i32
      %dma_wait3A_183 = arith.constant 2 : i32
      %dma_wait3A_184 = arith.constant 0 : i32
      %dma_wait3A_185 = arith.constant 0 : i32
      %dma_wait3A_186 = tpu.memref_slice %arg8[%dma_wait3A_183, %dma_wait3A_184, %dma_wait3A_185] : memref<10x40x48xf32, #tpu.memory_space<vmem>> -> memref<1x40x48xf32, #tpu.memory_space<vmem>>
      %dma_wait3A_187 = tpu.memref_squeeze %dma_wait3A_186 : memref<1x40x48xf32, #tpu.memory_space<vmem>> -> memref<40x48xf32, #tpu.memory_space<vmem>>
      %dma_wait3A_188 = arith.constant 0 : i32
      %dma_wait3A_189 = tpu.memref_slice %arg6[%add3A_182, %dma_wait3A_188] : memref<250x40xi32, #tpu.memory_space<vmem>> -> memref<1x40xi32, #tpu.memory_space<vmem>>
      %dma_wait3A_190 = tpu.memref_squeeze %dma_wait3A_189 : memref<1x40xi32, #tpu.memory_space<vmem>> -> memref<40xi32, #tpu.memory_space<vmem>>
      %dma_wait3A_191 = arith.constant 0 : i32
      %dma_wait3A_192 = arith.constant 0 : i32
      %dma_wait3A_193 = tpu.memref_slice %arg3[%dma_wait3A_191, %dma_wait3A_192] : memref<10000x48xf32, #tpu.memory_space<hbm>> -> memref<10000x48xf32, #tpu.memory_space<hbm>>
      tpu.wait_indirect_dma semaphore(%arg12 : memref<!tpu.dma_semaphore, #tpu.memory_space<semaphore_mem>>) src(%dma_wait3A_193 : memref<10000x48xf32, #tpu.memory_space<hbm>>) dst(%dma_wait3A_187 : memref<40x48xf32, #tpu.memory_space<vmem>>)
      %run_scoped3A_194 = arith.constant 2 : i32
      "tpu.region"() ({
        %run_scoped3A_347 = tpu.sem_alloc : memref<!tpu.dma_semaphore, #tpu.memory_space<semaphore_mem>>
        %dma_start3A_348 = arith.constant 0 : i32
        %dma_start3A_349 = arith.constant 0 : i32
        %dma_start3A_350 = tpu.memref_slice %arg8[%run_scoped3A_194, %dma_start3A_348, %dma_start3A_349] : memref<10x40x48xf32, #tpu.memory_space<vmem>> -> memref<1x40x48xf32, #tpu.memory_space<vmem>>
        %dma_start3A_351 = tpu.memref_squeeze %dma_start3A_350 : memref<1x40x48xf32, #tpu.memory_space<vmem>> -> memref<40x48xf32, #tpu.memory_space<vmem>>
        %dma_start3A_352 = arith.constant 0 : i32
        %dma_start3A_353 = tpu.memref_slice %arg7[%add3A_182, %dma_start3A_352] : memref<250x40xi32, #tpu.memory_space<vmem>> -> memref<1x40xi32, #tpu.memory_space<vmem>>
        %dma_start3A_354 = tpu.memref_squeeze %dma_start3A_353 : memref<1x40xi32, #tpu.memory_space<vmem>> -> memref<40xi32, #tpu.memory_space<vmem>>
        %dma_start3A_355 = arith.constant 0 : i32
        %dma_start3A_356 = arith.constant 0 : i32
        %dma_start3A_357 = tpu.memref_slice %arg9[%dma_start3A_355, %dma_start3A_356] : memref<10112x48xf32, #tpu.memory_space<vmem_shared>> -> memref<10112x48xf32, #tpu.memory_space<vmem_shared>>
        tpu.enqueue_indirect_dma source(%dma_start3A_351 : memref<40x48xf32, #tpu.memory_space<vmem>>) target(%dma_start3A_357 : memref<10112x48xf32, #tpu.memory_space<vmem_shared>>) offsets(%dma_start3A_354 : memref<40xi32, #tpu.memory_space<vmem>>) semaphore(%run_scoped3A_347 : memref<!tpu.dma_semaphore, #tpu.memory_space<semaphore_mem>>) {add = true}
        %dma_wait3A_358 = arith.constant 0 : i32
        %dma_wait3A_359 = arith.constant 0 : i32
        %dma_wait3A_360 = tpu.memref_slice %arg8[%run_scoped3A_194, %dma_wait3A_358, %dma_wait3A_359] : memref<10x40x48xf32, #tpu.memory_space<vmem>> -> memref<1x40x48xf32, #tpu.memory_space<vmem>>
        %dma_wait3A_361 = tpu.memref_squeeze %dma_wait3A_360 : memref<1x40x48xf32, #tpu.memory_space<vmem>> -> memref<40x48xf32, #tpu.memory_space<vmem>>
        %dma_wait3A_362 = arith.constant 0 : i32
        %dma_wait3A_363 = tpu.memref_slice %arg7[%add3A_182, %dma_wait3A_362] : memref<250x40xi32, #tpu.memory_space<vmem>> -> memref<1x40xi32, #tpu.memory_space<vmem>>
        %dma_wait3A_364 = tpu.memref_squeeze %dma_wait3A_363 : memref<1x40xi32, #tpu.memory_space<vmem>> -> memref<40xi32, #tpu.memory_space<vmem>>
        %dma_wait3A_365 = arith.constant 0 : i32
        %dma_wait3A_366 = arith.constant 0 : i32
        %dma_wait3A_367 = tpu.memref_slice %arg9[%dma_wait3A_365, %dma_wait3A_366] : memref<10112x48xf32, #tpu.memory_space<vmem_shared>> -> memref<10112x48xf32, #tpu.memory_space<vmem_shared>>
        tpu.wait_indirect_dma semaphore(%run_scoped3A_347 : memref<!tpu.dma_semaphore, #tpu.memory_space<semaphore_mem>>) src(%dma_wait3A_361 : memref<40x48xf32, #tpu.memory_space<vmem>>) dst(%dma_wait3A_367 : memref<10112x48xf32, #tpu.memory_space<vmem_shared>>)
        tpu.yield
      }) : () -> ()
      %lt3A_195 = arith.constant 24 : i32
      %lt3A_196 = arith.cmpi slt, %scan3A_140, %lt3A_195 : i32
      %convert_element_type3A_197 = arith.extui %lt3A_196 : i1 to i32
      %cond3A_198 = arith.constant 0 : i32
      %cond3A_199 = arith.cmpi ne, %convert_element_type3A_197, %cond3A_198 : i32
      scf.if %cond3A_199 {
        %add3A_347 = arith.constant 10 : i32
        %add3A_348 = arith.addi %add3A_182, %add3A_347 : i32
        %dma_start3A_349 = arith.constant 2 : i32
        %dma_start3A_350 = arith.constant 0 : i32
        %dma_start3A_351 = arith.constant 0 : i32
        %dma_start3A_352 = tpu.memref_slice %arg8[%dma_start3A_349, %dma_start3A_350, %dma_start3A_351] : memref<10x40x48xf32, #tpu.memory_space<vmem>> -> memref<1x40x48xf32, #tpu.memory_space<vmem>>
        %dma_start3A_353 = tpu.memref_squeeze %dma_start3A_352 : memref<1x40x48xf32, #tpu.memory_space<vmem>> -> memref<40x48xf32, #tpu.memory_space<vmem>>
        %dma_start3A_354 = arith.constant 0 : i32
        %dma_start3A_355 = tpu.memref_slice %arg6[%add3A_348, %dma_start3A_354] : memref<250x40xi32, #tpu.memory_space<vmem>> -> memref<1x40xi32, #tpu.memory_space<vmem>>
        %dma_start3A_356 = tpu.memref_squeeze %dma_start3A_355 : memref<1x40xi32, #tpu.memory_space<vmem>> -> memref<40xi32, #tpu.memory_space<vmem>>
        %dma_start3A_357 = arith.constant 0 : i32
        %dma_start3A_358 = arith.constant 0 : i32
        %dma_start3A_359 = tpu.memref_slice %arg3[%dma_start3A_357, %dma_start3A_358] : memref<10000x48xf32, #tpu.memory_space<hbm>> -> memref<10000x48xf32, #tpu.memory_space<hbm>>
        tpu.enqueue_indirect_dma source(%dma_start3A_359 : memref<10000x48xf32, #tpu.memory_space<hbm>>) target(%dma_start3A_353 : memref<40x48xf32, #tpu.memory_space<vmem>>) offsets(%dma_start3A_356 : memref<40xi32, #tpu.memory_space<vmem>>) semaphore(%arg12 : memref<!tpu.dma_semaphore, #tpu.memory_space<semaphore_mem>>)
      } else {
      }
      %mul3A_200 = arith.constant 10 : i32
      %mul3A_201 = arith.muli %scan3A_140, %mul3A_200 : i32
      %add3A_202 = arith.constant 3 : i32
      %add3A_203 = arith.addi %mul3A_201, %add3A_202 : i32
      %dma_wait3A_204 = arith.constant 3 : i32
      %dma_wait3A_205 = arith.constant 0 : i32
      %dma_wait3A_206 = arith.constant 0 : i32
      %dma_wait3A_207 = tpu.memref_slice %arg8[%dma_wait3A_204, %dma_wait3A_205, %dma_wait3A_206] : memref<10x40x48xf32, #tpu.memory_space<vmem>> -> memref<1x40x48xf32, #tpu.memory_space<vmem>>
      %dma_wait3A_208 = tpu.memref_squeeze %dma_wait3A_207 : memref<1x40x48xf32, #tpu.memory_space<vmem>> -> memref<40x48xf32, #tpu.memory_space<vmem>>
      %dma_wait3A_209 = arith.constant 0 : i32
      %dma_wait3A_210 = tpu.memref_slice %arg6[%add3A_203, %dma_wait3A_209] : memref<250x40xi32, #tpu.memory_space<vmem>> -> memref<1x40xi32, #tpu.memory_space<vmem>>
      %dma_wait3A_211 = tpu.memref_squeeze %dma_wait3A_210 : memref<1x40xi32, #tpu.memory_space<vmem>> -> memref<40xi32, #tpu.memory_space<vmem>>
      %dma_wait3A_212 = arith.constant 0 : i32
      %dma_wait3A_213 = arith.constant 0 : i32
      %dma_wait3A_214 = tpu.memref_slice %arg3[%dma_wait3A_212, %dma_wait3A_213] : memref<10000x48xf32, #tpu.memory_space<hbm>> -> memref<10000x48xf32, #tpu.memory_space<hbm>>
      tpu.wait_indirect_dma semaphore(%arg13 : memref<!tpu.dma_semaphore, #tpu.memory_space<semaphore_mem>>) src(%dma_wait3A_214 : memref<10000x48xf32, #tpu.memory_space<hbm>>) dst(%dma_wait3A_208 : memref<40x48xf32, #tpu.memory_space<vmem>>)
      %run_scoped3A_215 = arith.constant 3 : i32
      "tpu.region"() ({
        %run_scoped3A_347 = tpu.sem_alloc : memref<!tpu.dma_semaphore, #tpu.memory_space<semaphore_mem>>
        %dma_start3A_348 = arith.constant 0 : i32
        %dma_start3A_349 = arith.constant 0 : i32
        %dma_start3A_350 = tpu.memref_slice %arg8[%run_scoped3A_215, %dma_start3A_348, %dma_start3A_349] : memref<10x40x48xf32, #tpu.memory_space<vmem>> -> memref<1x40x48xf32, #tpu.memory_space<vmem>>
        %dma_start3A_351 = tpu.memref_squeeze %dma_start3A_350 : memref<1x40x48xf32, #tpu.memory_space<vmem>> -> memref<40x48xf32, #tpu.memory_space<vmem>>
        %dma_start3A_352 = arith.constant 0 : i32
        %dma_start3A_353 = tpu.memref_slice %arg7[%add3A_203, %dma_start3A_352] : memref<250x40xi32, #tpu.memory_space<vmem>> -> memref<1x40xi32, #tpu.memory_space<vmem>>
        %dma_start3A_354 = tpu.memref_squeeze %dma_start3A_353 : memref<1x40xi32, #tpu.memory_space<vmem>> -> memref<40xi32, #tpu.memory_space<vmem>>
        %dma_start3A_355 = arith.constant 0 : i32
        %dma_start3A_356 = arith.constant 0 : i32
        %dma_start3A_357 = tpu.memref_slice %arg9[%dma_start3A_355, %dma_start3A_356] : memref<10112x48xf32, #tpu.memory_space<vmem_shared>> -> memref<10112x48xf32, #tpu.memory_space<vmem_shared>>
        tpu.enqueue_indirect_dma source(%dma_start3A_351 : memref<40x48xf32, #tpu.memory_space<vmem>>) target(%dma_start3A_357 : memref<10112x48xf32, #tpu.memory_space<vmem_shared>>) offsets(%dma_start3A_354 : memref<40xi32, #tpu.memory_space<vmem>>) semaphore(%run_scoped3A_347 : memref<!tpu.dma_semaphore, #tpu.memory_space<semaphore_mem>>) {add = true}
        %dma_wait3A_358 = arith.constant 0 : i32
        %dma_wait3A_359 = arith.constant 0 : i32
        %dma_wait3A_360 = tpu.memref_slice %arg8[%run_scoped3A_215, %dma_wait3A_358, %dma_wait3A_359] : memref<10x40x48xf32, #tpu.memory_space<vmem>> -> memref<1x40x48xf32, #tpu.memory_space<vmem>>
        %dma_wait3A_361 = tpu.memref_squeeze %dma_wait3A_360 : memref<1x40x48xf32, #tpu.memory_space<vmem>> -> memref<40x48xf32, #tpu.memory_space<vmem>>
        %dma_wait3A_362 = arith.constant 0 : i32
        %dma_wait3A_363 = tpu.memref_slice %arg7[%add3A_203, %dma_wait3A_362] : memref<250x40xi32, #tpu.memory_space<vmem>> -> memref<1x40xi32, #tpu.memory_space<vmem>>
        %dma_wait3A_364 = tpu.memref_squeeze %dma_wait3A_363 : memref<1x40xi32, #tpu.memory_space<vmem>> -> memref<40xi32, #tpu.memory_space<vmem>>
        %dma_wait3A_365 = arith.constant 0 : i32
        %dma_wait3A_366 = arith.constant 0 : i32
        %dma_wait3A_367 = tpu.memref_slice %arg9[%dma_wait3A_365, %dma_wait3A_366] : memref<10112x48xf32, #tpu.memory_space<vmem_shared>> -> memref<10112x48xf32, #tpu.memory_space<vmem_shared>>
        tpu.wait_indirect_dma semaphore(%run_scoped3A_347 : memref<!tpu.dma_semaphore, #tpu.memory_space<semaphore_mem>>) src(%dma_wait3A_361 : memref<40x48xf32, #tpu.memory_space<vmem>>) dst(%dma_wait3A_367 : memref<10112x48xf32, #tpu.memory_space<vmem_shared>>)
        tpu.yield
      }) : () -> ()
      %lt3A_216 = arith.constant 24 : i32
      %lt3A_217 = arith.cmpi slt, %scan3A_140, %lt3A_216 : i32
      %convert_element_type3A_218 = arith.extui %lt3A_217 : i1 to i32
      %cond3A_219 = arith.constant 0 : i32
      %cond3A_220 = arith.cmpi ne, %convert_element_type3A_218, %cond3A_219 : i32
      scf.if %cond3A_220 {
        %add3A_347 = arith.constant 10 : i32
        %add3A_348 = arith.addi %add3A_203, %add3A_347 : i32
        %dma_start3A_349 = arith.constant 3 : i32
        %dma_start3A_350 = arith.constant 0 : i32
        %dma_start3A_351 = arith.constant 0 : i32
        %dma_start3A_352 = tpu.memref_slice %arg8[%dma_start3A_349, %dma_start3A_350, %dma_start3A_351] : memref<10x40x48xf32, #tpu.memory_space<vmem>> -> memref<1x40x48xf32, #tpu.memory_space<vmem>>
        %dma_start3A_353 = tpu.memref_squeeze %dma_start3A_352 : memref<1x40x48xf32, #tpu.memory_space<vmem>> -> memref<40x48xf32, #tpu.memory_space<vmem>>
        %dma_start3A_354 = arith.constant 0 : i32
        %dma_start3A_355 = tpu.memref_slice %arg6[%add3A_348, %dma_start3A_354] : memref<250x40xi32, #tpu.memory_space<vmem>> -> memref<1x40xi32, #tpu.memory_space<vmem>>
        %dma_start3A_356 = tpu.memref_squeeze %dma_start3A_355 : memref<1x40xi32, #tpu.memory_space<vmem>> -> memref<40xi32, #tpu.memory_space<vmem>>
        %dma_start3A_357 = arith.constant 0 : i32
        %dma_start3A_358 = arith.constant 0 : i32
        %dma_start3A_359 = tpu.memref_slice %arg3[%dma_start3A_357, %dma_start3A_358] : memref<10000x48xf32, #tpu.memory_space<hbm>> -> memref<10000x48xf32, #tpu.memory_space<hbm>>
        tpu.enqueue_indirect_dma source(%dma_start3A_359 : memref<10000x48xf32, #tpu.memory_space<hbm>>) target(%dma_start3A_353 : memref<40x48xf32, #tpu.memory_space<vmem>>) offsets(%dma_start3A_356 : memref<40xi32, #tpu.memory_space<vmem>>) semaphore(%arg13 : memref<!tpu.dma_semaphore, #tpu.memory_space<semaphore_mem>>)
      } else {
      }
      %mul3A_221 = arith.constant 10 : i32
      %mul3A_222 = arith.muli %scan3A_140, %mul3A_221 : i32
      %add3A_223 = arith.constant 4 : i32
      %add3A_224 = arith.addi %mul3A_222, %add3A_223 : i32
      %dma_wait3A_225 = arith.constant 4 : i32
      %dma_wait3A_226 = arith.constant 0 : i32
      %dma_wait3A_227 = arith.constant 0 : i32
      %dma_wait3A_228 = tpu.memref_slice %arg8[%dma_wait3A_225, %dma_wait3A_226, %dma_wait3A_227] : memref<10x40x48xf32, #tpu.memory_space<vmem>> -> memref<1x40x48xf32, #tpu.memory_space<vmem>>
      %dma_wait3A_229 = tpu.memref_squeeze %dma_wait3A_228 : memref<1x40x48xf32, #tpu.memory_space<vmem>> -> memref<40x48xf32, #tpu.memory_space<vmem>>
      %dma_wait3A_230 = arith.constant 0 : i32
      %dma_wait3A_231 = tpu.memref_slice %arg6[%add3A_224, %dma_wait3A_230] : memref<250x40xi32, #tpu.memory_space<vmem>> -> memref<1x40xi32, #tpu.memory_space<vmem>>
      %dma_wait3A_232 = tpu.memref_squeeze %dma_wait3A_231 : memref<1x40xi32, #tpu.memory_space<vmem>> -> memref<40xi32, #tpu.memory_space<vmem>>
      %dma_wait3A_233 = arith.constant 0 : i32
      %dma_wait3A_234 = arith.constant 0 : i32
      %dma_wait3A_235 = tpu.memref_slice %arg3[%dma_wait3A_233, %dma_wait3A_234] : memref<10000x48xf32, #tpu.memory_space<hbm>> -> memref<10000x48xf32, #tpu.memory_space<hbm>>
      tpu.wait_indirect_dma semaphore(%arg14 : memref<!tpu.dma_semaphore, #tpu.memory_space<semaphore_mem>>) src(%dma_wait3A_235 : memref<10000x48xf32, #tpu.memory_space<hbm>>) dst(%dma_wait3A_229 : memref<40x48xf32, #tpu.memory_space<vmem>>)
      %run_scoped3A_236 = arith.constant 4 : i32
      "tpu.region"() ({
        %run_scoped3A_347 = tpu.sem_alloc : memref<!tpu.dma_semaphore, #tpu.memory_space<semaphore_mem>>
        %dma_start3A_348 = arith.constant 0 : i32
        %dma_start3A_349 = arith.constant 0 : i32
        %dma_start3A_350 = tpu.memref_slice %arg8[%run_scoped3A_236, %dma_start3A_348, %dma_start3A_349] : memref<10x40x48xf32, #tpu.memory_space<vmem>> -> memref<1x40x48xf32, #tpu.memory_space<vmem>>
        %dma_start3A_351 = tpu.memref_squeeze %dma_start3A_350 : memref<1x40x48xf32, #tpu.memory_space<vmem>> -> memref<40x48xf32, #tpu.memory_space<vmem>>
        %dma_start3A_352 = arith.constant 0 : i32
        %dma_start3A_353 = tpu.memref_slice %arg7[%add3A_224, %dma_start3A_352] : memref<250x40xi32, #tpu.memory_space<vmem>> -> memref<1x40xi32, #tpu.memory_space<vmem>>
        %dma_start3A_354 = tpu.memref_squeeze %dma_start3A_353 : memref<1x40xi32, #tpu.memory_space<vmem>> -> memref<40xi32, #tpu.memory_space<vmem>>
        %dma_start3A_355 = arith.constant 0 : i32
        %dma_start3A_356 = arith.constant 0 : i32
        %dma_start3A_357 = tpu.memref_slice %arg9[%dma_start3A_355, %dma_start3A_356] : memref<10112x48xf32, #tpu.memory_space<vmem_shared>> -> memref<10112x48xf32, #tpu.memory_space<vmem_shared>>
        tpu.enqueue_indirect_dma source(%dma_start3A_351 : memref<40x48xf32, #tpu.memory_space<vmem>>) target(%dma_start3A_357 : memref<10112x48xf32, #tpu.memory_space<vmem_shared>>) offsets(%dma_start3A_354 : memref<40xi32, #tpu.memory_space<vmem>>) semaphore(%run_scoped3A_347 : memref<!tpu.dma_semaphore, #tpu.memory_space<semaphore_mem>>) {add = true}
        %dma_wait3A_358 = arith.constant 0 : i32
        %dma_wait3A_359 = arith.constant 0 : i32
        %dma_wait3A_360 = tpu.memref_slice %arg8[%run_scoped3A_236, %dma_wait3A_358, %dma_wait3A_359] : memref<10x40x48xf32, #tpu.memory_space<vmem>> -> memref<1x40x48xf32, #tpu.memory_space<vmem>>
        %dma_wait3A_361 = tpu.memref_squeeze %dma_wait3A_360 : memref<1x40x48xf32, #tpu.memory_space<vmem>> -> memref<40x48xf32, #tpu.memory_space<vmem>>
        %dma_wait3A_362 = arith.constant 0 : i32
        %dma_wait3A_363 = tpu.memref_slice %arg7[%add3A_224, %dma_wait3A_362] : memref<250x40xi32, #tpu.memory_space<vmem>> -> memref<1x40xi32, #tpu.memory_space<vmem>>
        %dma_wait3A_364 = tpu.memref_squeeze %dma_wait3A_363 : memref<1x40xi32, #tpu.memory_space<vmem>> -> memref<40xi32, #tpu.memory_space<vmem>>
        %dma_wait3A_365 = arith.constant 0 : i32
        %dma_wait3A_366 = arith.constant 0 : i32
        %dma_wait3A_367 = tpu.memref_slice %arg9[%dma_wait3A_365, %dma_wait3A_366] : memref<10112x48xf32, #tpu.memory_space<vmem_shared>> -> memref<10112x48xf32, #tpu.memory_space<vmem_shared>>
        tpu.wait_indirect_dma semaphore(%run_scoped3A_347 : memref<!tpu.dma_semaphore, #tpu.memory_space<semaphore_mem>>) src(%dma_wait3A_361 : memref<40x48xf32, #tpu.memory_space<vmem>>) dst(%dma_wait3A_367 : memref<10112x48xf32, #tpu.memory_space<vmem_shared>>)
        tpu.yield
      }) : () -> ()
      %lt3A_237 = arith.constant 24 : i32
      %lt3A_238 = arith.cmpi slt, %scan3A_140, %lt3A_237 : i32
      %convert_element_type3A_239 = arith.extui %lt3A_238 : i1 to i32
      %cond3A_240 = arith.constant 0 : i32
      %cond3A_241 = arith.cmpi ne, %convert_element_type3A_239, %cond3A_240 : i32
      scf.if %cond3A_241 {
        %add3A_347 = arith.constant 10 : i32
        %add3A_348 = arith.addi %add3A_224, %add3A_347 : i32
        %dma_start3A_349 = arith.constant 4 : i32
        %dma_start3A_350 = arith.constant 0 : i32
        %dma_start3A_351 = arith.constant 0 : i32
        %dma_start3A_352 = tpu.memref_slice %arg8[%dma_start3A_349, %dma_start3A_350, %dma_start3A_351] : memref<10x40x48xf32, #tpu.memory_space<vmem>> -> memref<1x40x48xf32, #tpu.memory_space<vmem>>
        %dma_start3A_353 = tpu.memref_squeeze %dma_start3A_352 : memref<1x40x48xf32, #tpu.memory_space<vmem>> -> memref<40x48xf32, #tpu.memory_space<vmem>>
        %dma_start3A_354 = arith.constant 0 : i32
        %dma_start3A_355 = tpu.memref_slice %arg6[%add3A_348, %dma_start3A_354] : memref<250x40xi32, #tpu.memory_space<vmem>> -> memref<1x40xi32, #tpu.memory_space<vmem>>
        %dma_start3A_356 = tpu.memref_squeeze %dma_start3A_355 : memref<1x40xi32, #tpu.memory_space<vmem>> -> memref<40xi32, #tpu.memory_space<vmem>>
        %dma_start3A_357 = arith.constant 0 : i32
        %dma_start3A_358 = arith.constant 0 : i32
        %dma_start3A_359 = tpu.memref_slice %arg3[%dma_start3A_357, %dma_start3A_358] : memref<10000x48xf32, #tpu.memory_space<hbm>> -> memref<10000x48xf32, #tpu.memory_space<hbm>>
        tpu.enqueue_indirect_dma source(%dma_start3A_359 : memref<10000x48xf32, #tpu.memory_space<hbm>>) target(%dma_start3A_353 : memref<40x48xf32, #tpu.memory_space<vmem>>) offsets(%dma_start3A_356 : memref<40xi32, #tpu.memory_space<vmem>>) semaphore(%arg14 : memref<!tpu.dma_semaphore, #tpu.memory_space<semaphore_mem>>)
      } else {
      }
      %mul3A_242 = arith.constant 10 : i32
      %mul3A_243 = arith.muli %scan3A_140, %mul3A_242 : i32
      %add3A_244 = arith.constant 5 : i32
      %add3A_245 = arith.addi %mul3A_243, %add3A_244 : i32
      %dma_wait3A_246 = arith.constant 5 : i32
      %dma_wait3A_247 = arith.constant 0 : i32
      %dma_wait3A_248 = arith.constant 0 : i32
      %dma_wait3A_249 = tpu.memref_slice %arg8[%dma_wait3A_246, %dma_wait3A_247, %dma_wait3A_248] : memref<10x40x48xf32, #tpu.memory_space<vmem>> -> memref<1x40x48xf32, #tpu.memory_space<vmem>>
      %dma_wait3A_250 = tpu.memref_squeeze %dma_wait3A_249 : memref<1x40x48xf32, #tpu.memory_space<vmem>> -> memref<40x48xf32, #tpu.memory_space<vmem>>
      %dma_wait3A_251 = arith.constant 0 : i32
      %dma_wait3A_252 = tpu.memref_slice %arg6[%add3A_245, %dma_wait3A_251] : memref<250x40xi32, #tpu.memory_space<vmem>> -> memref<1x40xi32, #tpu.memory_space<vmem>>
      %dma_wait3A_253 = tpu.memref_squeeze %dma_wait3A_252 : memref<1x40xi32, #tpu.memory_space<vmem>> -> memref<40xi32, #tpu.memory_space<vmem>>
      %dma_wait3A_254 = arith.constant 0 : i32
      %dma_wait3A_255 = arith.constant 0 : i32
      %dma_wait3A_256 = tpu.memref_slice %arg3[%dma_wait3A_254, %dma_wait3A_255] : memref<10000x48xf32, #tpu.memory_space<hbm>> -> memref<10000x48xf32, #tpu.memory_space<hbm>>
      tpu.wait_indirect_dma semaphore(%arg15 : memref<!tpu.dma_semaphore, #tpu.memory_space<semaphore_mem>>) src(%dma_wait3A_256 : memref<10000x48xf32, #tpu.memory_space<hbm>>) dst(%dma_wait3A_250 : memref<40x48xf32, #tpu.memory_space<vmem>>)
      %run_scoped3A_257 = arith.constant 5 : i32
      "tpu.region"() ({
        %run_scoped3A_347 = tpu.sem_alloc : memref<!tpu.dma_semaphore, #tpu.memory_space<semaphore_mem>>
        %dma_start3A_348 = arith.constant 0 : i32
        %dma_start3A_349 = arith.constant 0 : i32
        %dma_start3A_350 = tpu.memref_slice %arg8[%run_scoped3A_257, %dma_start3A_348, %dma_start3A_349] : memref<10x40x48xf32, #tpu.memory_space<vmem>> -> memref<1x40x48xf32, #tpu.memory_space<vmem>>
        %dma_start3A_351 = tpu.memref_squeeze %dma_start3A_350 : memref<1x40x48xf32, #tpu.memory_space<vmem>> -> memref<40x48xf32, #tpu.memory_space<vmem>>
        %dma_start3A_352 = arith.constant 0 : i32
        %dma_start3A_353 = tpu.memref_slice %arg7[%add3A_245, %dma_start3A_352] : memref<250x40xi32, #tpu.memory_space<vmem>> -> memref<1x40xi32, #tpu.memory_space<vmem>>
        %dma_start3A_354 = tpu.memref_squeeze %dma_start3A_353 : memref<1x40xi32, #tpu.memory_space<vmem>> -> memref<40xi32, #tpu.memory_space<vmem>>
        %dma_start3A_355 = arith.constant 0 : i32
        %dma_start3A_356 = arith.constant 0 : i32
        %dma_start3A_357 = tpu.memref_slice %arg9[%dma_start3A_355, %dma_start3A_356] : memref<10112x48xf32, #tpu.memory_space<vmem_shared>> -> memref<10112x48xf32, #tpu.memory_space<vmem_shared>>
        tpu.enqueue_indirect_dma source(%dma_start3A_351 : memref<40x48xf32, #tpu.memory_space<vmem>>) target(%dma_start3A_357 : memref<10112x48xf32, #tpu.memory_space<vmem_shared>>) offsets(%dma_start3A_354 : memref<40xi32, #tpu.memory_space<vmem>>) semaphore(%run_scoped3A_347 : memref<!tpu.dma_semaphore, #tpu.memory_space<semaphore_mem>>) {add = true}
        %dma_wait3A_358 = arith.constant 0 : i32
        %dma_wait3A_359 = arith.constant 0 : i32
        %dma_wait3A_360 = tpu.memref_slice %arg8[%run_scoped3A_257, %dma_wait3A_358, %dma_wait3A_359] : memref<10x40x48xf32, #tpu.memory_space<vmem>> -> memref<1x40x48xf32, #tpu.memory_space<vmem>>
        %dma_wait3A_361 = tpu.memref_squeeze %dma_wait3A_360 : memref<1x40x48xf32, #tpu.memory_space<vmem>> -> memref<40x48xf32, #tpu.memory_space<vmem>>
        %dma_wait3A_362 = arith.constant 0 : i32
        %dma_wait3A_363 = tpu.memref_slice %arg7[%add3A_245, %dma_wait3A_362] : memref<250x40xi32, #tpu.memory_space<vmem>> -> memref<1x40xi32, #tpu.memory_space<vmem>>
        %dma_wait3A_364 = tpu.memref_squeeze %dma_wait3A_363 : memref<1x40xi32, #tpu.memory_space<vmem>> -> memref<40xi32, #tpu.memory_space<vmem>>
        %dma_wait3A_365 = arith.constant 0 : i32
        %dma_wait3A_366 = arith.constant 0 : i32
        %dma_wait3A_367 = tpu.memref_slice %arg9[%dma_wait3A_365, %dma_wait3A_366] : memref<10112x48xf32, #tpu.memory_space<vmem_shared>> -> memref<10112x48xf32, #tpu.memory_space<vmem_shared>>
        tpu.wait_indirect_dma semaphore(%run_scoped3A_347 : memref<!tpu.dma_semaphore, #tpu.memory_space<semaphore_mem>>) src(%dma_wait3A_361 : memref<40x48xf32, #tpu.memory_space<vmem>>) dst(%dma_wait3A_367 : memref<10112x48xf32, #tpu.memory_space<vmem_shared>>)
        tpu.yield
      }) : () -> ()
      %lt3A_258 = arith.constant 24 : i32
      %lt3A_259 = arith.cmpi slt, %scan3A_140, %lt3A_258 : i32
      %convert_element_type3A_260 = arith.extui %lt3A_259 : i1 to i32
      %cond3A_261 = arith.constant 0 : i32
      %cond3A_262 = arith.cmpi ne, %convert_element_type3A_260, %cond3A_261 : i32
      scf.if %cond3A_262 {
        %add3A_347 = arith.constant 10 : i32
        %add3A_348 = arith.addi %add3A_245, %add3A_347 : i32
        %dma_start3A_349 = arith.constant 5 : i32
        %dma_start3A_350 = arith.constant 0 : i32
        %dma_start3A_351 = arith.constant 0 : i32
        %dma_start3A_352 = tpu.memref_slice %arg8[%dma_start3A_349, %dma_start3A_350, %dma_start3A_351] : memref<10x40x48xf32, #tpu.memory_space<vmem>> -> memref<1x40x48xf32, #tpu.memory_space<vmem>>
        %dma_start3A_353 = tpu.memref_squeeze %dma_start3A_352 : memref<1x40x48xf32, #tpu.memory_space<vmem>> -> memref<40x48xf32, #tpu.memory_space<vmem>>
        %dma_start3A_354 = arith.constant 0 : i32
        %dma_start3A_355 = tpu.memref_slice %arg6[%add3A_348, %dma_start3A_354] : memref<250x40xi32, #tpu.memory_space<vmem>> -> memref<1x40xi32, #tpu.memory_space<vmem>>
        %dma_start3A_356 = tpu.memref_squeeze %dma_start3A_355 : memref<1x40xi32, #tpu.memory_space<vmem>> -> memref<40xi32, #tpu.memory_space<vmem>>
        %dma_start3A_357 = arith.constant 0 : i32
        %dma_start3A_358 = arith.constant 0 : i32
        %dma_start3A_359 = tpu.memref_slice %arg3[%dma_start3A_357, %dma_start3A_358] : memref<10000x48xf32, #tpu.memory_space<hbm>> -> memref<10000x48xf32, #tpu.memory_space<hbm>>
        tpu.enqueue_indirect_dma source(%dma_start3A_359 : memref<10000x48xf32, #tpu.memory_space<hbm>>) target(%dma_start3A_353 : memref<40x48xf32, #tpu.memory_space<vmem>>) offsets(%dma_start3A_356 : memref<40xi32, #tpu.memory_space<vmem>>) semaphore(%arg15 : memref<!tpu.dma_semaphore, #tpu.memory_space<semaphore_mem>>)
      } else {
      }
      %mul3A_263 = arith.constant 10 : i32
      %mul3A_264 = arith.muli %scan3A_140, %mul3A_263 : i32
      %add3A_265 = arith.constant 6 : i32
      %add3A_266 = arith.addi %mul3A_264, %add3A_265 : i32
      %dma_wait3A_267 = arith.constant 6 : i32
      %dma_wait3A_268 = arith.constant 0 : i32
      %dma_wait3A_269 = arith.constant 0 : i32
      %dma_wait3A_270 = tpu.memref_slice %arg8[%dma_wait3A_267, %dma_wait3A_268, %dma_wait3A_269] : memref<10x40x48xf32, #tpu.memory_space<vmem>> -> memref<1x40x48xf32, #tpu.memory_space<vmem>>
      %dma_wait3A_271 = tpu.memref_squeeze %dma_wait3A_270 : memref<1x40x48xf32, #tpu.memory_space<vmem>> -> memref<40x48xf32, #tpu.memory_space<vmem>>
      %dma_wait3A_272 = arith.constant 0 : i32
      %dma_wait3A_273 = tpu.memref_slice %arg6[%add3A_266, %dma_wait3A_272] : memref<250x40xi32, #tpu.memory_space<vmem>> -> memref<1x40xi32, #tpu.memory_space<vmem>>
      %dma_wait3A_274 = tpu.memref_squeeze %dma_wait3A_273 : memref<1x40xi32, #tpu.memory_space<vmem>> -> memref<40xi32, #tpu.memory_space<vmem>>
      %dma_wait3A_275 = arith.constant 0 : i32
      %dma_wait3A_276 = arith.constant 0 : i32
      %dma_wait3A_277 = tpu.memref_slice %arg3[%dma_wait3A_275, %dma_wait3A_276] : memref<10000x48xf32, #tpu.memory_space<hbm>> -> memref<10000x48xf32, #tpu.memory_space<hbm>>
      tpu.wait_indirect_dma semaphore(%arg16 : memref<!tpu.dma_semaphore, #tpu.memory_space<semaphore_mem>>) src(%dma_wait3A_277 : memref<10000x48xf32, #tpu.memory_space<hbm>>) dst(%dma_wait3A_271 : memref<40x48xf32, #tpu.memory_space<vmem>>)
      %run_scoped3A_278 = arith.constant 6 : i32
      "tpu.region"() ({
        %run_scoped3A_347 = tpu.sem_alloc : memref<!tpu.dma_semaphore, #tpu.memory_space<semaphore_mem>>
        %dma_start3A_348 = arith.constant 0 : i32
        %dma_start3A_349 = arith.constant 0 : i32
        %dma_start3A_350 = tpu.memref_slice %arg8[%run_scoped3A_278, %dma_start3A_348, %dma_start3A_349] : memref<10x40x48xf32, #tpu.memory_space<vmem>> -> memref<1x40x48xf32, #tpu.memory_space<vmem>>
        %dma_start3A_351 = tpu.memref_squeeze %dma_start3A_350 : memref<1x40x48xf32, #tpu.memory_space<vmem>> -> memref<40x48xf32, #tpu.memory_space<vmem>>
        %dma_start3A_352 = arith.constant 0 : i32
        %dma_start3A_353 = tpu.memref_slice %arg7[%add3A_266, %dma_start3A_352] : memref<250x40xi32, #tpu.memory_space<vmem>> -> memref<1x40xi32, #tpu.memory_space<vmem>>
        %dma_start3A_354 = tpu.memref_squeeze %dma_start3A_353 : memref<1x40xi32, #tpu.memory_space<vmem>> -> memref<40xi32, #tpu.memory_space<vmem>>
        %dma_start3A_355 = arith.constant 0 : i32
        %dma_start3A_356 = arith.constant 0 : i32
        %dma_start3A_357 = tpu.memref_slice %arg9[%dma_start3A_355, %dma_start3A_356] : memref<10112x48xf32, #tpu.memory_space<vmem_shared>> -> memref<10112x48xf32, #tpu.memory_space<vmem_shared>>
        tpu.enqueue_indirect_dma source(%dma_start3A_351 : memref<40x48xf32, #tpu.memory_space<vmem>>) target(%dma_start3A_357 : memref<10112x48xf32, #tpu.memory_space<vmem_shared>>) offsets(%dma_start3A_354 : memref<40xi32, #tpu.memory_space<vmem>>) semaphore(%run_scoped3A_347 : memref<!tpu.dma_semaphore, #tpu.memory_space<semaphore_mem>>) {add = true}
        %dma_wait3A_358 = arith.constant 0 : i32
        %dma_wait3A_359 = arith.constant 0 : i32
        %dma_wait3A_360 = tpu.memref_slice %arg8[%run_scoped3A_278, %dma_wait3A_358, %dma_wait3A_359] : memref<10x40x48xf32, #tpu.memory_space<vmem>> -> memref<1x40x48xf32, #tpu.memory_space<vmem>>
        %dma_wait3A_361 = tpu.memref_squeeze %dma_wait3A_360 : memref<1x40x48xf32, #tpu.memory_space<vmem>> -> memref<40x48xf32, #tpu.memory_space<vmem>>
        %dma_wait3A_362 = arith.constant 0 : i32
        %dma_wait3A_363 = tpu.memref_slice %arg7[%add3A_266, %dma_wait3A_362] : memref<250x40xi32, #tpu.memory_space<vmem>> -> memref<1x40xi32, #tpu.memory_space<vmem>>
        %dma_wait3A_364 = tpu.memref_squeeze %dma_wait3A_363 : memref<1x40xi32, #tpu.memory_space<vmem>> -> memref<40xi32, #tpu.memory_space<vmem>>
        %dma_wait3A_365 = arith.constant 0 : i32
        %dma_wait3A_366 = arith.constant 0 : i32
        %dma_wait3A_367 = tpu.memref_slice %arg9[%dma_wait3A_365, %dma_wait3A_366] : memref<10112x48xf32, #tpu.memory_space<vmem_shared>> -> memref<10112x48xf32, #tpu.memory_space<vmem_shared>>
        tpu.wait_indirect_dma semaphore(%run_scoped3A_347 : memref<!tpu.dma_semaphore, #tpu.memory_space<semaphore_mem>>) src(%dma_wait3A_361 : memref<40x48xf32, #tpu.memory_space<vmem>>) dst(%dma_wait3A_367 : memref<10112x48xf32, #tpu.memory_space<vmem_shared>>)
        tpu.yield
      }) : () -> ()
      %lt3A_279 = arith.constant 24 : i32
      %lt3A_280 = arith.cmpi slt, %scan3A_140, %lt3A_279 : i32
      %convert_element_type3A_281 = arith.extui %lt3A_280 : i1 to i32
      %cond3A_282 = arith.constant 0 : i32
      %cond3A_283 = arith.cmpi ne, %convert_element_type3A_281, %cond3A_282 : i32
      scf.if %cond3A_283 {
        %add3A_347 = arith.constant 10 : i32
        %add3A_348 = arith.addi %add3A_266, %add3A_347 : i32
        %dma_start3A_349 = arith.constant 6 : i32
        %dma_start3A_350 = arith.constant 0 : i32
        %dma_start3A_351 = arith.constant 0 : i32
        %dma_start3A_352 = tpu.memref_slice %arg8[%dma_start3A_349, %dma_start3A_350, %dma_start3A_351] : memref<10x40x48xf32, #tpu.memory_space<vmem>> -> memref<1x40x48xf32, #tpu.memory_space<vmem>>
        %dma_start3A_353 = tpu.memref_squeeze %dma_start3A_352 : memref<1x40x48xf32, #tpu.memory_space<vmem>> -> memref<40x48xf32, #tpu.memory_space<vmem>>
        %dma_start3A_354 = arith.constant 0 : i32
        %dma_start3A_355 = tpu.memref_slice %arg6[%add3A_348, %dma_start3A_354] : memref<250x40xi32, #tpu.memory_space<vmem>> -> memref<1x40xi32, #tpu.memory_space<vmem>>
        %dma_start3A_356 = tpu.memref_squeeze %dma_start3A_355 : memref<1x40xi32, #tpu.memory_space<vmem>> -> memref<40xi32, #tpu.memory_space<vmem>>
        %dma_start3A_357 = arith.constant 0 : i32
        %dma_start3A_358 = arith.constant 0 : i32
        %dma_start3A_359 = tpu.memref_slice %arg3[%dma_start3A_357, %dma_start3A_358] : memref<10000x48xf32, #tpu.memory_space<hbm>> -> memref<10000x48xf32, #tpu.memory_space<hbm>>
        tpu.enqueue_indirect_dma source(%dma_start3A_359 : memref<10000x48xf32, #tpu.memory_space<hbm>>) target(%dma_start3A_353 : memref<40x48xf32, #tpu.memory_space<vmem>>) offsets(%dma_start3A_356 : memref<40xi32, #tpu.memory_space<vmem>>) semaphore(%arg16 : memref<!tpu.dma_semaphore, #tpu.memory_space<semaphore_mem>>)
      } else {
      }
      %mul3A_284 = arith.constant 10 : i32
      %mul3A_285 = arith.muli %scan3A_140, %mul3A_284 : i32
      %add3A_286 = arith.constant 7 : i32
      %add3A_287 = arith.addi %mul3A_285, %add3A_286 : i32
      %dma_wait3A_288 = arith.constant 7 : i32
      %dma_wait3A_289 = arith.constant 0 : i32
      %dma_wait3A_290 = arith.constant 0 : i32
      %dma_wait3A_291 = tpu.memref_slice %arg8[%dma_wait3A_288, %dma_wait3A_289, %dma_wait3A_290] : memref<10x40x48xf32, #tpu.memory_space<vmem>> -> memref<1x40x48xf32, #tpu.memory_space<vmem>>
      %dma_wait3A_292 = tpu.memref_squeeze %dma_wait3A_291 : memref<1x40x48xf32, #tpu.memory_space<vmem>> -> memref<40x48xf32, #tpu.memory_space<vmem>>
      %dma_wait3A_293 = arith.constant 0 : i32
      %dma_wait3A_294 = tpu.memref_slice %arg6[%add3A_287, %dma_wait3A_293] : memref<250x40xi32, #tpu.memory_space<vmem>> -> memref<1x40xi32, #tpu.memory_space<vmem>>
      %dma_wait3A_295 = tpu.memref_squeeze %dma_wait3A_294 : memref<1x40xi32, #tpu.memory_space<vmem>> -> memref<40xi32, #tpu.memory_space<vmem>>
      %dma_wait3A_296 = arith.constant 0 : i32
      %dma_wait3A_297 = arith.constant 0 : i32
      %dma_wait3A_298 = tpu.memref_slice %arg3[%dma_wait3A_296, %dma_wait3A_297] : memref<10000x48xf32, #tpu.memory_space<hbm>> -> memref<10000x48xf32, #tpu.memory_space<hbm>>
      tpu.wait_indirect_dma semaphore(%arg17 : memref<!tpu.dma_semaphore, #tpu.memory_space<semaphore_mem>>) src(%dma_wait3A_298 : memref<10000x48xf32, #tpu.memory_space<hbm>>) dst(%dma_wait3A_292 : memref<40x48xf32, #tpu.memory_space<vmem>>)
      %run_scoped3A_299 = arith.constant 7 : i32
      "tpu.region"() ({
        %run_scoped3A_347 = tpu.sem_alloc : memref<!tpu.dma_semaphore, #tpu.memory_space<semaphore_mem>>
        %dma_start3A_348 = arith.constant 0 : i32
        %dma_start3A_349 = arith.constant 0 : i32
        %dma_start3A_350 = tpu.memref_slice %arg8[%run_scoped3A_299, %dma_start3A_348, %dma_start3A_349] : memref<10x40x48xf32, #tpu.memory_space<vmem>> -> memref<1x40x48xf32, #tpu.memory_space<vmem>>
        %dma_start3A_351 = tpu.memref_squeeze %dma_start3A_350 : memref<1x40x48xf32, #tpu.memory_space<vmem>> -> memref<40x48xf32, #tpu.memory_space<vmem>>
        %dma_start3A_352 = arith.constant 0 : i32
        %dma_start3A_353 = tpu.memref_slice %arg7[%add3A_287, %dma_start3A_352] : memref<250x40xi32, #tpu.memory_space<vmem>> -> memref<1x40xi32, #tpu.memory_space<vmem>>
        %dma_start3A_354 = tpu.memref_squeeze %dma_start3A_353 : memref<1x40xi32, #tpu.memory_space<vmem>> -> memref<40xi32, #tpu.memory_space<vmem>>
        %dma_start3A_355 = arith.constant 0 : i32
        %dma_start3A_356 = arith.constant 0 : i32
        %dma_start3A_357 = tpu.memref_slice %arg9[%dma_start3A_355, %dma_start3A_356] : memref<10112x48xf32, #tpu.memory_space<vmem_shared>> -> memref<10112x48xf32, #tpu.memory_space<vmem_shared>>
        tpu.enqueue_indirect_dma source(%dma_start3A_351 : memref<40x48xf32, #tpu.memory_space<vmem>>) target(%dma_start3A_357 : memref<10112x48xf32, #tpu.memory_space<vmem_shared>>) offsets(%dma_start3A_354 : memref<40xi32, #tpu.memory_space<vmem>>) semaphore(%run_scoped3A_347 : memref<!tpu.dma_semaphore, #tpu.memory_space<semaphore_mem>>) {add = true}
        %dma_wait3A_358 = arith.constant 0 : i32
        %dma_wait3A_359 = arith.constant 0 : i32
        %dma_wait3A_360 = tpu.memref_slice %arg8[%run_scoped3A_299, %dma_wait3A_358, %dma_wait3A_359] : memref<10x40x48xf32, #tpu.memory_space<vmem>> -> memref<1x40x48xf32, #tpu.memory_space<vmem>>
        %dma_wait3A_361 = tpu.memref_squeeze %dma_wait3A_360 : memref<1x40x48xf32, #tpu.memory_space<vmem>> -> memref<40x48xf32, #tpu.memory_space<vmem>>
        %dma_wait3A_362 = arith.constant 0 : i32
        %dma_wait3A_363 = tpu.memref_slice %arg7[%add3A_287, %dma_wait3A_362] : memref<250x40xi32, #tpu.memory_space<vmem>> -> memref<1x40xi32, #tpu.memory_space<vmem>>
        %dma_wait3A_364 = tpu.memref_squeeze %dma_wait3A_363 : memref<1x40xi32, #tpu.memory_space<vmem>> -> memref<40xi32, #tpu.memory_space<vmem>>
        %dma_wait3A_365 = arith.constant 0 : i32
        %dma_wait3A_366 = arith.constant 0 : i32
        %dma_wait3A_367 = tpu.memref_slice %arg9[%dma_wait3A_365, %dma_wait3A_366] : memref<10112x48xf32, #tpu.memory_space<vmem_shared>> -> memref<10112x48xf32, #tpu.memory_space<vmem_shared>>
        tpu.wait_indirect_dma semaphore(%run_scoped3A_347 : memref<!tpu.dma_semaphore, #tpu.memory_space<semaphore_mem>>) src(%dma_wait3A_361 : memref<40x48xf32, #tpu.memory_space<vmem>>) dst(%dma_wait3A_367 : memref<10112x48xf32, #tpu.memory_space<vmem_shared>>)
        tpu.yield
      }) : () -> ()
      %lt3A_300 = arith.constant 24 : i32
      %lt3A_301 = arith.cmpi slt, %scan3A_140, %lt3A_300 : i32
      %convert_element_type3A_302 = arith.extui %lt3A_301 : i1 to i32
      %cond3A_303 = arith.constant 0 : i32
      %cond3A_304 = arith.cmpi ne, %convert_element_type3A_302, %cond3A_303 : i32
      scf.if %cond3A_304 {
        %add3A_347 = arith.constant 10 : i32
        %add3A_348 = arith.addi %add3A_287, %add3A_347 : i32
        %dma_start3A_349 = arith.constant 7 : i32
        %dma_start3A_350 = arith.constant 0 : i32
        %dma_start3A_351 = arith.constant 0 : i32
        %dma_start3A_352 = tpu.memref_slice %arg8[%dma_start3A_349, %dma_start3A_350, %dma_start3A_351] : memref<10x40x48xf32, #tpu.memory_space<vmem>> -> memref<1x40x48xf32, #tpu.memory_space<vmem>>
        %dma_start3A_353 = tpu.memref_squeeze %dma_start3A_352 : memref<1x40x48xf32, #tpu.memory_space<vmem>> -> memref<40x48xf32, #tpu.memory_space<vmem>>
        %dma_start3A_354 = arith.constant 0 : i32
        %dma_start3A_355 = tpu.memref_slice %arg6[%add3A_348, %dma_start3A_354] : memref<250x40xi32, #tpu.memory_space<vmem>> -> memref<1x40xi32, #tpu.memory_space<vmem>>
        %dma_start3A_356 = tpu.memref_squeeze %dma_start3A_355 : memref<1x40xi32, #tpu.memory_space<vmem>> -> memref<40xi32, #tpu.memory_space<vmem>>
        %dma_start3A_357 = arith.constant 0 : i32
        %dma_start3A_358 = arith.constant 0 : i32
        %dma_start3A_359 = tpu.memref_slice %arg3[%dma_start3A_357, %dma_start3A_358] : memref<10000x48xf32, #tpu.memory_space<hbm>> -> memref<10000x48xf32, #tpu.memory_space<hbm>>
        tpu.enqueue_indirect_dma source(%dma_start3A_359 : memref<10000x48xf32, #tpu.memory_space<hbm>>) target(%dma_start3A_353 : memref<40x48xf32, #tpu.memory_space<vmem>>) offsets(%dma_start3A_356 : memref<40xi32, #tpu.memory_space<vmem>>) semaphore(%arg17 : memref<!tpu.dma_semaphore, #tpu.memory_space<semaphore_mem>>)
      } else {
      }
      %mul3A_305 = arith.constant 10 : i32
      %mul3A_306 = arith.muli %scan3A_140, %mul3A_305 : i32
      %add3A_307 = arith.constant 8 : i32
      %add3A_308 = arith.addi %mul3A_306, %add3A_307 : i32
      %dma_wait3A_309 = arith.constant 8 : i32
      %dma_wait3A_310 = arith.constant 0 : i32
      %dma_wait3A_311 = arith.constant 0 : i32
      %dma_wait3A_312 = tpu.memref_slice %arg8[%dma_wait3A_309, %dma_wait3A_310, %dma_wait3A_311] : memref<10x40x48xf32, #tpu.memory_space<vmem>> -> memref<1x40x48xf32, #tpu.memory_space<vmem>>
      %dma_wait3A_313 = tpu.memref_squeeze %dma_wait3A_312 : memref<1x40x48xf32, #tpu.memory_space<vmem>> -> memref<40x48xf32, #tpu.memory_space<vmem>>
      %dma_wait3A_314 = arith.constant 0 : i32
      %dma_wait3A_315 = tpu.memref_slice %arg6[%add3A_308, %dma_wait3A_314] : memref<250x40xi32, #tpu.memory_space<vmem>> -> memref<1x40xi32, #tpu.memory_space<vmem>>
      %dma_wait3A_316 = tpu.memref_squeeze %dma_wait3A_315 : memref<1x40xi32, #tpu.memory_space<vmem>> -> memref<40xi32, #tpu.memory_space<vmem>>
      %dma_wait3A_317 = arith.constant 0 : i32
      %dma_wait3A_318 = arith.constant 0 : i32
      %dma_wait3A_319 = tpu.memref_slice %arg3[%dma_wait3A_317, %dma_wait3A_318] : memref<10000x48xf32, #tpu.memory_space<hbm>> -> memref<10000x48xf32, #tpu.memory_space<hbm>>
      tpu.wait_indirect_dma semaphore(%arg18 : memref<!tpu.dma_semaphore, #tpu.memory_space<semaphore_mem>>) src(%dma_wait3A_319 : memref<10000x48xf32, #tpu.memory_space<hbm>>) dst(%dma_wait3A_313 : memref<40x48xf32, #tpu.memory_space<vmem>>)
      %run_scoped3A_320 = arith.constant 8 : i32
      "tpu.region"() ({
        %run_scoped3A_347 = tpu.sem_alloc : memref<!tpu.dma_semaphore, #tpu.memory_space<semaphore_mem>>
        %dma_start3A_348 = arith.constant 0 : i32
        %dma_start3A_349 = arith.constant 0 : i32
        %dma_start3A_350 = tpu.memref_slice %arg8[%run_scoped3A_320, %dma_start3A_348, %dma_start3A_349] : memref<10x40x48xf32, #tpu.memory_space<vmem>> -> memref<1x40x48xf32, #tpu.memory_space<vmem>>
        %dma_start3A_351 = tpu.memref_squeeze %dma_start3A_350 : memref<1x40x48xf32, #tpu.memory_space<vmem>> -> memref<40x48xf32, #tpu.memory_space<vmem>>
        %dma_start3A_352 = arith.constant 0 : i32
        %dma_start3A_353 = tpu.memref_slice %arg7[%add3A_308, %dma_start3A_352] : memref<250x40xi32, #tpu.memory_space<vmem>> -> memref<1x40xi32, #tpu.memory_space<vmem>>
        %dma_start3A_354 = tpu.memref_squeeze %dma_start3A_353 : memref<1x40xi32, #tpu.memory_space<vmem>> -> memref<40xi32, #tpu.memory_space<vmem>>
        %dma_start3A_355 = arith.constant 0 : i32
        %dma_start3A_356 = arith.constant 0 : i32
        %dma_start3A_357 = tpu.memref_slice %arg9[%dma_start3A_355, %dma_start3A_356] : memref<10112x48xf32, #tpu.memory_space<vmem_shared>> -> memref<10112x48xf32, #tpu.memory_space<vmem_shared>>
        tpu.enqueue_indirect_dma source(%dma_start3A_351 : memref<40x48xf32, #tpu.memory_space<vmem>>) target(%dma_start3A_357 : memref<10112x48xf32, #tpu.memory_space<vmem_shared>>) offsets(%dma_start3A_354 : memref<40xi32, #tpu.memory_space<vmem>>) semaphore(%run_scoped3A_347 : memref<!tpu.dma_semaphore, #tpu.memory_space<semaphore_mem>>) {add = true}
        %dma_wait3A_358 = arith.constant 0 : i32
        %dma_wait3A_359 = arith.constant 0 : i32
        %dma_wait3A_360 = tpu.memref_slice %arg8[%run_scoped3A_320, %dma_wait3A_358, %dma_wait3A_359] : memref<10x40x48xf32, #tpu.memory_space<vmem>> -> memref<1x40x48xf32, #tpu.memory_space<vmem>>
        %dma_wait3A_361 = tpu.memref_squeeze %dma_wait3A_360 : memref<1x40x48xf32, #tpu.memory_space<vmem>> -> memref<40x48xf32, #tpu.memory_space<vmem>>
        %dma_wait3A_362 = arith.constant 0 : i32
        %dma_wait3A_363 = tpu.memref_slice %arg7[%add3A_308, %dma_wait3A_362] : memref<250x40xi32, #tpu.memory_space<vmem>> -> memref<1x40xi32, #tpu.memory_space<vmem>>
        %dma_wait3A_364 = tpu.memref_squeeze %dma_wait3A_363 : memref<1x40xi32, #tpu.memory_space<vmem>> -> memref<40xi32, #tpu.memory_space<vmem>>
        %dma_wait3A_365 = arith.constant 0 : i32
        %dma_wait3A_366 = arith.constant 0 : i32
        %dma_wait3A_367 = tpu.memref_slice %arg9[%dma_wait3A_365, %dma_wait3A_366] : memref<10112x48xf32, #tpu.memory_space<vmem_shared>> -> memref<10112x48xf32, #tpu.memory_space<vmem_shared>>
        tpu.wait_indirect_dma semaphore(%run_scoped3A_347 : memref<!tpu.dma_semaphore, #tpu.memory_space<semaphore_mem>>) src(%dma_wait3A_361 : memref<40x48xf32, #tpu.memory_space<vmem>>) dst(%dma_wait3A_367 : memref<10112x48xf32, #tpu.memory_space<vmem_shared>>)
        tpu.yield
      }) : () -> ()
      %lt3A_321 = arith.constant 24 : i32
      %lt3A_322 = arith.cmpi slt, %scan3A_140, %lt3A_321 : i32
      %convert_element_type3A_323 = arith.extui %lt3A_322 : i1 to i32
      %cond3A_324 = arith.constant 0 : i32
      %cond3A_325 = arith.cmpi ne, %convert_element_type3A_323, %cond3A_324 : i32
      scf.if %cond3A_325 {
        %add3A_347 = arith.constant 10 : i32
        %add3A_348 = arith.addi %add3A_308, %add3A_347 : i32
        %dma_start3A_349 = arith.constant 8 : i32
        %dma_start3A_350 = arith.constant 0 : i32
        %dma_start3A_351 = arith.constant 0 : i32
        %dma_start3A_352 = tpu.memref_slice %arg8[%dma_start3A_349, %dma_start3A_350, %dma_start3A_351] : memref<10x40x48xf32, #tpu.memory_space<vmem>> -> memref<1x40x48xf32, #tpu.memory_space<vmem>>
        %dma_start3A_353 = tpu.memref_squeeze %dma_start3A_352 : memref<1x40x48xf32, #tpu.memory_space<vmem>> -> memref<40x48xf32, #tpu.memory_space<vmem>>
        %dma_start3A_354 = arith.constant 0 : i32
        %dma_start3A_355 = tpu.memref_slice %arg6[%add3A_348, %dma_start3A_354] : memref<250x40xi32, #tpu.memory_space<vmem>> -> memref<1x40xi32, #tpu.memory_space<vmem>>
        %dma_start3A_356 = tpu.memref_squeeze %dma_start3A_355 : memref<1x40xi32, #tpu.memory_space<vmem>> -> memref<40xi32, #tpu.memory_space<vmem>>
        %dma_start3A_357 = arith.constant 0 : i32
        %dma_start3A_358 = arith.constant 0 : i32
        %dma_start3A_359 = tpu.memref_slice %arg3[%dma_start3A_357, %dma_start3A_358] : memref<10000x48xf32, #tpu.memory_space<hbm>> -> memref<10000x48xf32, #tpu.memory_space<hbm>>
        tpu.enqueue_indirect_dma source(%dma_start3A_359 : memref<10000x48xf32, #tpu.memory_space<hbm>>) target(%dma_start3A_353 : memref<40x48xf32, #tpu.memory_space<vmem>>) offsets(%dma_start3A_356 : memref<40xi32, #tpu.memory_space<vmem>>) semaphore(%arg18 : memref<!tpu.dma_semaphore, #tpu.memory_space<semaphore_mem>>)
      } else {
      }
      %mul3A_326 = arith.constant 10 : i32
      %mul3A_327 = arith.muli %scan3A_140, %mul3A_326 : i32
      %add3A_328 = arith.constant 9 : i32
      %add3A_329 = arith.addi %mul3A_327, %add3A_328 : i32
      %dma_wait3A_330 = arith.constant 9 : i32
      %dma_wait3A_331 = arith.constant 0 : i32
      %dma_wait3A_332 = arith.constant 0 : i32
      %dma_wait3A_333 = tpu.memref_slice %arg8[%dma_wait3A_330, %dma_wait3A_331, %dma_wait3A_332] : memref<10x40x48xf32, #tpu.memory_space<vmem>> -> memref<1x40x48xf32, #tpu.memory_space<vmem>>
      %dma_wait3A_334 = tpu.memref_squeeze %dma_wait3A_333 : memref<1x40x48xf32, #tpu.memory_space<vmem>> -> memref<40x48xf32, #tpu.memory_space<vmem>>
      %dma_wait3A_335 = arith.constant 0 : i32
      %dma_wait3A_336 = tpu.memref_slice %arg6[%add3A_329, %dma_wait3A_335] : memref<250x40xi32, #tpu.memory_space<vmem>> -> memref<1x40xi32, #tpu.memory_space<vmem>>
      %dma_wait3A_337 = tpu.memref_squeeze %dma_wait3A_336 : memref<1x40xi32, #tpu.memory_space<vmem>> -> memref<40xi32, #tpu.memory_space<vmem>>
      %dma_wait3A_338 = arith.constant 0 : i32
      %dma_wait3A_339 = arith.constant 0 : i32
      %dma_wait3A_340 = tpu.memref_slice %arg3[%dma_wait3A_338, %dma_wait3A_339] : memref<10000x48xf32, #tpu.memory_space<hbm>> -> memref<10000x48xf32, #tpu.memory_space<hbm>>
      tpu.wait_indirect_dma semaphore(%arg19 : memref<!tpu.dma_semaphore, #tpu.memory_space<semaphore_mem>>) src(%dma_wait3A_340 : memref<10000x48xf32, #tpu.memory_space<hbm>>) dst(%dma_wait3A_334 : memref<40x48xf32, #tpu.memory_space<vmem>>)
      %run_scoped3A_341 = arith.constant 9 : i32
      "tpu.region"() ({
        %run_scoped3A_347 = tpu.sem_alloc : memref<!tpu.dma_semaphore, #tpu.memory_space<semaphore_mem>>
        %dma_start3A_348 = arith.constant 0 : i32
        %dma_start3A_349 = arith.constant 0 : i32
        %dma_start3A_350 = tpu.memref_slice %arg8[%run_scoped3A_341, %dma_start3A_348, %dma_start3A_349] : memref<10x40x48xf32, #tpu.memory_space<vmem>> -> memref<1x40x48xf32, #tpu.memory_space<vmem>>
        %dma_start3A_351 = tpu.memref_squeeze %dma_start3A_350 : memref<1x40x48xf32, #tpu.memory_space<vmem>> -> memref<40x48xf32, #tpu.memory_space<vmem>>
        %dma_start3A_352 = arith.constant 0 : i32
        %dma_start3A_353 = tpu.memref_slice %arg7[%add3A_329, %dma_start3A_352] : memref<250x40xi32, #tpu.memory_space<vmem>> -> memref<1x40xi32, #tpu.memory_space<vmem>>
        %dma_start3A_354 = tpu.memref_squeeze %dma_start3A_353 : memref<1x40xi32, #tpu.memory_space<vmem>> -> memref<40xi32, #tpu.memory_space<vmem>>
        %dma_start3A_355 = arith.constant 0 : i32
        %dma_start3A_356 = arith.constant 0 : i32
        %dma_start3A_357 = tpu.memref_slice %arg9[%dma_start3A_355, %dma_start3A_356] : memref<10112x48xf32, #tpu.memory_space<vmem_shared>> -> memref<10112x48xf32, #tpu.memory_space<vmem_shared>>
        tpu.enqueue_indirect_dma source(%dma_start3A_351 : memref<40x48xf32, #tpu.memory_space<vmem>>) target(%dma_start3A_357 : memref<10112x48xf32, #tpu.memory_space<vmem_shared>>) offsets(%dma_start3A_354 : memref<40xi32, #tpu.memory_space<vmem>>) semaphore(%run_scoped3A_347 : memref<!tpu.dma_semaphore, #tpu.memory_space<semaphore_mem>>) {add = true}
        %dma_wait3A_358 = arith.constant 0 : i32
        %dma_wait3A_359 = arith.constant 0 : i32
        %dma_wait3A_360 = tpu.memref_slice %arg8[%run_scoped3A_341, %dma_wait3A_358, %dma_wait3A_359] : memref<10x40x48xf32, #tpu.memory_space<vmem>> -> memref<1x40x48xf32, #tpu.memory_space<vmem>>
        %dma_wait3A_361 = tpu.memref_squeeze %dma_wait3A_360 : memref<1x40x48xf32, #tpu.memory_space<vmem>> -> memref<40x48xf32, #tpu.memory_space<vmem>>
        %dma_wait3A_362 = arith.constant 0 : i32
        %dma_wait3A_363 = tpu.memref_slice %arg7[%add3A_329, %dma_wait3A_362] : memref<250x40xi32, #tpu.memory_space<vmem>> -> memref<1x40xi32, #tpu.memory_space<vmem>>
        %dma_wait3A_364 = tpu.memref_squeeze %dma_wait3A_363 : memref<1x40xi32, #tpu.memory_space<vmem>> -> memref<40xi32, #tpu.memory_space<vmem>>
        %dma_wait3A_365 = arith.constant 0 : i32
        %dma_wait3A_366 = arith.constant 0 : i32
        %dma_wait3A_367 = tpu.memref_slice %arg9[%dma_wait3A_365, %dma_wait3A_366] : memref<10112x48xf32, #tpu.memory_space<vmem_shared>> -> memref<10112x48xf32, #tpu.memory_space<vmem_shared>>
        tpu.wait_indirect_dma semaphore(%run_scoped3A_347 : memref<!tpu.dma_semaphore, #tpu.memory_space<semaphore_mem>>) src(%dma_wait3A_361 : memref<40x48xf32, #tpu.memory_space<vmem>>) dst(%dma_wait3A_367 : memref<10112x48xf32, #tpu.memory_space<vmem_shared>>)
        tpu.yield
      }) : () -> ()
      %lt3A_342 = arith.constant 24 : i32
      %lt3A_343 = arith.cmpi slt, %scan3A_140, %lt3A_342 : i32
      %convert_element_type3A_344 = arith.extui %lt3A_343 : i1 to i32
      %cond3A_345 = arith.constant 0 : i32
      %cond3A_346 = arith.cmpi ne, %convert_element_type3A_344, %cond3A_345 : i32
      scf.if %cond3A_346 {
        %add3A_347 = arith.constant 10 : i32
        %add3A_348 = arith.addi %add3A_329, %add3A_347 : i32
        %dma_start3A_349 = arith.constant 9 : i32
        %dma_start3A_350 = arith.constant 0 : i32
        %dma_start3A_351 = arith.constant 0 : i32
        %dma_start3A_352 = tpu.memref_slice %arg8[%dma_start3A_349, %dma_start3A_350, %dma_start3A_351] : memref<10x40x48xf32, #tpu.memory_space<vmem>> -> memref<1x40x48xf32, #tpu.memory_space<vmem>>
        %dma_start3A_353 = tpu.memref_squeeze %dma_start3A_352 : memref<1x40x48xf32, #tpu.memory_space<vmem>> -> memref<40x48xf32, #tpu.memory_space<vmem>>
        %dma_start3A_354 = arith.constant 0 : i32
        %dma_start3A_355 = tpu.memref_slice %arg6[%add3A_348, %dma_start3A_354] : memref<250x40xi32, #tpu.memory_space<vmem>> -> memref<1x40xi32, #tpu.memory_space<vmem>>
        %dma_start3A_356 = tpu.memref_squeeze %dma_start3A_355 : memref<1x40xi32, #tpu.memory_space<vmem>> -> memref<40xi32, #tpu.memory_space<vmem>>
        %dma_start3A_357 = arith.constant 0 : i32
        %dma_start3A_358 = arith.constant 0 : i32
        %dma_start3A_359 = tpu.memref_slice %arg3[%dma_start3A_357, %dma_start3A_358] : memref<10000x48xf32, #tpu.memory_space<hbm>> -> memref<10000x48xf32, #tpu.memory_space<hbm>>
        tpu.enqueue_indirect_dma source(%dma_start3A_359 : memref<10000x48xf32, #tpu.memory_space<hbm>>) target(%dma_start3A_353 : memref<40x48xf32, #tpu.memory_space<vmem>>) offsets(%dma_start3A_356 : memref<40xi32, #tpu.memory_space<vmem>>) semaphore(%arg19 : memref<!tpu.dma_semaphore, #tpu.memory_space<semaphore_mem>>)
      } else {
      }
    }
    %scan3A_131 = arith.constant 25 : i32
    %barrier3A_132 = arith.constant 0 : index
    tpu.barrier barrier_id(%barrier3A_132)
    %mul3A_133 = arith.constant 632 : i32
    %mul3A_134 = arith.muli %arg1, %mul3A_133 : i32
    %mul3A_135 = arith.constant 10112 : i32
    %mul3A_136 = arith.muli %arg0, %mul3A_135 : i32
    %mul3A_137 = arith.constant 632 : i32
    %mul3A_138 = arith.muli %arg1, %mul3A_137 : i32
    %add3A_139 = arith.addi %mul3A_136, %mul3A_138 : i32
    "tpu.region"() ({
      %run_scoped3A_140 = tpu.sem_alloc : memref<!tpu.dma_semaphore, #tpu.memory_space<semaphore_mem>>
      %dma_start3A_141 = arith.constant 0 : i32
      %dma_start3A_142 = tpu.memref_slice %arg5[%add3A_139, %dma_start3A_141] : memref<20224x48xf32, #tpu.memory_space<hbm>> -> memref<632x48xf32, #tpu.memory_space<hbm>>
      %dma_start3A_143 = arith.constant 0 : i32
      %dma_start3A_144 = tpu.memref_slice %arg9[%mul3A_134, %dma_start3A_143] : memref<10112x48xf32, #tpu.memory_space<vmem_shared>> -> memref<632x48xf32, #tpu.memory_space<vmem_shared>>
      tpu.enqueue_dma source(%dma_start3A_144 : memref<632x48xf32, #tpu.memory_space<vmem_shared>>) target(%dma_start3A_142 : memref<632x48xf32, #tpu.memory_space<hbm>>) target_semaphore(%run_scoped3A_140 : memref<!tpu.dma_semaphore, #tpu.memory_space<semaphore_mem>>)
      %dma_wait3A = arith.constant 0 : i32
      %dma_wait3A_145 = tpu.memref_slice %arg5[%add3A_139, %dma_wait3A] : memref<20224x48xf32, #tpu.memory_space<hbm>> -> memref<632x48xf32, #tpu.memory_space<hbm>>
      %dma_wait3A_146 = arith.constant 0 : i32
      %dma_wait3A_147 = tpu.memref_slice %arg9[%mul3A_134, %dma_wait3A_146] : memref<10112x48xf32, #tpu.memory_space<vmem_shared>> -> memref<632x48xf32, #tpu.memory_space<vmem_shared>>
      tpu.wait_dma2 semaphore(%run_scoped3A_140 : memref<!tpu.dma_semaphore, #tpu.memory_space<semaphore_mem>>) src(%dma_wait3A_147 : memref<632x48xf32, #tpu.memory_space<vmem_shared>>) dst(%dma_wait3A_145 : memref<632x48xf32, #tpu.memory_space<hbm>>)
      tpu.yield
    }) : () -> ()
    return
  }
}

#map = affine_map<(d0, d1) -> (0, 0, 0)>
#map1 = affine_map<(d0, d1) -> (0, 0)>
module attributes {stable_mosaic.version = 14 : i64} {
  func.func @deg_kernel(%arg0: i32, %arg1: i32, %arg2: memref<2x8000x40xi32, #tpu.memory_space<hbm>>, %arg3: memref<40x8xf32, #tpu.memory_space<hbm>>, %arg4: memref<10112x8xf32, #tpu.memory_space<hbm>>, %arg5: memref<20224x8xf32, #tpu.memory_space<hbm>>, %arg6: memref<250x40xi32, #tpu.memory_space<vmem>>, %arg7: memref<40x8xf32, #tpu.memory_space<vmem>>, %arg8: memref<10112x8xf32, #tpu.memory_space<vmem_shared>>, %arg9: memref<!tpu.dma_semaphore, #tpu.memory_space<semaphore_mem>>, %arg10: memref<!tpu.dma_semaphore, #tpu.memory_space<semaphore_mem>>, %arg11: memref<!tpu.dma_semaphore, #tpu.memory_space<semaphore_mem>>, %arg12: memref<!tpu.dma_semaphore, #tpu.memory_space<semaphore_mem>>, %arg13: memref<!tpu.dma_semaphore, #tpu.memory_space<semaphore_mem>>) attributes {dimension_semantics = [#tpu.dimension_semantics<core_parallel>, #tpu.dimension_semantics<subcore_parallel>], iteration_bounds = array<i64: 2, 16>, scalar_prefetch = 0 : i64, scratch_operands = 8 : i64, tpu.core_type = #tpu.core_type<sc_vector_subcore>, window_params = [{transform_indices = #map}, {transform_indices = #map1}, {transform_indices = #map1}, {transform_indices = #map1}]} {
    %mul3A = arith.constant 16 : i32
    %mul3A_0 = arith.muli %arg0, %mul3A : i32
    %add3A = arith.addi %mul3A_0, %arg1 : i32
    %mul3A_1 = arith.constant 250 : i32
    %mul3A_2 = arith.muli %add3A, %mul3A_1 : i32
    %mul3A_3 = arith.constant 632 : i32
    %mul3A_4 = arith.muli %arg1, %mul3A_3 : i32
    %mul3A_5 = arith.constant 632 : i32
    %mul3A_6 = arith.muli %arg1, %mul3A_5 : i32
    "tpu.region"() ({
      %run_scoped3A_54 = tpu.sem_alloc : memref<!tpu.dma_semaphore, #tpu.memory_space<semaphore_mem>>
      %dma_start3A_55 = arith.constant 0 : i32
      %dma_start3A_56 = tpu.memref_slice %arg8[%mul3A_6, %dma_start3A_55] : memref<10112x8xf32, #tpu.memory_space<vmem_shared>> -> memref<632x8xf32, #tpu.memory_space<vmem_shared>>
      %dma_start3A_57 = arith.constant 0 : i32
      %dma_start3A_58 = tpu.memref_slice %arg4[%mul3A_4, %dma_start3A_57] : memref<10112x8xf32, #tpu.memory_space<hbm>> -> memref<632x8xf32, #tpu.memory_space<hbm>>
      tpu.enqueue_dma source(%dma_start3A_58 : memref<632x8xf32, #tpu.memory_space<hbm>>) target(%dma_start3A_56 : memref<632x8xf32, #tpu.memory_space<vmem_shared>>) target_semaphore(%run_scoped3A_54 : memref<!tpu.dma_semaphore, #tpu.memory_space<semaphore_mem>>)
      %dma_wait3A = arith.constant 0 : i32
      %dma_wait3A_59 = tpu.memref_slice %arg8[%mul3A_6, %dma_wait3A] : memref<10112x8xf32, #tpu.memory_space<vmem_shared>> -> memref<632x8xf32, #tpu.memory_space<vmem_shared>>
      %dma_wait3A_60 = arith.constant 0 : i32
      %dma_wait3A_61 = tpu.memref_slice %arg4[%mul3A_4, %dma_wait3A_60] : memref<10112x8xf32, #tpu.memory_space<hbm>> -> memref<632x8xf32, #tpu.memory_space<hbm>>
      tpu.wait_dma2 semaphore(%run_scoped3A_54 : memref<!tpu.dma_semaphore, #tpu.memory_space<semaphore_mem>>) src(%dma_wait3A_61 : memref<632x8xf32, #tpu.memory_space<hbm>>) dst(%dma_wait3A_59 : memref<632x8xf32, #tpu.memory_space<vmem_shared>>)
      tpu.yield
    }) : () -> ()
    "tpu.region"() ({
      %run_scoped3A_54 = tpu.sem_alloc : memref<!tpu.dma_semaphore, #tpu.memory_space<semaphore_mem>>
      tpu.enqueue_dma source(%arg3 : memref<40x8xf32, #tpu.memory_space<hbm>>) target(%arg7 : memref<40x8xf32, #tpu.memory_space<vmem>>) target_semaphore(%run_scoped3A_54 : memref<!tpu.dma_semaphore, #tpu.memory_space<semaphore_mem>>)
      tpu.wait_dma2 semaphore(%run_scoped3A_54 : memref<!tpu.dma_semaphore, #tpu.memory_space<semaphore_mem>>) src(%arg3 : memref<40x8xf32, #tpu.memory_space<hbm>>) dst(%arg7 : memref<40x8xf32, #tpu.memory_space<vmem>>)
      tpu.yield
    }) : () -> ()
    %run_scoped3A = arith.constant 1 : i32
    "tpu.region"() ({
      %run_scoped3A_54 = tpu.sem_alloc : memref<!tpu.dma_semaphore, #tpu.memory_space<semaphore_mem>>
      %dma_start3A_55 = arith.constant 0 : i32
      %dma_start3A_56 = tpu.memref_slice %arg2[%run_scoped3A, %mul3A_2, %dma_start3A_55] : memref<2x8000x40xi32, #tpu.memory_space<hbm>> -> memref<1x250x40xi32, #tpu.memory_space<hbm>>
      %dma_start3A_57 = tpu.memref_squeeze %dma_start3A_56 : memref<1x250x40xi32, #tpu.memory_space<hbm>> -> memref<250x40xi32, #tpu.memory_space<hbm>>
      %dma_start3A_58 = arith.constant 0 : i32
      %dma_start3A_59 = tpu.memref_slice %arg2[%run_scoped3A, %mul3A_2, %dma_start3A_58] : memref<2x8000x40xi32, #tpu.memory_space<hbm>> -> memref<1x250x40xi32, #tpu.memory_space<hbm>>
      %dma_start3A_60 = tpu.memref_squeeze %dma_start3A_59 : memref<1x250x40xi32, #tpu.memory_space<hbm>> -> memref<250x40xi32, #tpu.memory_space<hbm>>
      tpu.enqueue_dma source(%dma_start3A_60 : memref<250x40xi32, #tpu.memory_space<hbm>>) target(%arg6 : memref<250x40xi32, #tpu.memory_space<vmem>>) target_semaphore(%run_scoped3A_54 : memref<!tpu.dma_semaphore, #tpu.memory_space<semaphore_mem>>)
      %dma_wait3A = arith.constant 0 : i32
      %dma_wait3A_61 = tpu.memref_slice %arg2[%run_scoped3A, %mul3A_2, %dma_wait3A] : memref<2x8000x40xi32, #tpu.memory_space<hbm>> -> memref<1x250x40xi32, #tpu.memory_space<hbm>>
      %dma_wait3A_62 = tpu.memref_squeeze %dma_wait3A_61 : memref<1x250x40xi32, #tpu.memory_space<hbm>> -> memref<250x40xi32, #tpu.memory_space<hbm>>
      %dma_wait3A_63 = arith.constant 0 : i32
      %dma_wait3A_64 = tpu.memref_slice %arg2[%run_scoped3A, %mul3A_2, %dma_wait3A_63] : memref<2x8000x40xi32, #tpu.memory_space<hbm>> -> memref<1x250x40xi32, #tpu.memory_space<hbm>>
      %dma_wait3A_65 = tpu.memref_squeeze %dma_wait3A_64 : memref<1x250x40xi32, #tpu.memory_space<hbm>> -> memref<250x40xi32, #tpu.memory_space<hbm>>
      tpu.wait_dma2 semaphore(%run_scoped3A_54 : memref<!tpu.dma_semaphore, #tpu.memory_space<semaphore_mem>>) src(%dma_wait3A_65 : memref<250x40xi32, #tpu.memory_space<hbm>>) dst(%arg6 : memref<250x40xi32, #tpu.memory_space<vmem>>)
      tpu.yield
    }) : () -> ()
    %barrier3A = arith.constant 0 : index
    tpu.barrier barrier_id(%barrier3A)
    %dma_start3A = arith.constant 0 : i32
    %dma_start3A_7 = arith.constant 0 : i32
    %dma_start3A_8 = tpu.memref_slice %arg6[%dma_start3A, %dma_start3A_7] : memref<250x40xi32, #tpu.memory_space<vmem>> -> memref<1x40xi32, #tpu.memory_space<vmem>>
    %dma_start3A_9 = tpu.memref_squeeze %dma_start3A_8 : memref<1x40xi32, #tpu.memory_space<vmem>> -> memref<40xi32, #tpu.memory_space<vmem>>
    %dma_start3A_10 = arith.constant 0 : i32
    %dma_start3A_11 = arith.constant 0 : i32
    %dma_start3A_12 = tpu.memref_slice %arg8[%dma_start3A_10, %dma_start3A_11] : memref<10112x8xf32, #tpu.memory_space<vmem_shared>> -> memref<10112x8xf32, #tpu.memory_space<vmem_shared>>
    tpu.enqueue_indirect_dma source(%arg7 : memref<40x8xf32, #tpu.memory_space<vmem>>) target(%dma_start3A_12 : memref<10112x8xf32, #tpu.memory_space<vmem_shared>>) offsets(%dma_start3A_9 : memref<40xi32, #tpu.memory_space<vmem>>) semaphore(%arg9 : memref<!tpu.dma_semaphore, #tpu.memory_space<semaphore_mem>>) {add = true}
    %dma_start3A_13 = arith.constant 1 : i32
    %dma_start3A_14 = arith.constant 0 : i32
    %dma_start3A_15 = tpu.memref_slice %arg6[%dma_start3A_13, %dma_start3A_14] : memref<250x40xi32, #tpu.memory_space<vmem>> -> memref<1x40xi32, #tpu.memory_space<vmem>>
    %dma_start3A_16 = tpu.memref_squeeze %dma_start3A_15 : memref<1x40xi32, #tpu.memory_space<vmem>> -> memref<40xi32, #tpu.memory_space<vmem>>
    %dma_start3A_17 = arith.constant 0 : i32
    %dma_start3A_18 = arith.constant 0 : i32
    %dma_start3A_19 = tpu.memref_slice %arg8[%dma_start3A_17, %dma_start3A_18] : memref<10112x8xf32, #tpu.memory_space<vmem_shared>> -> memref<10112x8xf32, #tpu.memory_space<vmem_shared>>
    tpu.enqueue_indirect_dma source(%arg7 : memref<40x8xf32, #tpu.memory_space<vmem>>) target(%dma_start3A_19 : memref<10112x8xf32, #tpu.memory_space<vmem_shared>>) offsets(%dma_start3A_16 : memref<40xi32, #tpu.memory_space<vmem>>) semaphore(%arg10 : memref<!tpu.dma_semaphore, #tpu.memory_space<semaphore_mem>>) {add = true}
    %dma_start3A_20 = arith.constant 2 : i32
    %dma_start3A_21 = arith.constant 0 : i32
    %dma_start3A_22 = tpu.memref_slice %arg6[%dma_start3A_20, %dma_start3A_21] : memref<250x40xi32, #tpu.memory_space<vmem>> -> memref<1x40xi32, #tpu.memory_space<vmem>>
    %dma_start3A_23 = tpu.memref_squeeze %dma_start3A_22 : memref<1x40xi32, #tpu.memory_space<vmem>> -> memref<40xi32, #tpu.memory_space<vmem>>
    %dma_start3A_24 = arith.constant 0 : i32
    %dma_start3A_25 = arith.constant 0 : i32
    %dma_start3A_26 = tpu.memref_slice %arg8[%dma_start3A_24, %dma_start3A_25] : memref<10112x8xf32, #tpu.memory_space<vmem_shared>> -> memref<10112x8xf32, #tpu.memory_space<vmem_shared>>
    tpu.enqueue_indirect_dma source(%arg7 : memref<40x8xf32, #tpu.memory_space<vmem>>) target(%dma_start3A_26 : memref<10112x8xf32, #tpu.memory_space<vmem_shared>>) offsets(%dma_start3A_23 : memref<40xi32, #tpu.memory_space<vmem>>) semaphore(%arg11 : memref<!tpu.dma_semaphore, #tpu.memory_space<semaphore_mem>>) {add = true}
    %dma_start3A_27 = arith.constant 3 : i32
    %dma_start3A_28 = arith.constant 0 : i32
    %dma_start3A_29 = tpu.memref_slice %arg6[%dma_start3A_27, %dma_start3A_28] : memref<250x40xi32, #tpu.memory_space<vmem>> -> memref<1x40xi32, #tpu.memory_space<vmem>>
    %dma_start3A_30 = tpu.memref_squeeze %dma_start3A_29 : memref<1x40xi32, #tpu.memory_space<vmem>> -> memref<40xi32, #tpu.memory_space<vmem>>
    %dma_start3A_31 = arith.constant 0 : i32
    %dma_start3A_32 = arith.constant 0 : i32
    %dma_start3A_33 = tpu.memref_slice %arg8[%dma_start3A_31, %dma_start3A_32] : memref<10112x8xf32, #tpu.memory_space<vmem_shared>> -> memref<10112x8xf32, #tpu.memory_space<vmem_shared>>
    tpu.enqueue_indirect_dma source(%arg7 : memref<40x8xf32, #tpu.memory_space<vmem>>) target(%dma_start3A_33 : memref<10112x8xf32, #tpu.memory_space<vmem_shared>>) offsets(%dma_start3A_30 : memref<40xi32, #tpu.memory_space<vmem>>) semaphore(%arg12 : memref<!tpu.dma_semaphore, #tpu.memory_space<semaphore_mem>>) {add = true}
    %dma_start3A_34 = arith.constant 4 : i32
    %dma_start3A_35 = arith.constant 0 : i32
    %dma_start3A_36 = tpu.memref_slice %arg6[%dma_start3A_34, %dma_start3A_35] : memref<250x40xi32, #tpu.memory_space<vmem>> -> memref<1x40xi32, #tpu.memory_space<vmem>>
    %dma_start3A_37 = tpu.memref_squeeze %dma_start3A_36 : memref<1x40xi32, #tpu.memory_space<vmem>> -> memref<40xi32, #tpu.memory_space<vmem>>
    %dma_start3A_38 = arith.constant 0 : i32
    %dma_start3A_39 = arith.constant 0 : i32
    %dma_start3A_40 = tpu.memref_slice %arg8[%dma_start3A_38, %dma_start3A_39] : memref<10112x8xf32, #tpu.memory_space<vmem_shared>> -> memref<10112x8xf32, #tpu.memory_space<vmem_shared>>
    tpu.enqueue_indirect_dma source(%arg7 : memref<40x8xf32, #tpu.memory_space<vmem>>) target(%dma_start3A_40 : memref<10112x8xf32, #tpu.memory_space<vmem_shared>>) offsets(%dma_start3A_37 : memref<40xi32, #tpu.memory_space<vmem>>) semaphore(%arg13 : memref<!tpu.dma_semaphore, #tpu.memory_space<semaphore_mem>>) {add = true}
    %scan3A = arith.constant 0 : i32
    %scan3A_41 = arith.constant 0 : i32
    %scan3A_42 = arith.constant 50 : i32
    %scan3A_43 = arith.addi %scan3A_41, %scan3A_42 : i32
    %scan3A_44 = arith.constant 1 : i32
    scf.for %scan3A_54 = %scan3A_41 to %scan3A_43 step %scan3A_44  : i32 {
      %mul3A_55 = arith.constant 5 : i32
      %mul3A_56 = arith.muli %scan3A_54, %mul3A_55 : i32
      %add3A_57 = arith.constant 0 : i32
      %add3A_58 = arith.addi %mul3A_56, %add3A_57 : i32
      %dma_wait3A = arith.constant 0 : i32
      %dma_wait3A_59 = tpu.memref_slice %arg6[%add3A_58, %dma_wait3A] : memref<250x40xi32, #tpu.memory_space<vmem>> -> memref<1x40xi32, #tpu.memory_space<vmem>>
      %dma_wait3A_60 = tpu.memref_squeeze %dma_wait3A_59 : memref<1x40xi32, #tpu.memory_space<vmem>> -> memref<40xi32, #tpu.memory_space<vmem>>
      %dma_wait3A_61 = arith.constant 0 : i32
      %dma_wait3A_62 = arith.constant 0 : i32
      %dma_wait3A_63 = tpu.memref_slice %arg8[%dma_wait3A_61, %dma_wait3A_62] : memref<10112x8xf32, #tpu.memory_space<vmem_shared>> -> memref<10112x8xf32, #tpu.memory_space<vmem_shared>>
      tpu.wait_indirect_dma semaphore(%arg9 : memref<!tpu.dma_semaphore, #tpu.memory_space<semaphore_mem>>) src(%arg7 : memref<40x8xf32, #tpu.memory_space<vmem>>) dst(%dma_wait3A_63 : memref<10112x8xf32, #tpu.memory_space<vmem_shared>>)
      %lt3A = arith.constant 49 : i32
      %lt3A_64 = arith.cmpi slt, %scan3A_54, %lt3A : i32
      %convert_element_type3A = arith.extui %lt3A_64 : i1 to i32
      %cond3A = arith.constant 0 : i32
      %cond3A_65 = arith.cmpi ne, %convert_element_type3A, %cond3A : i32
      scf.if %cond3A_65 {
        %add3A_126 = arith.constant 5 : i32
        %add3A_127 = arith.addi %add3A_58, %add3A_126 : i32
        %dma_start3A_128 = arith.constant 0 : i32
        %dma_start3A_129 = tpu.memref_slice %arg6[%add3A_127, %dma_start3A_128] : memref<250x40xi32, #tpu.memory_space<vmem>> -> memref<1x40xi32, #tpu.memory_space<vmem>>
        %dma_start3A_130 = tpu.memref_squeeze %dma_start3A_129 : memref<1x40xi32, #tpu.memory_space<vmem>> -> memref<40xi32, #tpu.memory_space<vmem>>
        %dma_start3A_131 = arith.constant 0 : i32
        %dma_start3A_132 = arith.constant 0 : i32
        %dma_start3A_133 = tpu.memref_slice %arg8[%dma_start3A_131, %dma_start3A_132] : memref<10112x8xf32, #tpu.memory_space<vmem_shared>> -> memref<10112x8xf32, #tpu.memory_space<vmem_shared>>
        tpu.enqueue_indirect_dma source(%arg7 : memref<40x8xf32, #tpu.memory_space<vmem>>) target(%dma_start3A_133 : memref<10112x8xf32, #tpu.memory_space<vmem_shared>>) offsets(%dma_start3A_130 : memref<40xi32, #tpu.memory_space<vmem>>) semaphore(%arg9 : memref<!tpu.dma_semaphore, #tpu.memory_space<semaphore_mem>>) {add = true}
      } else {
      }
      %mul3A_66 = arith.constant 5 : i32
      %mul3A_67 = arith.muli %scan3A_54, %mul3A_66 : i32
      %add3A_68 = arith.constant 1 : i32
      %add3A_69 = arith.addi %mul3A_67, %add3A_68 : i32
      %dma_wait3A_70 = arith.constant 0 : i32
      %dma_wait3A_71 = tpu.memref_slice %arg6[%add3A_69, %dma_wait3A_70] : memref<250x40xi32, #tpu.memory_space<vmem>> -> memref<1x40xi32, #tpu.memory_space<vmem>>
      %dma_wait3A_72 = tpu.memref_squeeze %dma_wait3A_71 : memref<1x40xi32, #tpu.memory_space<vmem>> -> memref<40xi32, #tpu.memory_space<vmem>>
      %dma_wait3A_73 = arith.constant 0 : i32
      %dma_wait3A_74 = arith.constant 0 : i32
      %dma_wait3A_75 = tpu.memref_slice %arg8[%dma_wait3A_73, %dma_wait3A_74] : memref<10112x8xf32, #tpu.memory_space<vmem_shared>> -> memref<10112x8xf32, #tpu.memory_space<vmem_shared>>
      tpu.wait_indirect_dma semaphore(%arg10 : memref<!tpu.dma_semaphore, #tpu.memory_space<semaphore_mem>>) src(%arg7 : memref<40x8xf32, #tpu.memory_space<vmem>>) dst(%dma_wait3A_75 : memref<10112x8xf32, #tpu.memory_space<vmem_shared>>)
      %lt3A_76 = arith.constant 49 : i32
      %lt3A_77 = arith.cmpi slt, %scan3A_54, %lt3A_76 : i32
      %convert_element_type3A_78 = arith.extui %lt3A_77 : i1 to i32
      %cond3A_79 = arith.constant 0 : i32
      %cond3A_80 = arith.cmpi ne, %convert_element_type3A_78, %cond3A_79 : i32
      scf.if %cond3A_80 {
        %add3A_126 = arith.constant 5 : i32
        %add3A_127 = arith.addi %add3A_69, %add3A_126 : i32
        %dma_start3A_128 = arith.constant 0 : i32
        %dma_start3A_129 = tpu.memref_slice %arg6[%add3A_127, %dma_start3A_128] : memref<250x40xi32, #tpu.memory_space<vmem>> -> memref<1x40xi32, #tpu.memory_space<vmem>>
        %dma_start3A_130 = tpu.memref_squeeze %dma_start3A_129 : memref<1x40xi32, #tpu.memory_space<vmem>> -> memref<40xi32, #tpu.memory_space<vmem>>
        %dma_start3A_131 = arith.constant 0 : i32
        %dma_start3A_132 = arith.constant 0 : i32
        %dma_start3A_133 = tpu.memref_slice %arg8[%dma_start3A_131, %dma_start3A_132] : memref<10112x8xf32, #tpu.memory_space<vmem_shared>> -> memref<10112x8xf32, #tpu.memory_space<vmem_shared>>
        tpu.enqueue_indirect_dma source(%arg7 : memref<40x8xf32, #tpu.memory_space<vmem>>) target(%dma_start3A_133 : memref<10112x8xf32, #tpu.memory_space<vmem_shared>>) offsets(%dma_start3A_130 : memref<40xi32, #tpu.memory_space<vmem>>) semaphore(%arg10 : memref<!tpu.dma_semaphore, #tpu.memory_space<semaphore_mem>>) {add = true}
      } else {
      }
      %mul3A_81 = arith.constant 5 : i32
      %mul3A_82 = arith.muli %scan3A_54, %mul3A_81 : i32
      %add3A_83 = arith.constant 2 : i32
      %add3A_84 = arith.addi %mul3A_82, %add3A_83 : i32
      %dma_wait3A_85 = arith.constant 0 : i32
      %dma_wait3A_86 = tpu.memref_slice %arg6[%add3A_84, %dma_wait3A_85] : memref<250x40xi32, #tpu.memory_space<vmem>> -> memref<1x40xi32, #tpu.memory_space<vmem>>
      %dma_wait3A_87 = tpu.memref_squeeze %dma_wait3A_86 : memref<1x40xi32, #tpu.memory_space<vmem>> -> memref<40xi32, #tpu.memory_space<vmem>>
      %dma_wait3A_88 = arith.constant 0 : i32
      %dma_wait3A_89 = arith.constant 0 : i32
      %dma_wait3A_90 = tpu.memref_slice %arg8[%dma_wait3A_88, %dma_wait3A_89] : memref<10112x8xf32, #tpu.memory_space<vmem_shared>> -> memref<10112x8xf32, #tpu.memory_space<vmem_shared>>
      tpu.wait_indirect_dma semaphore(%arg11 : memref<!tpu.dma_semaphore, #tpu.memory_space<semaphore_mem>>) src(%arg7 : memref<40x8xf32, #tpu.memory_space<vmem>>) dst(%dma_wait3A_90 : memref<10112x8xf32, #tpu.memory_space<vmem_shared>>)
      %lt3A_91 = arith.constant 49 : i32
      %lt3A_92 = arith.cmpi slt, %scan3A_54, %lt3A_91 : i32
      %convert_element_type3A_93 = arith.extui %lt3A_92 : i1 to i32
      %cond3A_94 = arith.constant 0 : i32
      %cond3A_95 = arith.cmpi ne, %convert_element_type3A_93, %cond3A_94 : i32
      scf.if %cond3A_95 {
        %add3A_126 = arith.constant 5 : i32
        %add3A_127 = arith.addi %add3A_84, %add3A_126 : i32
        %dma_start3A_128 = arith.constant 0 : i32
        %dma_start3A_129 = tpu.memref_slice %arg6[%add3A_127, %dma_start3A_128] : memref<250x40xi32, #tpu.memory_space<vmem>> -> memref<1x40xi32, #tpu.memory_space<vmem>>
        %dma_start3A_130 = tpu.memref_squeeze %dma_start3A_129 : memref<1x40xi32, #tpu.memory_space<vmem>> -> memref<40xi32, #tpu.memory_space<vmem>>
        %dma_start3A_131 = arith.constant 0 : i32
        %dma_start3A_132 = arith.constant 0 : i32
        %dma_start3A_133 = tpu.memref_slice %arg8[%dma_start3A_131, %dma_start3A_132] : memref<10112x8xf32, #tpu.memory_space<vmem_shared>> -> memref<10112x8xf32, #tpu.memory_space<vmem_shared>>
        tpu.enqueue_indirect_dma source(%arg7 : memref<40x8xf32, #tpu.memory_space<vmem>>) target(%dma_start3A_133 : memref<10112x8xf32, #tpu.memory_space<vmem_shared>>) offsets(%dma_start3A_130 : memref<40xi32, #tpu.memory_space<vmem>>) semaphore(%arg11 : memref<!tpu.dma_semaphore, #tpu.memory_space<semaphore_mem>>) {add = true}
      } else {
      }
      %mul3A_96 = arith.constant 5 : i32
      %mul3A_97 = arith.muli %scan3A_54, %mul3A_96 : i32
      %add3A_98 = arith.constant 3 : i32
      %add3A_99 = arith.addi %mul3A_97, %add3A_98 : i32
      %dma_wait3A_100 = arith.constant 0 : i32
      %dma_wait3A_101 = tpu.memref_slice %arg6[%add3A_99, %dma_wait3A_100] : memref<250x40xi32, #tpu.memory_space<vmem>> -> memref<1x40xi32, #tpu.memory_space<vmem>>
      %dma_wait3A_102 = tpu.memref_squeeze %dma_wait3A_101 : memref<1x40xi32, #tpu.memory_space<vmem>> -> memref<40xi32, #tpu.memory_space<vmem>>
      %dma_wait3A_103 = arith.constant 0 : i32
      %dma_wait3A_104 = arith.constant 0 : i32
      %dma_wait3A_105 = tpu.memref_slice %arg8[%dma_wait3A_103, %dma_wait3A_104] : memref<10112x8xf32, #tpu.memory_space<vmem_shared>> -> memref<10112x8xf32, #tpu.memory_space<vmem_shared>>
      tpu.wait_indirect_dma semaphore(%arg12 : memref<!tpu.dma_semaphore, #tpu.memory_space<semaphore_mem>>) src(%arg7 : memref<40x8xf32, #tpu.memory_space<vmem>>) dst(%dma_wait3A_105 : memref<10112x8xf32, #tpu.memory_space<vmem_shared>>)
      %lt3A_106 = arith.constant 49 : i32
      %lt3A_107 = arith.cmpi slt, %scan3A_54, %lt3A_106 : i32
      %convert_element_type3A_108 = arith.extui %lt3A_107 : i1 to i32
      %cond3A_109 = arith.constant 0 : i32
      %cond3A_110 = arith.cmpi ne, %convert_element_type3A_108, %cond3A_109 : i32
      scf.if %cond3A_110 {
        %add3A_126 = arith.constant 5 : i32
        %add3A_127 = arith.addi %add3A_99, %add3A_126 : i32
        %dma_start3A_128 = arith.constant 0 : i32
        %dma_start3A_129 = tpu.memref_slice %arg6[%add3A_127, %dma_start3A_128] : memref<250x40xi32, #tpu.memory_space<vmem>> -> memref<1x40xi32, #tpu.memory_space<vmem>>
        %dma_start3A_130 = tpu.memref_squeeze %dma_start3A_129 : memref<1x40xi32, #tpu.memory_space<vmem>> -> memref<40xi32, #tpu.memory_space<vmem>>
        %dma_start3A_131 = arith.constant 0 : i32
        %dma_start3A_132 = arith.constant 0 : i32
        %dma_start3A_133 = tpu.memref_slice %arg8[%dma_start3A_131, %dma_start3A_132] : memref<10112x8xf32, #tpu.memory_space<vmem_shared>> -> memref<10112x8xf32, #tpu.memory_space<vmem_shared>>
        tpu.enqueue_indirect_dma source(%arg7 : memref<40x8xf32, #tpu.memory_space<vmem>>) target(%dma_start3A_133 : memref<10112x8xf32, #tpu.memory_space<vmem_shared>>) offsets(%dma_start3A_130 : memref<40xi32, #tpu.memory_space<vmem>>) semaphore(%arg12 : memref<!tpu.dma_semaphore, #tpu.memory_space<semaphore_mem>>) {add = true}
      } else {
      }
      %mul3A_111 = arith.constant 5 : i32
      %mul3A_112 = arith.muli %scan3A_54, %mul3A_111 : i32
      %add3A_113 = arith.constant 4 : i32
      %add3A_114 = arith.addi %mul3A_112, %add3A_113 : i32
      %dma_wait3A_115 = arith.constant 0 : i32
      %dma_wait3A_116 = tpu.memref_slice %arg6[%add3A_114, %dma_wait3A_115] : memref<250x40xi32, #tpu.memory_space<vmem>> -> memref<1x40xi32, #tpu.memory_space<vmem>>
      %dma_wait3A_117 = tpu.memref_squeeze %dma_wait3A_116 : memref<1x40xi32, #tpu.memory_space<vmem>> -> memref<40xi32, #tpu.memory_space<vmem>>
      %dma_wait3A_118 = arith.constant 0 : i32
      %dma_wait3A_119 = arith.constant 0 : i32
      %dma_wait3A_120 = tpu.memref_slice %arg8[%dma_wait3A_118, %dma_wait3A_119] : memref<10112x8xf32, #tpu.memory_space<vmem_shared>> -> memref<10112x8xf32, #tpu.memory_space<vmem_shared>>
      tpu.wait_indirect_dma semaphore(%arg13 : memref<!tpu.dma_semaphore, #tpu.memory_space<semaphore_mem>>) src(%arg7 : memref<40x8xf32, #tpu.memory_space<vmem>>) dst(%dma_wait3A_120 : memref<10112x8xf32, #tpu.memory_space<vmem_shared>>)
      %lt3A_121 = arith.constant 49 : i32
      %lt3A_122 = arith.cmpi slt, %scan3A_54, %lt3A_121 : i32
      %convert_element_type3A_123 = arith.extui %lt3A_122 : i1 to i32
      %cond3A_124 = arith.constant 0 : i32
      %cond3A_125 = arith.cmpi ne, %convert_element_type3A_123, %cond3A_124 : i32
      scf.if %cond3A_125 {
        %add3A_126 = arith.constant 5 : i32
        %add3A_127 = arith.addi %add3A_114, %add3A_126 : i32
        %dma_start3A_128 = arith.constant 0 : i32
        %dma_start3A_129 = tpu.memref_slice %arg6[%add3A_127, %dma_start3A_128] : memref<250x40xi32, #tpu.memory_space<vmem>> -> memref<1x40xi32, #tpu.memory_space<vmem>>
        %dma_start3A_130 = tpu.memref_squeeze %dma_start3A_129 : memref<1x40xi32, #tpu.memory_space<vmem>> -> memref<40xi32, #tpu.memory_space<vmem>>
        %dma_start3A_131 = arith.constant 0 : i32
        %dma_start3A_132 = arith.constant 0 : i32
        %dma_start3A_133 = tpu.memref_slice %arg8[%dma_start3A_131, %dma_start3A_132] : memref<10112x8xf32, #tpu.memory_space<vmem_shared>> -> memref<10112x8xf32, #tpu.memory_space<vmem_shared>>
        tpu.enqueue_indirect_dma source(%arg7 : memref<40x8xf32, #tpu.memory_space<vmem>>) target(%dma_start3A_133 : memref<10112x8xf32, #tpu.memory_space<vmem_shared>>) offsets(%dma_start3A_130 : memref<40xi32, #tpu.memory_space<vmem>>) semaphore(%arg13 : memref<!tpu.dma_semaphore, #tpu.memory_space<semaphore_mem>>) {add = true}
      } else {
      }
    }
    %scan3A_45 = arith.constant 50 : i32
    %barrier3A_46 = arith.constant 0 : index
    tpu.barrier barrier_id(%barrier3A_46)
    %mul3A_47 = arith.constant 632 : i32
    %mul3A_48 = arith.muli %arg1, %mul3A_47 : i32
    %mul3A_49 = arith.constant 10112 : i32
    %mul3A_50 = arith.muli %arg0, %mul3A_49 : i32
    %mul3A_51 = arith.constant 632 : i32
    %mul3A_52 = arith.muli %arg1, %mul3A_51 : i32
    %add3A_53 = arith.addi %mul3A_50, %mul3A_52 : i32
    "tpu.region"() ({
      %run_scoped3A_54 = tpu.sem_alloc : memref<!tpu.dma_semaphore, #tpu.memory_space<semaphore_mem>>
      %dma_start3A_55 = arith.constant 0 : i32
      %dma_start3A_56 = tpu.memref_slice %arg5[%add3A_53, %dma_start3A_55] : memref<20224x8xf32, #tpu.memory_space<hbm>> -> memref<632x8xf32, #tpu.memory_space<hbm>>
      %dma_start3A_57 = arith.constant 0 : i32
      %dma_start3A_58 = tpu.memref_slice %arg8[%mul3A_48, %dma_start3A_57] : memref<10112x8xf32, #tpu.memory_space<vmem_shared>> -> memref<632x8xf32, #tpu.memory_space<vmem_shared>>
      tpu.enqueue_dma source(%dma_start3A_58 : memref<632x8xf32, #tpu.memory_space<vmem_shared>>) target(%dma_start3A_56 : memref<632x8xf32, #tpu.memory_space<hbm>>) target_semaphore(%run_scoped3A_54 : memref<!tpu.dma_semaphore, #tpu.memory_space<semaphore_mem>>)
      %dma_wait3A = arith.constant 0 : i32
      %dma_wait3A_59 = tpu.memref_slice %arg5[%add3A_53, %dma_wait3A] : memref<20224x8xf32, #tpu.memory_space<hbm>> -> memref<632x8xf32, #tpu.memory_space<hbm>>
      %dma_wait3A_60 = arith.constant 0 : i32
      %dma_wait3A_61 = tpu.memref_slice %arg8[%mul3A_48, %dma_wait3A_60] : memref<10112x8xf32, #tpu.memory_space<vmem_shared>> -> memref<632x8xf32, #tpu.memory_space<vmem_shared>>
      tpu.wait_dma2 semaphore(%run_scoped3A_54 : memref<!tpu.dma_semaphore, #tpu.memory_space<semaphore_mem>>) src(%dma_wait3A_61 : memref<632x8xf32, #tpu.memory_space<vmem_shared>>) dst(%dma_wait3A_59 : memref<632x8xf32, #tpu.memory_space<hbm>>)
      tpu.yield
    }) : () -> ()
    return
  }
}

#map = affine_map<(d0, d1) -> (0, 0, 0)>
#map1 = affine_map<(d0, d1) -> (0, 0)>
module attributes {stable_mosaic.version = 14 : i64} {
  func.func @agg_kernel(%arg0: i32, %arg1: i32, %arg2: memref<2x8000x40xi32, #tpu.memory_space<hbm>>, %arg3: memref<10000x128xf32, #tpu.memory_space<hbm>>, %arg4: memref<10112x128xf32, #tpu.memory_space<hbm>>, %arg5: memref<20224x128xf32, #tpu.memory_space<hbm>>, %arg6: memref<250x40xi32, #tpu.memory_space<vmem>>, %arg7: memref<250x40xi32, #tpu.memory_space<vmem>>, %arg8: memref<5x40x128xf32, #tpu.memory_space<vmem>>, %arg9: memref<10112x128xf32, #tpu.memory_space<vmem_shared>>, %arg10: memref<!tpu.dma_semaphore, #tpu.memory_space<semaphore_mem>>, %arg11: memref<!tpu.dma_semaphore, #tpu.memory_space<semaphore_mem>>, %arg12: memref<!tpu.dma_semaphore, #tpu.memory_space<semaphore_mem>>, %arg13: memref<!tpu.dma_semaphore, #tpu.memory_space<semaphore_mem>>, %arg14: memref<!tpu.dma_semaphore, #tpu.memory_space<semaphore_mem>>) attributes {dimension_semantics = [#tpu.dimension_semantics<core_parallel>, #tpu.dimension_semantics<subcore_parallel>], iteration_bounds = array<i64: 2, 16>, scalar_prefetch = 0 : i64, scratch_operands = 9 : i64, tpu.core_type = #tpu.core_type<sc_vector_subcore>, window_params = [{transform_indices = #map}, {transform_indices = #map1}, {transform_indices = #map1}, {transform_indices = #map1}]} {
    %mul3A = arith.constant 16 : i32
    %mul3A_0 = arith.muli %arg0, %mul3A : i32
    %add3A = arith.addi %mul3A_0, %arg1 : i32
    %mul3A_1 = arith.constant 250 : i32
    %mul3A_2 = arith.muli %add3A, %mul3A_1 : i32
    %mul3A_3 = arith.constant 632 : i32
    %mul3A_4 = arith.muli %arg1, %mul3A_3 : i32
    %mul3A_5 = arith.constant 632 : i32
    %mul3A_6 = arith.muli %arg1, %mul3A_5 : i32
    "tpu.region"() ({
      %run_scoped3A_80 = tpu.sem_alloc : memref<!tpu.dma_semaphore, #tpu.memory_space<semaphore_mem>>
      %dma_start3A_81 = arith.constant 0 : i32
      %dma_start3A_82 = tpu.memref_slice %arg9[%mul3A_6, %dma_start3A_81] : memref<10112x128xf32, #tpu.memory_space<vmem_shared>> -> memref<632x128xf32, #tpu.memory_space<vmem_shared>>
      %dma_start3A_83 = arith.constant 0 : i32
      %dma_start3A_84 = tpu.memref_slice %arg4[%mul3A_4, %dma_start3A_83] : memref<10112x128xf32, #tpu.memory_space<hbm>> -> memref<632x128xf32, #tpu.memory_space<hbm>>
      tpu.enqueue_dma source(%dma_start3A_84 : memref<632x128xf32, #tpu.memory_space<hbm>>) target(%dma_start3A_82 : memref<632x128xf32, #tpu.memory_space<vmem_shared>>) target_semaphore(%run_scoped3A_80 : memref<!tpu.dma_semaphore, #tpu.memory_space<semaphore_mem>>)
      %dma_wait3A = arith.constant 0 : i32
      %dma_wait3A_85 = tpu.memref_slice %arg9[%mul3A_6, %dma_wait3A] : memref<10112x128xf32, #tpu.memory_space<vmem_shared>> -> memref<632x128xf32, #tpu.memory_space<vmem_shared>>
      %dma_wait3A_86 = arith.constant 0 : i32
      %dma_wait3A_87 = tpu.memref_slice %arg4[%mul3A_4, %dma_wait3A_86] : memref<10112x128xf32, #tpu.memory_space<hbm>> -> memref<632x128xf32, #tpu.memory_space<hbm>>
      tpu.wait_dma2 semaphore(%run_scoped3A_80 : memref<!tpu.dma_semaphore, #tpu.memory_space<semaphore_mem>>) src(%dma_wait3A_87 : memref<632x128xf32, #tpu.memory_space<hbm>>) dst(%dma_wait3A_85 : memref<632x128xf32, #tpu.memory_space<vmem_shared>>)
      tpu.yield
    }) : () -> ()
    %run_scoped3A = arith.constant 0 : i32
    "tpu.region"() ({
      %run_scoped3A_80 = tpu.sem_alloc : memref<!tpu.dma_semaphore, #tpu.memory_space<semaphore_mem>>
      %dma_start3A_81 = arith.constant 0 : i32
      %dma_start3A_82 = tpu.memref_slice %arg2[%run_scoped3A, %mul3A_2, %dma_start3A_81] : memref<2x8000x40xi32, #tpu.memory_space<hbm>> -> memref<1x250x40xi32, #tpu.memory_space<hbm>>
      %dma_start3A_83 = tpu.memref_squeeze %dma_start3A_82 : memref<1x250x40xi32, #tpu.memory_space<hbm>> -> memref<250x40xi32, #tpu.memory_space<hbm>>
      %dma_start3A_84 = arith.constant 0 : i32
      %dma_start3A_85 = tpu.memref_slice %arg2[%run_scoped3A, %mul3A_2, %dma_start3A_84] : memref<2x8000x40xi32, #tpu.memory_space<hbm>> -> memref<1x250x40xi32, #tpu.memory_space<hbm>>
      %dma_start3A_86 = tpu.memref_squeeze %dma_start3A_85 : memref<1x250x40xi32, #tpu.memory_space<hbm>> -> memref<250x40xi32, #tpu.memory_space<hbm>>
      tpu.enqueue_dma source(%dma_start3A_86 : memref<250x40xi32, #tpu.memory_space<hbm>>) target(%arg6 : memref<250x40xi32, #tpu.memory_space<vmem>>) target_semaphore(%run_scoped3A_80 : memref<!tpu.dma_semaphore, #tpu.memory_space<semaphore_mem>>)
      %dma_wait3A = arith.constant 0 : i32
      %dma_wait3A_87 = tpu.memref_slice %arg2[%run_scoped3A, %mul3A_2, %dma_wait3A] : memref<2x8000x40xi32, #tpu.memory_space<hbm>> -> memref<1x250x40xi32, #tpu.memory_space<hbm>>
      %dma_wait3A_88 = tpu.memref_squeeze %dma_wait3A_87 : memref<1x250x40xi32, #tpu.memory_space<hbm>> -> memref<250x40xi32, #tpu.memory_space<hbm>>
      %dma_wait3A_89 = arith.constant 0 : i32
      %dma_wait3A_90 = tpu.memref_slice %arg2[%run_scoped3A, %mul3A_2, %dma_wait3A_89] : memref<2x8000x40xi32, #tpu.memory_space<hbm>> -> memref<1x250x40xi32, #tpu.memory_space<hbm>>
      %dma_wait3A_91 = tpu.memref_squeeze %dma_wait3A_90 : memref<1x250x40xi32, #tpu.memory_space<hbm>> -> memref<250x40xi32, #tpu.memory_space<hbm>>
      tpu.wait_dma2 semaphore(%run_scoped3A_80 : memref<!tpu.dma_semaphore, #tpu.memory_space<semaphore_mem>>) src(%dma_wait3A_91 : memref<250x40xi32, #tpu.memory_space<hbm>>) dst(%arg6 : memref<250x40xi32, #tpu.memory_space<vmem>>)
      tpu.yield
    }) : () -> ()
    %run_scoped3A_7 = arith.constant 1 : i32
    "tpu.region"() ({
      %run_scoped3A_80 = tpu.sem_alloc : memref<!tpu.dma_semaphore, #tpu.memory_space<semaphore_mem>>
      %dma_start3A_81 = arith.constant 0 : i32
      %dma_start3A_82 = tpu.memref_slice %arg2[%run_scoped3A_7, %mul3A_2, %dma_start3A_81] : memref<2x8000x40xi32, #tpu.memory_space<hbm>> -> memref<1x250x40xi32, #tpu.memory_space<hbm>>
      %dma_start3A_83 = tpu.memref_squeeze %dma_start3A_82 : memref<1x250x40xi32, #tpu.memory_space<hbm>> -> memref<250x40xi32, #tpu.memory_space<hbm>>
      %dma_start3A_84 = arith.constant 0 : i32
      %dma_start3A_85 = tpu.memref_slice %arg2[%run_scoped3A_7, %mul3A_2, %dma_start3A_84] : memref<2x8000x40xi32, #tpu.memory_space<hbm>> -> memref<1x250x40xi32, #tpu.memory_space<hbm>>
      %dma_start3A_86 = tpu.memref_squeeze %dma_start3A_85 : memref<1x250x40xi32, #tpu.memory_space<hbm>> -> memref<250x40xi32, #tpu.memory_space<hbm>>
      tpu.enqueue_dma source(%dma_start3A_86 : memref<250x40xi32, #tpu.memory_space<hbm>>) target(%arg7 : memref<250x40xi32, #tpu.memory_space<vmem>>) target_semaphore(%run_scoped3A_80 : memref<!tpu.dma_semaphore, #tpu.memory_space<semaphore_mem>>)
      %dma_wait3A = arith.constant 0 : i32
      %dma_wait3A_87 = tpu.memref_slice %arg2[%run_scoped3A_7, %mul3A_2, %dma_wait3A] : memref<2x8000x40xi32, #tpu.memory_space<hbm>> -> memref<1x250x40xi32, #tpu.memory_space<hbm>>
      %dma_wait3A_88 = tpu.memref_squeeze %dma_wait3A_87 : memref<1x250x40xi32, #tpu.memory_space<hbm>> -> memref<250x40xi32, #tpu.memory_space<hbm>>
      %dma_wait3A_89 = arith.constant 0 : i32
      %dma_wait3A_90 = tpu.memref_slice %arg2[%run_scoped3A_7, %mul3A_2, %dma_wait3A_89] : memref<2x8000x40xi32, #tpu.memory_space<hbm>> -> memref<1x250x40xi32, #tpu.memory_space<hbm>>
      %dma_wait3A_91 = tpu.memref_squeeze %dma_wait3A_90 : memref<1x250x40xi32, #tpu.memory_space<hbm>> -> memref<250x40xi32, #tpu.memory_space<hbm>>
      tpu.wait_dma2 semaphore(%run_scoped3A_80 : memref<!tpu.dma_semaphore, #tpu.memory_space<semaphore_mem>>) src(%dma_wait3A_91 : memref<250x40xi32, #tpu.memory_space<hbm>>) dst(%arg7 : memref<250x40xi32, #tpu.memory_space<vmem>>)
      tpu.yield
    }) : () -> ()
    %barrier3A = arith.constant 0 : index
    tpu.barrier barrier_id(%barrier3A)
    %dma_start3A = arith.constant 0 : i32
    %dma_start3A_8 = arith.constant 0 : i32
    %dma_start3A_9 = arith.constant 0 : i32
    %dma_start3A_10 = arith.constant 0 : i32
    %dma_start3A_11 = tpu.memref_slice %arg8[%dma_start3A_8, %dma_start3A_9, %dma_start3A_10] : memref<5x40x128xf32, #tpu.memory_space<vmem>> -> memref<1x40x128xf32, #tpu.memory_space<vmem>>
    %dma_start3A_12 = tpu.memref_squeeze %dma_start3A_11 : memref<1x40x128xf32, #tpu.memory_space<vmem>> -> memref<40x128xf32, #tpu.memory_space<vmem>>
    %dma_start3A_13 = arith.constant 0 : i32
    %dma_start3A_14 = tpu.memref_slice %arg6[%dma_start3A, %dma_start3A_13] : memref<250x40xi32, #tpu.memory_space<vmem>> -> memref<1x40xi32, #tpu.memory_space<vmem>>
    %dma_start3A_15 = tpu.memref_squeeze %dma_start3A_14 : memref<1x40xi32, #tpu.memory_space<vmem>> -> memref<40xi32, #tpu.memory_space<vmem>>
    %dma_start3A_16 = arith.constant 0 : i32
    %dma_start3A_17 = arith.constant 0 : i32
    %dma_start3A_18 = tpu.memref_slice %arg3[%dma_start3A_16, %dma_start3A_17] : memref<10000x128xf32, #tpu.memory_space<hbm>> -> memref<10000x128xf32, #tpu.memory_space<hbm>>
    tpu.enqueue_indirect_dma source(%dma_start3A_18 : memref<10000x128xf32, #tpu.memory_space<hbm>>) target(%dma_start3A_12 : memref<40x128xf32, #tpu.memory_space<vmem>>) offsets(%dma_start3A_15 : memref<40xi32, #tpu.memory_space<vmem>>) semaphore(%arg10 : memref<!tpu.dma_semaphore, #tpu.memory_space<semaphore_mem>>)
    %dma_start3A_19 = arith.constant 1 : i32
    %dma_start3A_20 = arith.constant 1 : i32
    %dma_start3A_21 = arith.constant 0 : i32
    %dma_start3A_22 = arith.constant 0 : i32
    %dma_start3A_23 = tpu.memref_slice %arg8[%dma_start3A_20, %dma_start3A_21, %dma_start3A_22] : memref<5x40x128xf32, #tpu.memory_space<vmem>> -> memref<1x40x128xf32, #tpu.memory_space<vmem>>
    %dma_start3A_24 = tpu.memref_squeeze %dma_start3A_23 : memref<1x40x128xf32, #tpu.memory_space<vmem>> -> memref<40x128xf32, #tpu.memory_space<vmem>>
    %dma_start3A_25 = arith.constant 0 : i32
    %dma_start3A_26 = tpu.memref_slice %arg6[%dma_start3A_19, %dma_start3A_25] : memref<250x40xi32, #tpu.memory_space<vmem>> -> memref<1x40xi32, #tpu.memory_space<vmem>>
    %dma_start3A_27 = tpu.memref_squeeze %dma_start3A_26 : memref<1x40xi32, #tpu.memory_space<vmem>> -> memref<40xi32, #tpu.memory_space<vmem>>
    %dma_start3A_28 = arith.constant 0 : i32
    %dma_start3A_29 = arith.constant 0 : i32
    %dma_start3A_30 = tpu.memref_slice %arg3[%dma_start3A_28, %dma_start3A_29] : memref<10000x128xf32, #tpu.memory_space<hbm>> -> memref<10000x128xf32, #tpu.memory_space<hbm>>
    tpu.enqueue_indirect_dma source(%dma_start3A_30 : memref<10000x128xf32, #tpu.memory_space<hbm>>) target(%dma_start3A_24 : memref<40x128xf32, #tpu.memory_space<vmem>>) offsets(%dma_start3A_27 : memref<40xi32, #tpu.memory_space<vmem>>) semaphore(%arg11 : memref<!tpu.dma_semaphore, #tpu.memory_space<semaphore_mem>>)
    %dma_start3A_31 = arith.constant 2 : i32
    %dma_start3A_32 = arith.constant 2 : i32
    %dma_start3A_33 = arith.constant 0 : i32
    %dma_start3A_34 = arith.constant 0 : i32
    %dma_start3A_35 = tpu.memref_slice %arg8[%dma_start3A_32, %dma_start3A_33, %dma_start3A_34] : memref<5x40x128xf32, #tpu.memory_space<vmem>> -> memref<1x40x128xf32, #tpu.memory_space<vmem>>
    %dma_start3A_36 = tpu.memref_squeeze %dma_start3A_35 : memref<1x40x128xf32, #tpu.memory_space<vmem>> -> memref<40x128xf32, #tpu.memory_space<vmem>>
    %dma_start3A_37 = arith.constant 0 : i32
    %dma_start3A_38 = tpu.memref_slice %arg6[%dma_start3A_31, %dma_start3A_37] : memref<250x40xi32, #tpu.memory_space<vmem>> -> memref<1x40xi32, #tpu.memory_space<vmem>>
    %dma_start3A_39 = tpu.memref_squeeze %dma_start3A_38 : memref<1x40xi32, #tpu.memory_space<vmem>> -> memref<40xi32, #tpu.memory_space<vmem>>
    %dma_start3A_40 = arith.constant 0 : i32
    %dma_start3A_41 = arith.constant 0 : i32
    %dma_start3A_42 = tpu.memref_slice %arg3[%dma_start3A_40, %dma_start3A_41] : memref<10000x128xf32, #tpu.memory_space<hbm>> -> memref<10000x128xf32, #tpu.memory_space<hbm>>
    tpu.enqueue_indirect_dma source(%dma_start3A_42 : memref<10000x128xf32, #tpu.memory_space<hbm>>) target(%dma_start3A_36 : memref<40x128xf32, #tpu.memory_space<vmem>>) offsets(%dma_start3A_39 : memref<40xi32, #tpu.memory_space<vmem>>) semaphore(%arg12 : memref<!tpu.dma_semaphore, #tpu.memory_space<semaphore_mem>>)
    %dma_start3A_43 = arith.constant 3 : i32
    %dma_start3A_44 = arith.constant 3 : i32
    %dma_start3A_45 = arith.constant 0 : i32
    %dma_start3A_46 = arith.constant 0 : i32
    %dma_start3A_47 = tpu.memref_slice %arg8[%dma_start3A_44, %dma_start3A_45, %dma_start3A_46] : memref<5x40x128xf32, #tpu.memory_space<vmem>> -> memref<1x40x128xf32, #tpu.memory_space<vmem>>
    %dma_start3A_48 = tpu.memref_squeeze %dma_start3A_47 : memref<1x40x128xf32, #tpu.memory_space<vmem>> -> memref<40x128xf32, #tpu.memory_space<vmem>>
    %dma_start3A_49 = arith.constant 0 : i32
    %dma_start3A_50 = tpu.memref_slice %arg6[%dma_start3A_43, %dma_start3A_49] : memref<250x40xi32, #tpu.memory_space<vmem>> -> memref<1x40xi32, #tpu.memory_space<vmem>>
    %dma_start3A_51 = tpu.memref_squeeze %dma_start3A_50 : memref<1x40xi32, #tpu.memory_space<vmem>> -> memref<40xi32, #tpu.memory_space<vmem>>
    %dma_start3A_52 = arith.constant 0 : i32
    %dma_start3A_53 = arith.constant 0 : i32
    %dma_start3A_54 = tpu.memref_slice %arg3[%dma_start3A_52, %dma_start3A_53] : memref<10000x128xf32, #tpu.memory_space<hbm>> -> memref<10000x128xf32, #tpu.memory_space<hbm>>
    tpu.enqueue_indirect_dma source(%dma_start3A_54 : memref<10000x128xf32, #tpu.memory_space<hbm>>) target(%dma_start3A_48 : memref<40x128xf32, #tpu.memory_space<vmem>>) offsets(%dma_start3A_51 : memref<40xi32, #tpu.memory_space<vmem>>) semaphore(%arg13 : memref<!tpu.dma_semaphore, #tpu.memory_space<semaphore_mem>>)
    %dma_start3A_55 = arith.constant 4 : i32
    %dma_start3A_56 = arith.constant 4 : i32
    %dma_start3A_57 = arith.constant 0 : i32
    %dma_start3A_58 = arith.constant 0 : i32
    %dma_start3A_59 = tpu.memref_slice %arg8[%dma_start3A_56, %dma_start3A_57, %dma_start3A_58] : memref<5x40x128xf32, #tpu.memory_space<vmem>> -> memref<1x40x128xf32, #tpu.memory_space<vmem>>
    %dma_start3A_60 = tpu.memref_squeeze %dma_start3A_59 : memref<1x40x128xf32, #tpu.memory_space<vmem>> -> memref<40x128xf32, #tpu.memory_space<vmem>>
    %dma_start3A_61 = arith.constant 0 : i32
    %dma_start3A_62 = tpu.memref_slice %arg6[%dma_start3A_55, %dma_start3A_61] : memref<250x40xi32, #tpu.memory_space<vmem>> -> memref<1x40xi32, #tpu.memory_space<vmem>>
    %dma_start3A_63 = tpu.memref_squeeze %dma_start3A_62 : memref<1x40xi32, #tpu.memory_space<vmem>> -> memref<40xi32, #tpu.memory_space<vmem>>
    %dma_start3A_64 = arith.constant 0 : i32
    %dma_start3A_65 = arith.constant 0 : i32
    %dma_start3A_66 = tpu.memref_slice %arg3[%dma_start3A_64, %dma_start3A_65] : memref<10000x128xf32, #tpu.memory_space<hbm>> -> memref<10000x128xf32, #tpu.memory_space<hbm>>
    tpu.enqueue_indirect_dma source(%dma_start3A_66 : memref<10000x128xf32, #tpu.memory_space<hbm>>) target(%dma_start3A_60 : memref<40x128xf32, #tpu.memory_space<vmem>>) offsets(%dma_start3A_63 : memref<40xi32, #tpu.memory_space<vmem>>) semaphore(%arg14 : memref<!tpu.dma_semaphore, #tpu.memory_space<semaphore_mem>>)
    %scan3A = arith.constant 0 : i32
    %scan3A_67 = arith.constant 0 : i32
    %scan3A_68 = arith.constant 50 : i32
    %scan3A_69 = arith.addi %scan3A_67, %scan3A_68 : i32
    %scan3A_70 = arith.constant 1 : i32
    scf.for %scan3A_80 = %scan3A_67 to %scan3A_69 step %scan3A_70  : i32 {
      %mul3A_81 = arith.constant 5 : i32
      %mul3A_82 = arith.muli %scan3A_80, %mul3A_81 : i32
      %add3A_83 = arith.constant 0 : i32
      %add3A_84 = arith.addi %mul3A_82, %add3A_83 : i32
      %dma_wait3A = arith.constant 0 : i32
      %dma_wait3A_85 = arith.constant 0 : i32
      %dma_wait3A_86 = arith.constant 0 : i32
      %dma_wait3A_87 = tpu.memref_slice %arg8[%dma_wait3A, %dma_wait3A_85, %dma_wait3A_86] : memref<5x40x128xf32, #tpu.memory_space<vmem>> -> memref<1x40x128xf32, #tpu.memory_space<vmem>>
      %dma_wait3A_88 = tpu.memref_squeeze %dma_wait3A_87 : memref<1x40x128xf32, #tpu.memory_space<vmem>> -> memref<40x128xf32, #tpu.memory_space<vmem>>
      %dma_wait3A_89 = arith.constant 0 : i32
      %dma_wait3A_90 = tpu.memref_slice %arg6[%add3A_84, %dma_wait3A_89] : memref<250x40xi32, #tpu.memory_space<vmem>> -> memref<1x40xi32, #tpu.memory_space<vmem>>
      %dma_wait3A_91 = tpu.memref_squeeze %dma_wait3A_90 : memref<1x40xi32, #tpu.memory_space<vmem>> -> memref<40xi32, #tpu.memory_space<vmem>>
      %dma_wait3A_92 = arith.constant 0 : i32
      %dma_wait3A_93 = arith.constant 0 : i32
      %dma_wait3A_94 = tpu.memref_slice %arg3[%dma_wait3A_92, %dma_wait3A_93] : memref<10000x128xf32, #tpu.memory_space<hbm>> -> memref<10000x128xf32, #tpu.memory_space<hbm>>
      tpu.wait_indirect_dma semaphore(%arg10 : memref<!tpu.dma_semaphore, #tpu.memory_space<semaphore_mem>>) src(%dma_wait3A_94 : memref<10000x128xf32, #tpu.memory_space<hbm>>) dst(%dma_wait3A_88 : memref<40x128xf32, #tpu.memory_space<vmem>>)
      %run_scoped3A_95 = arith.constant 0 : i32
      "tpu.region"() ({
        %run_scoped3A_182 = tpu.sem_alloc : memref<!tpu.dma_semaphore, #tpu.memory_space<semaphore_mem>>
        %dma_start3A_183 = arith.constant 0 : i32
        %dma_start3A_184 = arith.constant 0 : i32
        %dma_start3A_185 = tpu.memref_slice %arg8[%run_scoped3A_95, %dma_start3A_183, %dma_start3A_184] : memref<5x40x128xf32, #tpu.memory_space<vmem>> -> memref<1x40x128xf32, #tpu.memory_space<vmem>>
        %dma_start3A_186 = tpu.memref_squeeze %dma_start3A_185 : memref<1x40x128xf32, #tpu.memory_space<vmem>> -> memref<40x128xf32, #tpu.memory_space<vmem>>
        %dma_start3A_187 = arith.constant 0 : i32
        %dma_start3A_188 = tpu.memref_slice %arg7[%add3A_84, %dma_start3A_187] : memref<250x40xi32, #tpu.memory_space<vmem>> -> memref<1x40xi32, #tpu.memory_space<vmem>>
        %dma_start3A_189 = tpu.memref_squeeze %dma_start3A_188 : memref<1x40xi32, #tpu.memory_space<vmem>> -> memref<40xi32, #tpu.memory_space<vmem>>
        %dma_start3A_190 = arith.constant 0 : i32
        %dma_start3A_191 = arith.constant 0 : i32
        %dma_start3A_192 = tpu.memref_slice %arg9[%dma_start3A_190, %dma_start3A_191] : memref<10112x128xf32, #tpu.memory_space<vmem_shared>> -> memref<10112x128xf32, #tpu.memory_space<vmem_shared>>
        tpu.enqueue_indirect_dma source(%dma_start3A_186 : memref<40x128xf32, #tpu.memory_space<vmem>>) target(%dma_start3A_192 : memref<10112x128xf32, #tpu.memory_space<vmem_shared>>) offsets(%dma_start3A_189 : memref<40xi32, #tpu.memory_space<vmem>>) semaphore(%run_scoped3A_182 : memref<!tpu.dma_semaphore, #tpu.memory_space<semaphore_mem>>) {add = true}
        %dma_wait3A_193 = arith.constant 0 : i32
        %dma_wait3A_194 = arith.constant 0 : i32
        %dma_wait3A_195 = tpu.memref_slice %arg8[%run_scoped3A_95, %dma_wait3A_193, %dma_wait3A_194] : memref<5x40x128xf32, #tpu.memory_space<vmem>> -> memref<1x40x128xf32, #tpu.memory_space<vmem>>
        %dma_wait3A_196 = tpu.memref_squeeze %dma_wait3A_195 : memref<1x40x128xf32, #tpu.memory_space<vmem>> -> memref<40x128xf32, #tpu.memory_space<vmem>>
        %dma_wait3A_197 = arith.constant 0 : i32
        %dma_wait3A_198 = tpu.memref_slice %arg7[%add3A_84, %dma_wait3A_197] : memref<250x40xi32, #tpu.memory_space<vmem>> -> memref<1x40xi32, #tpu.memory_space<vmem>>
        %dma_wait3A_199 = tpu.memref_squeeze %dma_wait3A_198 : memref<1x40xi32, #tpu.memory_space<vmem>> -> memref<40xi32, #tpu.memory_space<vmem>>
        %dma_wait3A_200 = arith.constant 0 : i32
        %dma_wait3A_201 = arith.constant 0 : i32
        %dma_wait3A_202 = tpu.memref_slice %arg9[%dma_wait3A_200, %dma_wait3A_201] : memref<10112x128xf32, #tpu.memory_space<vmem_shared>> -> memref<10112x128xf32, #tpu.memory_space<vmem_shared>>
        tpu.wait_indirect_dma semaphore(%run_scoped3A_182 : memref<!tpu.dma_semaphore, #tpu.memory_space<semaphore_mem>>) src(%dma_wait3A_196 : memref<40x128xf32, #tpu.memory_space<vmem>>) dst(%dma_wait3A_202 : memref<10112x128xf32, #tpu.memory_space<vmem_shared>>)
        tpu.yield
      }) : () -> ()
      %lt3A = arith.constant 49 : i32
      %lt3A_96 = arith.cmpi slt, %scan3A_80, %lt3A : i32
      %convert_element_type3A = arith.extui %lt3A_96 : i1 to i32
      %cond3A = arith.constant 0 : i32
      %cond3A_97 = arith.cmpi ne, %convert_element_type3A, %cond3A : i32
      scf.if %cond3A_97 {
        %add3A_182 = arith.constant 5 : i32
        %add3A_183 = arith.addi %add3A_84, %add3A_182 : i32
        %dma_start3A_184 = arith.constant 0 : i32
        %dma_start3A_185 = arith.constant 0 : i32
        %dma_start3A_186 = arith.constant 0 : i32
        %dma_start3A_187 = tpu.memref_slice %arg8[%dma_start3A_184, %dma_start3A_185, %dma_start3A_186] : memref<5x40x128xf32, #tpu.memory_space<vmem>> -> memref<1x40x128xf32, #tpu.memory_space<vmem>>
        %dma_start3A_188 = tpu.memref_squeeze %dma_start3A_187 : memref<1x40x128xf32, #tpu.memory_space<vmem>> -> memref<40x128xf32, #tpu.memory_space<vmem>>
        %dma_start3A_189 = arith.constant 0 : i32
        %dma_start3A_190 = tpu.memref_slice %arg6[%add3A_183, %dma_start3A_189] : memref<250x40xi32, #tpu.memory_space<vmem>> -> memref<1x40xi32, #tpu.memory_space<vmem>>
        %dma_start3A_191 = tpu.memref_squeeze %dma_start3A_190 : memref<1x40xi32, #tpu.memory_space<vmem>> -> memref<40xi32, #tpu.memory_space<vmem>>
        %dma_start3A_192 = arith.constant 0 : i32
        %dma_start3A_193 = arith.constant 0 : i32
        %dma_start3A_194 = tpu.memref_slice %arg3[%dma_start3A_192, %dma_start3A_193] : memref<10000x128xf32, #tpu.memory_space<hbm>> -> memref<10000x128xf32, #tpu.memory_space<hbm>>
        tpu.enqueue_indirect_dma source(%dma_start3A_194 : memref<10000x128xf32, #tpu.memory_space<hbm>>) target(%dma_start3A_188 : memref<40x128xf32, #tpu.memory_space<vmem>>) offsets(%dma_start3A_191 : memref<40xi32, #tpu.memory_space<vmem>>) semaphore(%arg10 : memref<!tpu.dma_semaphore, #tpu.memory_space<semaphore_mem>>)
      } else {
      }
      %mul3A_98 = arith.constant 5 : i32
      %mul3A_99 = arith.muli %scan3A_80, %mul3A_98 : i32
      %add3A_100 = arith.constant 1 : i32
      %add3A_101 = arith.addi %mul3A_99, %add3A_100 : i32
      %dma_wait3A_102 = arith.constant 1 : i32
      %dma_wait3A_103 = arith.constant 0 : i32
      %dma_wait3A_104 = arith.constant 0 : i32
      %dma_wait3A_105 = tpu.memref_slice %arg8[%dma_wait3A_102, %dma_wait3A_103, %dma_wait3A_104] : memref<5x40x128xf32, #tpu.memory_space<vmem>> -> memref<1x40x128xf32, #tpu.memory_space<vmem>>
      %dma_wait3A_106 = tpu.memref_squeeze %dma_wait3A_105 : memref<1x40x128xf32, #tpu.memory_space<vmem>> -> memref<40x128xf32, #tpu.memory_space<vmem>>
      %dma_wait3A_107 = arith.constant 0 : i32
      %dma_wait3A_108 = tpu.memref_slice %arg6[%add3A_101, %dma_wait3A_107] : memref<250x40xi32, #tpu.memory_space<vmem>> -> memref<1x40xi32, #tpu.memory_space<vmem>>
      %dma_wait3A_109 = tpu.memref_squeeze %dma_wait3A_108 : memref<1x40xi32, #tpu.memory_space<vmem>> -> memref<40xi32, #tpu.memory_space<vmem>>
      %dma_wait3A_110 = arith.constant 0 : i32
      %dma_wait3A_111 = arith.constant 0 : i32
      %dma_wait3A_112 = tpu.memref_slice %arg3[%dma_wait3A_110, %dma_wait3A_111] : memref<10000x128xf32, #tpu.memory_space<hbm>> -> memref<10000x128xf32, #tpu.memory_space<hbm>>
      tpu.wait_indirect_dma semaphore(%arg11 : memref<!tpu.dma_semaphore, #tpu.memory_space<semaphore_mem>>) src(%dma_wait3A_112 : memref<10000x128xf32, #tpu.memory_space<hbm>>) dst(%dma_wait3A_106 : memref<40x128xf32, #tpu.memory_space<vmem>>)
      %run_scoped3A_113 = arith.constant 1 : i32
      "tpu.region"() ({
        %run_scoped3A_182 = tpu.sem_alloc : memref<!tpu.dma_semaphore, #tpu.memory_space<semaphore_mem>>
        %dma_start3A_183 = arith.constant 0 : i32
        %dma_start3A_184 = arith.constant 0 : i32
        %dma_start3A_185 = tpu.memref_slice %arg8[%run_scoped3A_113, %dma_start3A_183, %dma_start3A_184] : memref<5x40x128xf32, #tpu.memory_space<vmem>> -> memref<1x40x128xf32, #tpu.memory_space<vmem>>
        %dma_start3A_186 = tpu.memref_squeeze %dma_start3A_185 : memref<1x40x128xf32, #tpu.memory_space<vmem>> -> memref<40x128xf32, #tpu.memory_space<vmem>>
        %dma_start3A_187 = arith.constant 0 : i32
        %dma_start3A_188 = tpu.memref_slice %arg7[%add3A_101, %dma_start3A_187] : memref<250x40xi32, #tpu.memory_space<vmem>> -> memref<1x40xi32, #tpu.memory_space<vmem>>
        %dma_start3A_189 = tpu.memref_squeeze %dma_start3A_188 : memref<1x40xi32, #tpu.memory_space<vmem>> -> memref<40xi32, #tpu.memory_space<vmem>>
        %dma_start3A_190 = arith.constant 0 : i32
        %dma_start3A_191 = arith.constant 0 : i32
        %dma_start3A_192 = tpu.memref_slice %arg9[%dma_start3A_190, %dma_start3A_191] : memref<10112x128xf32, #tpu.memory_space<vmem_shared>> -> memref<10112x128xf32, #tpu.memory_space<vmem_shared>>
        tpu.enqueue_indirect_dma source(%dma_start3A_186 : memref<40x128xf32, #tpu.memory_space<vmem>>) target(%dma_start3A_192 : memref<10112x128xf32, #tpu.memory_space<vmem_shared>>) offsets(%dma_start3A_189 : memref<40xi32, #tpu.memory_space<vmem>>) semaphore(%run_scoped3A_182 : memref<!tpu.dma_semaphore, #tpu.memory_space<semaphore_mem>>) {add = true}
        %dma_wait3A_193 = arith.constant 0 : i32
        %dma_wait3A_194 = arith.constant 0 : i32
        %dma_wait3A_195 = tpu.memref_slice %arg8[%run_scoped3A_113, %dma_wait3A_193, %dma_wait3A_194] : memref<5x40x128xf32, #tpu.memory_space<vmem>> -> memref<1x40x128xf32, #tpu.memory_space<vmem>>
        %dma_wait3A_196 = tpu.memref_squeeze %dma_wait3A_195 : memref<1x40x128xf32, #tpu.memory_space<vmem>> -> memref<40x128xf32, #tpu.memory_space<vmem>>
        %dma_wait3A_197 = arith.constant 0 : i32
        %dma_wait3A_198 = tpu.memref_slice %arg7[%add3A_101, %dma_wait3A_197] : memref<250x40xi32, #tpu.memory_space<vmem>> -> memref<1x40xi32, #tpu.memory_space<vmem>>
        %dma_wait3A_199 = tpu.memref_squeeze %dma_wait3A_198 : memref<1x40xi32, #tpu.memory_space<vmem>> -> memref<40xi32, #tpu.memory_space<vmem>>
        %dma_wait3A_200 = arith.constant 0 : i32
        %dma_wait3A_201 = arith.constant 0 : i32
        %dma_wait3A_202 = tpu.memref_slice %arg9[%dma_wait3A_200, %dma_wait3A_201] : memref<10112x128xf32, #tpu.memory_space<vmem_shared>> -> memref<10112x128xf32, #tpu.memory_space<vmem_shared>>
        tpu.wait_indirect_dma semaphore(%run_scoped3A_182 : memref<!tpu.dma_semaphore, #tpu.memory_space<semaphore_mem>>) src(%dma_wait3A_196 : memref<40x128xf32, #tpu.memory_space<vmem>>) dst(%dma_wait3A_202 : memref<10112x128xf32, #tpu.memory_space<vmem_shared>>)
        tpu.yield
      }) : () -> ()
      %lt3A_114 = arith.constant 49 : i32
      %lt3A_115 = arith.cmpi slt, %scan3A_80, %lt3A_114 : i32
      %convert_element_type3A_116 = arith.extui %lt3A_115 : i1 to i32
      %cond3A_117 = arith.constant 0 : i32
      %cond3A_118 = arith.cmpi ne, %convert_element_type3A_116, %cond3A_117 : i32
      scf.if %cond3A_118 {
        %add3A_182 = arith.constant 5 : i32
        %add3A_183 = arith.addi %add3A_101, %add3A_182 : i32
        %dma_start3A_184 = arith.constant 1 : i32
        %dma_start3A_185 = arith.constant 0 : i32
        %dma_start3A_186 = arith.constant 0 : i32
        %dma_start3A_187 = tpu.memref_slice %arg8[%dma_start3A_184, %dma_start3A_185, %dma_start3A_186] : memref<5x40x128xf32, #tpu.memory_space<vmem>> -> memref<1x40x128xf32, #tpu.memory_space<vmem>>
        %dma_start3A_188 = tpu.memref_squeeze %dma_start3A_187 : memref<1x40x128xf32, #tpu.memory_space<vmem>> -> memref<40x128xf32, #tpu.memory_space<vmem>>
        %dma_start3A_189 = arith.constant 0 : i32
        %dma_start3A_190 = tpu.memref_slice %arg6[%add3A_183, %dma_start3A_189] : memref<250x40xi32, #tpu.memory_space<vmem>> -> memref<1x40xi32, #tpu.memory_space<vmem>>
        %dma_start3A_191 = tpu.memref_squeeze %dma_start3A_190 : memref<1x40xi32, #tpu.memory_space<vmem>> -> memref<40xi32, #tpu.memory_space<vmem>>
        %dma_start3A_192 = arith.constant 0 : i32
        %dma_start3A_193 = arith.constant 0 : i32
        %dma_start3A_194 = tpu.memref_slice %arg3[%dma_start3A_192, %dma_start3A_193] : memref<10000x128xf32, #tpu.memory_space<hbm>> -> memref<10000x128xf32, #tpu.memory_space<hbm>>
        tpu.enqueue_indirect_dma source(%dma_start3A_194 : memref<10000x128xf32, #tpu.memory_space<hbm>>) target(%dma_start3A_188 : memref<40x128xf32, #tpu.memory_space<vmem>>) offsets(%dma_start3A_191 : memref<40xi32, #tpu.memory_space<vmem>>) semaphore(%arg11 : memref<!tpu.dma_semaphore, #tpu.memory_space<semaphore_mem>>)
      } else {
      }
      %mul3A_119 = arith.constant 5 : i32
      %mul3A_120 = arith.muli %scan3A_80, %mul3A_119 : i32
      %add3A_121 = arith.constant 2 : i32
      %add3A_122 = arith.addi %mul3A_120, %add3A_121 : i32
      %dma_wait3A_123 = arith.constant 2 : i32
      %dma_wait3A_124 = arith.constant 0 : i32
      %dma_wait3A_125 = arith.constant 0 : i32
      %dma_wait3A_126 = tpu.memref_slice %arg8[%dma_wait3A_123, %dma_wait3A_124, %dma_wait3A_125] : memref<5x40x128xf32, #tpu.memory_space<vmem>> -> memref<1x40x128xf32, #tpu.memory_space<vmem>>
      %dma_wait3A_127 = tpu.memref_squeeze %dma_wait3A_126 : memref<1x40x128xf32, #tpu.memory_space<vmem>> -> memref<40x128xf32, #tpu.memory_space<vmem>>
      %dma_wait3A_128 = arith.constant 0 : i32
      %dma_wait3A_129 = tpu.memref_slice %arg6[%add3A_122, %dma_wait3A_128] : memref<250x40xi32, #tpu.memory_space<vmem>> -> memref<1x40xi32, #tpu.memory_space<vmem>>
      %dma_wait3A_130 = tpu.memref_squeeze %dma_wait3A_129 : memref<1x40xi32, #tpu.memory_space<vmem>> -> memref<40xi32, #tpu.memory_space<vmem>>
      %dma_wait3A_131 = arith.constant 0 : i32
      %dma_wait3A_132 = arith.constant 0 : i32
      %dma_wait3A_133 = tpu.memref_slice %arg3[%dma_wait3A_131, %dma_wait3A_132] : memref<10000x128xf32, #tpu.memory_space<hbm>> -> memref<10000x128xf32, #tpu.memory_space<hbm>>
      tpu.wait_indirect_dma semaphore(%arg12 : memref<!tpu.dma_semaphore, #tpu.memory_space<semaphore_mem>>) src(%dma_wait3A_133 : memref<10000x128xf32, #tpu.memory_space<hbm>>) dst(%dma_wait3A_127 : memref<40x128xf32, #tpu.memory_space<vmem>>)
      %run_scoped3A_134 = arith.constant 2 : i32
      "tpu.region"() ({
        %run_scoped3A_182 = tpu.sem_alloc : memref<!tpu.dma_semaphore, #tpu.memory_space<semaphore_mem>>
        %dma_start3A_183 = arith.constant 0 : i32
        %dma_start3A_184 = arith.constant 0 : i32
        %dma_start3A_185 = tpu.memref_slice %arg8[%run_scoped3A_134, %dma_start3A_183, %dma_start3A_184] : memref<5x40x128xf32, #tpu.memory_space<vmem>> -> memref<1x40x128xf32, #tpu.memory_space<vmem>>
        %dma_start3A_186 = tpu.memref_squeeze %dma_start3A_185 : memref<1x40x128xf32, #tpu.memory_space<vmem>> -> memref<40x128xf32, #tpu.memory_space<vmem>>
        %dma_start3A_187 = arith.constant 0 : i32
        %dma_start3A_188 = tpu.memref_slice %arg7[%add3A_122, %dma_start3A_187] : memref<250x40xi32, #tpu.memory_space<vmem>> -> memref<1x40xi32, #tpu.memory_space<vmem>>
        %dma_start3A_189 = tpu.memref_squeeze %dma_start3A_188 : memref<1x40xi32, #tpu.memory_space<vmem>> -> memref<40xi32, #tpu.memory_space<vmem>>
        %dma_start3A_190 = arith.constant 0 : i32
        %dma_start3A_191 = arith.constant 0 : i32
        %dma_start3A_192 = tpu.memref_slice %arg9[%dma_start3A_190, %dma_start3A_191] : memref<10112x128xf32, #tpu.memory_space<vmem_shared>> -> memref<10112x128xf32, #tpu.memory_space<vmem_shared>>
        tpu.enqueue_indirect_dma source(%dma_start3A_186 : memref<40x128xf32, #tpu.memory_space<vmem>>) target(%dma_start3A_192 : memref<10112x128xf32, #tpu.memory_space<vmem_shared>>) offsets(%dma_start3A_189 : memref<40xi32, #tpu.memory_space<vmem>>) semaphore(%run_scoped3A_182 : memref<!tpu.dma_semaphore, #tpu.memory_space<semaphore_mem>>) {add = true}
        %dma_wait3A_193 = arith.constant 0 : i32
        %dma_wait3A_194 = arith.constant 0 : i32
        %dma_wait3A_195 = tpu.memref_slice %arg8[%run_scoped3A_134, %dma_wait3A_193, %dma_wait3A_194] : memref<5x40x128xf32, #tpu.memory_space<vmem>> -> memref<1x40x128xf32, #tpu.memory_space<vmem>>
        %dma_wait3A_196 = tpu.memref_squeeze %dma_wait3A_195 : memref<1x40x128xf32, #tpu.memory_space<vmem>> -> memref<40x128xf32, #tpu.memory_space<vmem>>
        %dma_wait3A_197 = arith.constant 0 : i32
        %dma_wait3A_198 = tpu.memref_slice %arg7[%add3A_122, %dma_wait3A_197] : memref<250x40xi32, #tpu.memory_space<vmem>> -> memref<1x40xi32, #tpu.memory_space<vmem>>
        %dma_wait3A_199 = tpu.memref_squeeze %dma_wait3A_198 : memref<1x40xi32, #tpu.memory_space<vmem>> -> memref<40xi32, #tpu.memory_space<vmem>>
        %dma_wait3A_200 = arith.constant 0 : i32
        %dma_wait3A_201 = arith.constant 0 : i32
        %dma_wait3A_202 = tpu.memref_slice %arg9[%dma_wait3A_200, %dma_wait3A_201] : memref<10112x128xf32, #tpu.memory_space<vmem_shared>> -> memref<10112x128xf32, #tpu.memory_space<vmem_shared>>
        tpu.wait_indirect_dma semaphore(%run_scoped3A_182 : memref<!tpu.dma_semaphore, #tpu.memory_space<semaphore_mem>>) src(%dma_wait3A_196 : memref<40x128xf32, #tpu.memory_space<vmem>>) dst(%dma_wait3A_202 : memref<10112x128xf32, #tpu.memory_space<vmem_shared>>)
        tpu.yield
      }) : () -> ()
      %lt3A_135 = arith.constant 49 : i32
      %lt3A_136 = arith.cmpi slt, %scan3A_80, %lt3A_135 : i32
      %convert_element_type3A_137 = arith.extui %lt3A_136 : i1 to i32
      %cond3A_138 = arith.constant 0 : i32
      %cond3A_139 = arith.cmpi ne, %convert_element_type3A_137, %cond3A_138 : i32
      scf.if %cond3A_139 {
        %add3A_182 = arith.constant 5 : i32
        %add3A_183 = arith.addi %add3A_122, %add3A_182 : i32
        %dma_start3A_184 = arith.constant 2 : i32
        %dma_start3A_185 = arith.constant 0 : i32
        %dma_start3A_186 = arith.constant 0 : i32
        %dma_start3A_187 = tpu.memref_slice %arg8[%dma_start3A_184, %dma_start3A_185, %dma_start3A_186] : memref<5x40x128xf32, #tpu.memory_space<vmem>> -> memref<1x40x128xf32, #tpu.memory_space<vmem>>
        %dma_start3A_188 = tpu.memref_squeeze %dma_start3A_187 : memref<1x40x128xf32, #tpu.memory_space<vmem>> -> memref<40x128xf32, #tpu.memory_space<vmem>>
        %dma_start3A_189 = arith.constant 0 : i32
        %dma_start3A_190 = tpu.memref_slice %arg6[%add3A_183, %dma_start3A_189] : memref<250x40xi32, #tpu.memory_space<vmem>> -> memref<1x40xi32, #tpu.memory_space<vmem>>
        %dma_start3A_191 = tpu.memref_squeeze %dma_start3A_190 : memref<1x40xi32, #tpu.memory_space<vmem>> -> memref<40xi32, #tpu.memory_space<vmem>>
        %dma_start3A_192 = arith.constant 0 : i32
        %dma_start3A_193 = arith.constant 0 : i32
        %dma_start3A_194 = tpu.memref_slice %arg3[%dma_start3A_192, %dma_start3A_193] : memref<10000x128xf32, #tpu.memory_space<hbm>> -> memref<10000x128xf32, #tpu.memory_space<hbm>>
        tpu.enqueue_indirect_dma source(%dma_start3A_194 : memref<10000x128xf32, #tpu.memory_space<hbm>>) target(%dma_start3A_188 : memref<40x128xf32, #tpu.memory_space<vmem>>) offsets(%dma_start3A_191 : memref<40xi32, #tpu.memory_space<vmem>>) semaphore(%arg12 : memref<!tpu.dma_semaphore, #tpu.memory_space<semaphore_mem>>)
      } else {
      }
      %mul3A_140 = arith.constant 5 : i32
      %mul3A_141 = arith.muli %scan3A_80, %mul3A_140 : i32
      %add3A_142 = arith.constant 3 : i32
      %add3A_143 = arith.addi %mul3A_141, %add3A_142 : i32
      %dma_wait3A_144 = arith.constant 3 : i32
      %dma_wait3A_145 = arith.constant 0 : i32
      %dma_wait3A_146 = arith.constant 0 : i32
      %dma_wait3A_147 = tpu.memref_slice %arg8[%dma_wait3A_144, %dma_wait3A_145, %dma_wait3A_146] : memref<5x40x128xf32, #tpu.memory_space<vmem>> -> memref<1x40x128xf32, #tpu.memory_space<vmem>>
      %dma_wait3A_148 = tpu.memref_squeeze %dma_wait3A_147 : memref<1x40x128xf32, #tpu.memory_space<vmem>> -> memref<40x128xf32, #tpu.memory_space<vmem>>
      %dma_wait3A_149 = arith.constant 0 : i32
      %dma_wait3A_150 = tpu.memref_slice %arg6[%add3A_143, %dma_wait3A_149] : memref<250x40xi32, #tpu.memory_space<vmem>> -> memref<1x40xi32, #tpu.memory_space<vmem>>
      %dma_wait3A_151 = tpu.memref_squeeze %dma_wait3A_150 : memref<1x40xi32, #tpu.memory_space<vmem>> -> memref<40xi32, #tpu.memory_space<vmem>>
      %dma_wait3A_152 = arith.constant 0 : i32
      %dma_wait3A_153 = arith.constant 0 : i32
      %dma_wait3A_154 = tpu.memref_slice %arg3[%dma_wait3A_152, %dma_wait3A_153] : memref<10000x128xf32, #tpu.memory_space<hbm>> -> memref<10000x128xf32, #tpu.memory_space<hbm>>
      tpu.wait_indirect_dma semaphore(%arg13 : memref<!tpu.dma_semaphore, #tpu.memory_space<semaphore_mem>>) src(%dma_wait3A_154 : memref<10000x128xf32, #tpu.memory_space<hbm>>) dst(%dma_wait3A_148 : memref<40x128xf32, #tpu.memory_space<vmem>>)
      %run_scoped3A_155 = arith.constant 3 : i32
      "tpu.region"() ({
        %run_scoped3A_182 = tpu.sem_alloc : memref<!tpu.dma_semaphore, #tpu.memory_space<semaphore_mem>>
        %dma_start3A_183 = arith.constant 0 : i32
        %dma_start3A_184 = arith.constant 0 : i32
        %dma_start3A_185 = tpu.memref_slice %arg8[%run_scoped3A_155, %dma_start3A_183, %dma_start3A_184] : memref<5x40x128xf32, #tpu.memory_space<vmem>> -> memref<1x40x128xf32, #tpu.memory_space<vmem>>
        %dma_start3A_186 = tpu.memref_squeeze %dma_start3A_185 : memref<1x40x128xf32, #tpu.memory_space<vmem>> -> memref<40x128xf32, #tpu.memory_space<vmem>>
        %dma_start3A_187 = arith.constant 0 : i32
        %dma_start3A_188 = tpu.memref_slice %arg7[%add3A_143, %dma_start3A_187] : memref<250x40xi32, #tpu.memory_space<vmem>> -> memref<1x40xi32, #tpu.memory_space<vmem>>
        %dma_start3A_189 = tpu.memref_squeeze %dma_start3A_188 : memref<1x40xi32, #tpu.memory_space<vmem>> -> memref<40xi32, #tpu.memory_space<vmem>>
        %dma_start3A_190 = arith.constant 0 : i32
        %dma_start3A_191 = arith.constant 0 : i32
        %dma_start3A_192 = tpu.memref_slice %arg9[%dma_start3A_190, %dma_start3A_191] : memref<10112x128xf32, #tpu.memory_space<vmem_shared>> -> memref<10112x128xf32, #tpu.memory_space<vmem_shared>>
        tpu.enqueue_indirect_dma source(%dma_start3A_186 : memref<40x128xf32, #tpu.memory_space<vmem>>) target(%dma_start3A_192 : memref<10112x128xf32, #tpu.memory_space<vmem_shared>>) offsets(%dma_start3A_189 : memref<40xi32, #tpu.memory_space<vmem>>) semaphore(%run_scoped3A_182 : memref<!tpu.dma_semaphore, #tpu.memory_space<semaphore_mem>>) {add = true}
        %dma_wait3A_193 = arith.constant 0 : i32
        %dma_wait3A_194 = arith.constant 0 : i32
        %dma_wait3A_195 = tpu.memref_slice %arg8[%run_scoped3A_155, %dma_wait3A_193, %dma_wait3A_194] : memref<5x40x128xf32, #tpu.memory_space<vmem>> -> memref<1x40x128xf32, #tpu.memory_space<vmem>>
        %dma_wait3A_196 = tpu.memref_squeeze %dma_wait3A_195 : memref<1x40x128xf32, #tpu.memory_space<vmem>> -> memref<40x128xf32, #tpu.memory_space<vmem>>
        %dma_wait3A_197 = arith.constant 0 : i32
        %dma_wait3A_198 = tpu.memref_slice %arg7[%add3A_143, %dma_wait3A_197] : memref<250x40xi32, #tpu.memory_space<vmem>> -> memref<1x40xi32, #tpu.memory_space<vmem>>
        %dma_wait3A_199 = tpu.memref_squeeze %dma_wait3A_198 : memref<1x40xi32, #tpu.memory_space<vmem>> -> memref<40xi32, #tpu.memory_space<vmem>>
        %dma_wait3A_200 = arith.constant 0 : i32
        %dma_wait3A_201 = arith.constant 0 : i32
        %dma_wait3A_202 = tpu.memref_slice %arg9[%dma_wait3A_200, %dma_wait3A_201] : memref<10112x128xf32, #tpu.memory_space<vmem_shared>> -> memref<10112x128xf32, #tpu.memory_space<vmem_shared>>
        tpu.wait_indirect_dma semaphore(%run_scoped3A_182 : memref<!tpu.dma_semaphore, #tpu.memory_space<semaphore_mem>>) src(%dma_wait3A_196 : memref<40x128xf32, #tpu.memory_space<vmem>>) dst(%dma_wait3A_202 : memref<10112x128xf32, #tpu.memory_space<vmem_shared>>)
        tpu.yield
      }) : () -> ()
      %lt3A_156 = arith.constant 49 : i32
      %lt3A_157 = arith.cmpi slt, %scan3A_80, %lt3A_156 : i32
      %convert_element_type3A_158 = arith.extui %lt3A_157 : i1 to i32
      %cond3A_159 = arith.constant 0 : i32
      %cond3A_160 = arith.cmpi ne, %convert_element_type3A_158, %cond3A_159 : i32
      scf.if %cond3A_160 {
        %add3A_182 = arith.constant 5 : i32
        %add3A_183 = arith.addi %add3A_143, %add3A_182 : i32
        %dma_start3A_184 = arith.constant 3 : i32
        %dma_start3A_185 = arith.constant 0 : i32
        %dma_start3A_186 = arith.constant 0 : i32
        %dma_start3A_187 = tpu.memref_slice %arg8[%dma_start3A_184, %dma_start3A_185, %dma_start3A_186] : memref<5x40x128xf32, #tpu.memory_space<vmem>> -> memref<1x40x128xf32, #tpu.memory_space<vmem>>
        %dma_start3A_188 = tpu.memref_squeeze %dma_start3A_187 : memref<1x40x128xf32, #tpu.memory_space<vmem>> -> memref<40x128xf32, #tpu.memory_space<vmem>>
        %dma_start3A_189 = arith.constant 0 : i32
        %dma_start3A_190 = tpu.memref_slice %arg6[%add3A_183, %dma_start3A_189] : memref<250x40xi32, #tpu.memory_space<vmem>> -> memref<1x40xi32, #tpu.memory_space<vmem>>
        %dma_start3A_191 = tpu.memref_squeeze %dma_start3A_190 : memref<1x40xi32, #tpu.memory_space<vmem>> -> memref<40xi32, #tpu.memory_space<vmem>>
        %dma_start3A_192 = arith.constant 0 : i32
        %dma_start3A_193 = arith.constant 0 : i32
        %dma_start3A_194 = tpu.memref_slice %arg3[%dma_start3A_192, %dma_start3A_193] : memref<10000x128xf32, #tpu.memory_space<hbm>> -> memref<10000x128xf32, #tpu.memory_space<hbm>>
        tpu.enqueue_indirect_dma source(%dma_start3A_194 : memref<10000x128xf32, #tpu.memory_space<hbm>>) target(%dma_start3A_188 : memref<40x128xf32, #tpu.memory_space<vmem>>) offsets(%dma_start3A_191 : memref<40xi32, #tpu.memory_space<vmem>>) semaphore(%arg13 : memref<!tpu.dma_semaphore, #tpu.memory_space<semaphore_mem>>)
      } else {
      }
      %mul3A_161 = arith.constant 5 : i32
      %mul3A_162 = arith.muli %scan3A_80, %mul3A_161 : i32
      %add3A_163 = arith.constant 4 : i32
      %add3A_164 = arith.addi %mul3A_162, %add3A_163 : i32
      %dma_wait3A_165 = arith.constant 4 : i32
      %dma_wait3A_166 = arith.constant 0 : i32
      %dma_wait3A_167 = arith.constant 0 : i32
      %dma_wait3A_168 = tpu.memref_slice %arg8[%dma_wait3A_165, %dma_wait3A_166, %dma_wait3A_167] : memref<5x40x128xf32, #tpu.memory_space<vmem>> -> memref<1x40x128xf32, #tpu.memory_space<vmem>>
      %dma_wait3A_169 = tpu.memref_squeeze %dma_wait3A_168 : memref<1x40x128xf32, #tpu.memory_space<vmem>> -> memref<40x128xf32, #tpu.memory_space<vmem>>
      %dma_wait3A_170 = arith.constant 0 : i32
      %dma_wait3A_171 = tpu.memref_slice %arg6[%add3A_164, %dma_wait3A_170] : memref<250x40xi32, #tpu.memory_space<vmem>> -> memref<1x40xi32, #tpu.memory_space<vmem>>
      %dma_wait3A_172 = tpu.memref_squeeze %dma_wait3A_171 : memref<1x40xi32, #tpu.memory_space<vmem>> -> memref<40xi32, #tpu.memory_space<vmem>>
      %dma_wait3A_173 = arith.constant 0 : i32
      %dma_wait3A_174 = arith.constant 0 : i32
      %dma_wait3A_175 = tpu.memref_slice %arg3[%dma_wait3A_173, %dma_wait3A_174] : memref<10000x128xf32, #tpu.memory_space<hbm>> -> memref<10000x128xf32, #tpu.memory_space<hbm>>
      tpu.wait_indirect_dma semaphore(%arg14 : memref<!tpu.dma_semaphore, #tpu.memory_space<semaphore_mem>>) src(%dma_wait3A_175 : memref<10000x128xf32, #tpu.memory_space<hbm>>) dst(%dma_wait3A_169 : memref<40x128xf32, #tpu.memory_space<vmem>>)
      %run_scoped3A_176 = arith.constant 4 : i32
      "tpu.region"() ({
        %run_scoped3A_182 = tpu.sem_alloc : memref<!tpu.dma_semaphore, #tpu.memory_space<semaphore_mem>>
        %dma_start3A_183 = arith.constant 0 : i32
        %dma_start3A_184 = arith.constant 0 : i32
        %dma_start3A_185 = tpu.memref_slice %arg8[%run_scoped3A_176, %dma_start3A_183, %dma_start3A_184] : memref<5x40x128xf32, #tpu.memory_space<vmem>> -> memref<1x40x128xf32, #tpu.memory_space<vmem>>
        %dma_start3A_186 = tpu.memref_squeeze %dma_start3A_185 : memref<1x40x128xf32, #tpu.memory_space<vmem>> -> memref<40x128xf32, #tpu.memory_space<vmem>>
        %dma_start3A_187 = arith.constant 0 : i32
        %dma_start3A_188 = tpu.memref_slice %arg7[%add3A_164, %dma_start3A_187] : memref<250x40xi32, #tpu.memory_space<vmem>> -> memref<1x40xi32, #tpu.memory_space<vmem>>
        %dma_start3A_189 = tpu.memref_squeeze %dma_start3A_188 : memref<1x40xi32, #tpu.memory_space<vmem>> -> memref<40xi32, #tpu.memory_space<vmem>>
        %dma_start3A_190 = arith.constant 0 : i32
        %dma_start3A_191 = arith.constant 0 : i32
        %dma_start3A_192 = tpu.memref_slice %arg9[%dma_start3A_190, %dma_start3A_191] : memref<10112x128xf32, #tpu.memory_space<vmem_shared>> -> memref<10112x128xf32, #tpu.memory_space<vmem_shared>>
        tpu.enqueue_indirect_dma source(%dma_start3A_186 : memref<40x128xf32, #tpu.memory_space<vmem>>) target(%dma_start3A_192 : memref<10112x128xf32, #tpu.memory_space<vmem_shared>>) offsets(%dma_start3A_189 : memref<40xi32, #tpu.memory_space<vmem>>) semaphore(%run_scoped3A_182 : memref<!tpu.dma_semaphore, #tpu.memory_space<semaphore_mem>>) {add = true}
        %dma_wait3A_193 = arith.constant 0 : i32
        %dma_wait3A_194 = arith.constant 0 : i32
        %dma_wait3A_195 = tpu.memref_slice %arg8[%run_scoped3A_176, %dma_wait3A_193, %dma_wait3A_194] : memref<5x40x128xf32, #tpu.memory_space<vmem>> -> memref<1x40x128xf32, #tpu.memory_space<vmem>>
        %dma_wait3A_196 = tpu.memref_squeeze %dma_wait3A_195 : memref<1x40x128xf32, #tpu.memory_space<vmem>> -> memref<40x128xf32, #tpu.memory_space<vmem>>
        %dma_wait3A_197 = arith.constant 0 : i32
        %dma_wait3A_198 = tpu.memref_slice %arg7[%add3A_164, %dma_wait3A_197] : memref<250x40xi32, #tpu.memory_space<vmem>> -> memref<1x40xi32, #tpu.memory_space<vmem>>
        %dma_wait3A_199 = tpu.memref_squeeze %dma_wait3A_198 : memref<1x40xi32, #tpu.memory_space<vmem>> -> memref<40xi32, #tpu.memory_space<vmem>>
        %dma_wait3A_200 = arith.constant 0 : i32
        %dma_wait3A_201 = arith.constant 0 : i32
        %dma_wait3A_202 = tpu.memref_slice %arg9[%dma_wait3A_200, %dma_wait3A_201] : memref<10112x128xf32, #tpu.memory_space<vmem_shared>> -> memref<10112x128xf32, #tpu.memory_space<vmem_shared>>
        tpu.wait_indirect_dma semaphore(%run_scoped3A_182 : memref<!tpu.dma_semaphore, #tpu.memory_space<semaphore_mem>>) src(%dma_wait3A_196 : memref<40x128xf32, #tpu.memory_space<vmem>>) dst(%dma_wait3A_202 : memref<10112x128xf32, #tpu.memory_space<vmem_shared>>)
        tpu.yield
      }) : () -> ()
      %lt3A_177 = arith.constant 49 : i32
      %lt3A_178 = arith.cmpi slt, %scan3A_80, %lt3A_177 : i32
      %convert_element_type3A_179 = arith.extui %lt3A_178 : i1 to i32
      %cond3A_180 = arith.constant 0 : i32
      %cond3A_181 = arith.cmpi ne, %convert_element_type3A_179, %cond3A_180 : i32
      scf.if %cond3A_181 {
        %add3A_182 = arith.constant 5 : i32
        %add3A_183 = arith.addi %add3A_164, %add3A_182 : i32
        %dma_start3A_184 = arith.constant 4 : i32
        %dma_start3A_185 = arith.constant 0 : i32
        %dma_start3A_186 = arith.constant 0 : i32
        %dma_start3A_187 = tpu.memref_slice %arg8[%dma_start3A_184, %dma_start3A_185, %dma_start3A_186] : memref<5x40x128xf32, #tpu.memory_space<vmem>> -> memref<1x40x128xf32, #tpu.memory_space<vmem>>
        %dma_start3A_188 = tpu.memref_squeeze %dma_start3A_187 : memref<1x40x128xf32, #tpu.memory_space<vmem>> -> memref<40x128xf32, #tpu.memory_space<vmem>>
        %dma_start3A_189 = arith.constant 0 : i32
        %dma_start3A_190 = tpu.memref_slice %arg6[%add3A_183, %dma_start3A_189] : memref<250x40xi32, #tpu.memory_space<vmem>> -> memref<1x40xi32, #tpu.memory_space<vmem>>
        %dma_start3A_191 = tpu.memref_squeeze %dma_start3A_190 : memref<1x40xi32, #tpu.memory_space<vmem>> -> memref<40xi32, #tpu.memory_space<vmem>>
        %dma_start3A_192 = arith.constant 0 : i32
        %dma_start3A_193 = arith.constant 0 : i32
        %dma_start3A_194 = tpu.memref_slice %arg3[%dma_start3A_192, %dma_start3A_193] : memref<10000x128xf32, #tpu.memory_space<hbm>> -> memref<10000x128xf32, #tpu.memory_space<hbm>>
        tpu.enqueue_indirect_dma source(%dma_start3A_194 : memref<10000x128xf32, #tpu.memory_space<hbm>>) target(%dma_start3A_188 : memref<40x128xf32, #tpu.memory_space<vmem>>) offsets(%dma_start3A_191 : memref<40xi32, #tpu.memory_space<vmem>>) semaphore(%arg14 : memref<!tpu.dma_semaphore, #tpu.memory_space<semaphore_mem>>)
      } else {
      }
    }
    %scan3A_71 = arith.constant 50 : i32
    %barrier3A_72 = arith.constant 0 : index
    tpu.barrier barrier_id(%barrier3A_72)
    %mul3A_73 = arith.constant 632 : i32
    %mul3A_74 = arith.muli %arg1, %mul3A_73 : i32
    %mul3A_75 = arith.constant 10112 : i32
    %mul3A_76 = arith.muli %arg0, %mul3A_75 : i32
    %mul3A_77 = arith.constant 632 : i32
    %mul3A_78 = arith.muli %arg1, %mul3A_77 : i32
    %add3A_79 = arith.addi %mul3A_76, %mul3A_78 : i32
    "tpu.region"() ({
      %run_scoped3A_80 = tpu.sem_alloc : memref<!tpu.dma_semaphore, #tpu.memory_space<semaphore_mem>>
      %dma_start3A_81 = arith.constant 0 : i32
      %dma_start3A_82 = tpu.memref_slice %arg5[%add3A_79, %dma_start3A_81] : memref<20224x128xf32, #tpu.memory_space<hbm>> -> memref<632x128xf32, #tpu.memory_space<hbm>>
      %dma_start3A_83 = arith.constant 0 : i32
      %dma_start3A_84 = tpu.memref_slice %arg9[%mul3A_74, %dma_start3A_83] : memref<10112x128xf32, #tpu.memory_space<vmem_shared>> -> memref<632x128xf32, #tpu.memory_space<vmem_shared>>
      tpu.enqueue_dma source(%dma_start3A_84 : memref<632x128xf32, #tpu.memory_space<vmem_shared>>) target(%dma_start3A_82 : memref<632x128xf32, #tpu.memory_space<hbm>>) target_semaphore(%run_scoped3A_80 : memref<!tpu.dma_semaphore, #tpu.memory_space<semaphore_mem>>)
      %dma_wait3A = arith.constant 0 : i32
      %dma_wait3A_85 = tpu.memref_slice %arg5[%add3A_79, %dma_wait3A] : memref<20224x128xf32, #tpu.memory_space<hbm>> -> memref<632x128xf32, #tpu.memory_space<hbm>>
      %dma_wait3A_86 = arith.constant 0 : i32
      %dma_wait3A_87 = tpu.memref_slice %arg9[%mul3A_74, %dma_wait3A_86] : memref<10112x128xf32, #tpu.memory_space<vmem_shared>> -> memref<632x128xf32, #tpu.memory_space<vmem_shared>>
      tpu.wait_dma2 semaphore(%run_scoped3A_80 : memref<!tpu.dma_semaphore, #tpu.memory_space<semaphore_mem>>) src(%dma_wait3A_87 : memref<632x128xf32, #tpu.memory_space<vmem_shared>>) dst(%dma_wait3A_85 : memref<632x128xf32, #tpu.memory_space<hbm>>)
      tpu.yield
    }) : () -> ()
    return
  }
}

module attributes {stable_mosaic.version = 14 : i64} {
  func.func @body(%arg0: memref<10000x128xf32, #tpu.memory_space<vmem>>, %arg1: memref<10000x128xf32, #tpu.memory_space<vmem>>) attributes {dimension_semantics = [], scalar_prefetch = 0 : i64, scratch_operands = 0 : i64, tpu.core_type = #tpu.core_type<tc>} {
    %get3A = arith.constant 0 : index
    %get3A_0 = arith.constant 0 : index
    %get3A_1 = vector.load %arg0[%get3A, %get3A_0] : memref<10000x128xf32, #tpu.memory_space<vmem>>, vector<10000x128xf32>
    %reduce_sum3A = arith.constant dense<0.000000e+00> : vector<128xf32>
    %reduce_sum3A_2 = vector.multi_reduction <add>, %get3A_1, %reduce_sum3A [0] : vector<10000x128xf32> to vector<128xf32>
    %broadcast_in_dim3A = vector.shape_cast %reduce_sum3A_2 : vector<128xf32> to vector<1x128xf32>
    %div3A = arith.constant 1.000000e+04 : f32
    %div3A_3 = vector.broadcast %div3A : f32 to vector<1x128xf32>
    %div3A_4 = arith.divf %broadcast_in_dim3A, %div3A_3 : vector<1x128xf32>
    %sub3A = vector.broadcast %div3A_4 : vector<1x128xf32> to vector<10000x128xf32>
    %sub3A_5 = arith.subf %get3A_1, %sub3A : vector<10000x128xf32>
    %integer_pow3A = arith.mulf %sub3A_5, %sub3A_5 : vector<10000x128xf32>
    %reduce_sum3A_6 = arith.constant dense<0.000000e+00> : vector<128xf32>
    %reduce_sum3A_7 = vector.multi_reduction <add>, %integer_pow3A, %reduce_sum3A_6 [0] : vector<10000x128xf32> to vector<128xf32>
    %broadcast_in_dim3A_8 = vector.shape_cast %reduce_sum3A_7 : vector<128xf32> to vector<1x128xf32>
    %div3A_9 = arith.constant 1.000000e+04 : f32
    %div3A_10 = vector.broadcast %div3A_9 : f32 to vector<1x128xf32>
    %div3A_11 = arith.divf %broadcast_in_dim3A_8, %div3A_10 : vector<1x128xf32>
    %sub3A_12 = vector.broadcast %div3A_4 : vector<1x128xf32> to vector<10000x128xf32>
    %sub3A_13 = arith.subf %get3A_1, %sub3A_12 : vector<10000x128xf32>
    %add3A = arith.constant 9.99999974E-6 : f32
    %add3A_14 = vector.broadcast %add3A : f32 to vector<1x128xf32>
    %add3A_15 = arith.addf %div3A_11, %add3A_14 : vector<1x128xf32>
    %sqrt3A = math.sqrt %add3A_15 : vector<1x128xf32>
    %div3A_16 = vector.broadcast %sqrt3A : vector<1x128xf32> to vector<10000x128xf32>
    %div3A_17 = arith.divf %sub3A_13, %div3A_16 : vector<10000x128xf32>
    %swap3A = arith.constant 0 : index
    %swap3A_18 = arith.constant 0 : index
    %swap3A_19 = vector.load %arg1[%swap3A, %swap3A_18] : memref<10000x128xf32, #tpu.memory_space<vmem>>, vector<10000x128xf32>
    tpu.vector_store %arg1[%swap3A, %swap3A_18], %div3A_17 {strides = array<i32>} : memref<10000x128xf32, #tpu.memory_space<vmem>>, vector<10000x128xf32>,
    return
  }
}

module attributes {stable_mosaic.version = 14 : i64} {
  func.func @body(%arg0: memref<10000x128xf32, #tpu.memory_space<vmem>>, %arg1: memref<20224x8xf32, #tpu.memory_space<vmem>>, %arg2: memref<10000x128xf32, #tpu.memory_space<vmem>>, %arg3: memref<10000x1xf32, #tpu.memory_space<vmem>>) attributes {dimension_semantics = [], scalar_prefetch = 0 : i64, scratch_operands = 0 : i64, tpu.core_type = #tpu.core_type<tc>} {
    %get3A = arith.constant 0 : index
    %get3A_0 = arith.constant 0 : index
    %get3A_1 = vector.load %arg1[%get3A, %get3A_0] : memref<20224x8xf32, #tpu.memory_space<vmem>>, vector<20224x8xf32>
    %slice3A = vector.extract_strided_slice %get3A_1 {offsets = [0, 0], sizes = [10000, 8], strides = [1, 1]} : vector<20224x8xf32> to vector<10000x8xf32>
    %reduce_sum3A = arith.constant dense<0.000000e+00> : vector<10000xf32>
    %reduce_sum3A_2 = vector.multi_reduction <add>, %slice3A, %reduce_sum3A [1] : vector<10000x8xf32> to vector<10000xf32>
    %broadcast_in_dim3A = vector.shape_cast %reduce_sum3A_2 : vector<10000xf32> to vector<10000x1xf32>
    %slice3A_3 = vector.extract_strided_slice %get3A_1 {offsets = [10112, 0], sizes = [10000, 8], strides = [1, 1]} : vector<20224x8xf32> to vector<10000x8xf32>
    %reduce_sum3A_4 = arith.constant dense<0.000000e+00> : vector<10000xf32>
    %reduce_sum3A_5 = vector.multi_reduction <add>, %slice3A_3, %reduce_sum3A_4 [1] : vector<10000x8xf32> to vector<10000xf32>
    %broadcast_in_dim3A_6 = vector.shape_cast %reduce_sum3A_5 : vector<10000xf32> to vector<10000x1xf32>
    %add3A = arith.addf %broadcast_in_dim3A, %broadcast_in_dim3A_6 : vector<10000x1xf32>
    %div3A = arith.constant 8.000000e+00 : f32
    %div3A_7 = vector.broadcast %div3A : f32 to vector<10000x1xf32>
    %div3A_8 = arith.divf %add3A, %div3A_7 : vector<10000x1xf32>
    %max3A = arith.constant 1.000000e+00 : f32
    %max3A_9 = vector.broadcast %max3A : f32 to vector<10000x1xf32>
    %max3A_10 = arith.maximumf %div3A_8, %max3A_9 : vector<10000x1xf32>
    %sqrt3A = math.sqrt %max3A_10 : vector<10000x1xf32>
    %div3A_11 = arith.constant 1.000000e+00 : f32
    %div3A_12 = vector.broadcast %div3A_11 : f32 to vector<10000x1xf32>
    %div3A_13 = arith.divf %div3A_12, %sqrt3A : vector<10000x1xf32>
    %swap3A = arith.constant 0 : index
    %swap3A_14 = arith.constant 0 : index
    %swap3A_15 = vector.load %arg3[%swap3A, %swap3A_14] : memref<10000x1xf32, #tpu.memory_space<vmem>>, vector<10000x1xf32>
    tpu.vector_store %arg3[%swap3A, %swap3A_14], %div3A_13 {strides = array<i32>} : memref<10000x1xf32, #tpu.memory_space<vmem>>, vector<10000x1xf32>,
    %get3A_16 = arith.constant 0 : index
    %get3A_17 = arith.constant 0 : index
    %get3A_18 = vector.load %arg0[%get3A_16, %get3A_17] : memref<10000x128xf32, #tpu.memory_space<vmem>>, vector<10000x128xf32>
    %mul3A = vector.broadcast %div3A_13 : vector<10000x1xf32> to vector<10000x128xf32>
    %mul3A_19 = arith.mulf %get3A_18, %mul3A : vector<10000x128xf32>
    %swap3A_20 = arith.constant 0 : index
    %swap3A_21 = arith.constant 0 : index
    %swap3A_22 = vector.load %arg2[%swap3A_20, %swap3A_21] : memref<10000x128xf32, #tpu.memory_space<vmem>>, vector<10000x128xf32>
    tpu.vector_store %arg2[%swap3A_20, %swap3A_21], %mul3A_19 {strides = array<i32>} : memref<10000x128xf32, #tpu.memory_space<vmem>>, vector<10000x128xf32>,
    return
  }
}

module attributes {stable_mosaic.version = 14 : i64} {
  func.func @body(%arg0: memref<20224x128xf32, #tpu.memory_space<vmem>>, %arg1: memref<10000x1xf32, #tpu.memory_space<vmem>>, %arg2: memref<128x128xf32, #tpu.memory_space<vmem>>, %arg3: memref<128xf32, #tpu.memory_space<vmem>>, %arg4: memref<128x48xf32, #tpu.memory_space<vmem>>, %arg5: memref<10000x48xf32, #tpu.memory_space<vmem>>) attributes {dimension_semantics = [], scalar_prefetch = 0 : i64, scratch_operands = 0 : i64, tpu.core_type = #tpu.core_type<tc>} {
    %get3A = arith.constant 0 : index
    %get3A_0 = arith.constant 0 : index
    %get3A_1 = vector.load %arg0[%get3A, %get3A_0] : memref<20224x128xf32, #tpu.memory_space<vmem>>, vector<20224x128xf32>
    %get3A_2 = arith.constant 0 : index
    %get3A_3 = arith.constant 0 : index
    %get3A_4 = vector.load %arg1[%get3A_2, %get3A_3] : memref<10000x1xf32, #tpu.memory_space<vmem>>, vector<10000x1xf32>
    %slice3A = vector.extract_strided_slice %get3A_1 {offsets = [0, 0], sizes = [10000, 128], strides = [1, 1]} : vector<20224x128xf32> to vector<10000x128xf32>
    %slice3A_5 = vector.extract_strided_slice %get3A_1 {offsets = [10112, 0], sizes = [10000, 128], strides = [1, 1]} : vector<20224x128xf32> to vector<10000x128xf32>
    %add3A = arith.addf %slice3A, %slice3A_5 : vector<10000x128xf32>
    %mul3A = vector.broadcast %get3A_4 : vector<10000x1xf32> to vector<10000x128xf32>
    %mul3A_6 = arith.mulf %add3A, %mul3A : vector<10000x128xf32>
    %get3A_7 = arith.constant 0 : index
    %get3A_8 = arith.constant 0 : index
    %get3A_9 = vector.load %arg2[%get3A_7, %get3A_8] : memref<128x128xf32, #tpu.memory_space<vmem>>, vector<128x128xf32>
    %dot_general3A = arith.constant dense<0.000000e+00> : vector<10000x128xf32>
    %dot_general3A_10 = tpu.matmul %mul3A_6, %get3A_9, %dot_general3A {dimension_numbers = #tpu.dot_dimension_numbers<[1], [0], [0], [1], [0, 0, 1, 1], [], []>, transpose_lhs_hint = false} : vector<10000x128xf32>, vector<128x128xf32>, vector<10000x128xf32> -> vector<10000x128xf32>
    %get3A_11 = arith.constant 0 : index
    %get3A_12 = vector.load %arg3[%get3A_11] : memref<128xf32, #tpu.memory_space<vmem>>, vector<128xf32>
    %broadcast_in_dim3A = vector.shape_cast %get3A_12 : vector<128xf32> to vector<1x128xf32>
    %add3A_13 = vector.broadcast %broadcast_in_dim3A : vector<1x128xf32> to vector<10000x128xf32>
    %add3A_14 = arith.addf %dot_general3A_10, %add3A_13 : vector<10000x128xf32>
    %reduce_sum3A = arith.constant dense<0.000000e+00> : vector<128xf32>
    %reduce_sum3A_15 = vector.multi_reduction <add>, %add3A_14, %reduce_sum3A [0] : vector<10000x128xf32> to vector<128xf32>
    %broadcast_in_dim3A_16 = vector.shape_cast %reduce_sum3A_15 : vector<128xf32> to vector<1x128xf32>
    %div3A = arith.constant 1.000000e+04 : f32
    %div3A_17 = vector.broadcast %div3A : f32 to vector<1x128xf32>
    %div3A_18 = arith.divf %broadcast_in_dim3A_16, %div3A_17 : vector<1x128xf32>
    %sub3A = vector.broadcast %div3A_18 : vector<1x128xf32> to vector<10000x128xf32>
    %sub3A_19 = arith.subf %add3A_14, %sub3A : vector<10000x128xf32>
    %mul3A_20 = arith.mulf %sub3A_19, %sub3A_19 : vector<10000x128xf32>
    %reduce_sum3A_21 = arith.constant dense<0.000000e+00> : vector<10000xf32>
    %reduce_sum3A_22 = vector.multi_reduction <add>, %mul3A_20, %reduce_sum3A_21 [1] : vector<10000x128xf32> to vector<10000xf32>
    %reduce_sum3A_23 = vector.shape_cast %reduce_sum3A_22 : vector<10000xf32> to vector<1x10000xf32>
    %reduce_sum3A_24 = arith.constant dense<0.000000e+00> : vector<1xf32>
    %reduce_sum3A_25 = vector.multi_reduction <add>, %reduce_sum3A_23, %reduce_sum3A_24 [1] : vector<1x10000xf32> to vector<1xf32>
    %reduce_sum3A_26 = vector.shape_cast %reduce_sum3A_25 : vector<1xf32> to vector<1x1xf32>
    %reduce_sum3A_27 = vector.extract %reduce_sum3A_26[0, 0] : f32 from vector<1x1xf32>
    %div3A_28 = arith.constant 1.000000e+04 : f32
    %div3A_29 = arith.divf %reduce_sum3A_27, %div3A_28 : f32
    %add3A_30 = arith.constant 9.99999997E-7 : f32
    %add3A_31 = arith.addf %add3A_30, %div3A_29 : f32
    %sqrt3A = math.sqrt %add3A_31 : f32
    %div3A_32 = vector.broadcast %sqrt3A : f32 to vector<10000x128xf32>
    %div3A_33 = arith.divf %sub3A_19, %div3A_32 : vector<10000x128xf32>
    %max3A = arith.constant 0.000000e+00 : f32
    %max3A_34 = vector.broadcast %max3A : f32 to vector<10000x128xf32>
    %max3A_35 = arith.maximumf %div3A_33, %max3A_34 : vector<10000x128xf32>
    %mul3A_36 = vector.broadcast %get3A_4 : vector<10000x1xf32> to vector<10000x128xf32>
    %mul3A_37 = arith.mulf %max3A_35, %mul3A_36 : vector<10000x128xf32>
    %get3A_38 = arith.constant 0 : index
    %get3A_39 = arith.constant 0 : index
    %get3A_40 = vector.load %arg4[%get3A_38, %get3A_39] : memref<128x48xf32, #tpu.memory_space<vmem>>, vector<128x48xf32>
    %dot_general3A_41 = arith.constant dense<0.000000e+00> : vector<10000x48xf32>
    %dot_general3A_42 = tpu.matmul %mul3A_37, %get3A_40, %dot_general3A_41 {dimension_numbers = #tpu.dot_dimension_numbers<[1], [0], [0], [1], [0, 0, 1, 1], [], []>, transpose_lhs_hint = false} : vector<10000x128xf32>, vector<128x48xf32>, vector<10000x48xf32> -> vector<10000x48xf32>
    %swap3A = arith.constant 0 : index
    %swap3A_43 = arith.constant 0 : index
    %swap3A_44 = vector.load %arg5[%swap3A, %swap3A_43] : memref<10000x48xf32, #tpu.memory_space<vmem>>, vector<10000x48xf32>
    tpu.vector_store %arg5[%swap3A, %swap3A_43], %dot_general3A_42 {strides = array<i32>} : memref<10000x48xf32, #tpu.memory_space<vmem>>, vector<10000x48xf32>,
    return
  }
}

module attributes {stable_mosaic.version = 14 : i64} {
  func.func @body(%arg0: memref<20224x48xf32, #tpu.memory_space<vmem>>, %arg1: memref<10000x1xf32, #tpu.memory_space<vmem>>, %arg2: memref<40xf32, #tpu.memory_space<vmem>>, %arg3: memref<10000x40xf32, #tpu.memory_space<vmem>>) attributes {dimension_semantics = [], scalar_prefetch = 0 : i64, scratch_operands = 0 : i64, tpu.core_type = #tpu.core_type<tc>} {
    %get3A = arith.constant 0 : index
    %get3A_0 = arith.constant 0 : index
    %get3A_1 = vector.load %arg0[%get3A, %get3A_0] : memref<20224x48xf32, #tpu.memory_space<vmem>>, vector<20224x48xf32>
    %slice3A = vector.extract_strided_slice %get3A_1 {offsets = [0, 0], sizes = [10000, 48], strides = [1, 1]} : vector<20224x48xf32> to vector<10000x48xf32>
    %slice3A_2 = vector.extract_strided_slice %get3A_1 {offsets = [10112, 0], sizes = [10000, 48], strides = [1, 1]} : vector<20224x48xf32> to vector<10000x48xf32>
    %add3A = arith.addf %slice3A, %slice3A_2 : vector<10000x48xf32>
    %slice3A_3 = vector.extract_strided_slice %add3A {offsets = [0, 0], sizes = [10000, 40], strides = [1, 1]} : vector<10000x48xf32> to vector<10000x40xf32>
    %get3A_4 = arith.constant 0 : index
    %get3A_5 = arith.constant 0 : index
    %get3A_6 = vector.load %arg1[%get3A_4, %get3A_5] : memref<10000x1xf32, #tpu.memory_space<vmem>>, vector<10000x1xf32>
    %mul3A = vector.broadcast %get3A_6 : vector<10000x1xf32> to vector<10000x40xf32>
    %mul3A_7 = arith.mulf %slice3A_3, %mul3A : vector<10000x40xf32>
    %get3A_8 = arith.constant 0 : index
    %get3A_9 = vector.load %arg2[%get3A_8] : memref<40xf32, #tpu.memory_space<vmem>>, vector<40xf32>
    %broadcast_in_dim3A = vector.shape_cast %get3A_9 : vector<40xf32> to vector<1x40xf32>
    %add3A_10 = vector.broadcast %broadcast_in_dim3A : vector<1x40xf32> to vector<10000x40xf32>
    %add3A_11 = arith.addf %mul3A_7, %add3A_10 : vector<10000x40xf32>
    %reduce_sum3A = arith.constant dense<0.000000e+00> : vector<40xf32>
    %reduce_sum3A_12 = vector.multi_reduction <add>, %add3A_11, %reduce_sum3A [0] : vector<10000x40xf32> to vector<40xf32>
    %broadcast_in_dim3A_13 = vector.shape_cast %reduce_sum3A_12 : vector<40xf32> to vector<1x40xf32>
    %div3A = arith.constant 1.000000e+04 : f32
    %div3A_14 = vector.broadcast %div3A : f32 to vector<1x40xf32>
    %div3A_15 = arith.divf %broadcast_in_dim3A_13, %div3A_14 : vector<1x40xf32>
    %sub3A = vector.broadcast %div3A_15 : vector<1x40xf32> to vector<10000x40xf32>
    %sub3A_16 = arith.subf %add3A_11, %sub3A : vector<10000x40xf32>
    %mul3A_17 = arith.mulf %sub3A_16, %sub3A_16 : vector<10000x40xf32>
    %reduce_sum3A_18 = arith.constant dense<0.000000e+00> : vector<10000xf32>
    %reduce_sum3A_19 = vector.multi_reduction <add>, %mul3A_17, %reduce_sum3A_18 [1] : vector<10000x40xf32> to vector<10000xf32>
    %reduce_sum3A_20 = vector.shape_cast %reduce_sum3A_19 : vector<10000xf32> to vector<1x10000xf32>
    %reduce_sum3A_21 = arith.constant dense<0.000000e+00> : vector<1xf32>
    %reduce_sum3A_22 = vector.multi_reduction <add>, %reduce_sum3A_20, %reduce_sum3A_21 [1] : vector<1x10000xf32> to vector<1xf32>
    %reduce_sum3A_23 = vector.shape_cast %reduce_sum3A_22 : vector<1xf32> to vector<1x1xf32>
    %reduce_sum3A_24 = vector.extract %reduce_sum3A_23[0, 0] : f32 from vector<1x1xf32>
    %div3A_25 = arith.constant 1.000000e+04 : f32
    %div3A_26 = arith.divf %reduce_sum3A_24, %div3A_25 : f32
    %add3A_27 = arith.constant 9.99999997E-7 : f32
    %add3A_28 = arith.addf %add3A_27, %div3A_26 : f32
    %sqrt3A = math.sqrt %add3A_28 : f32
    %div3A_29 = vector.broadcast %sqrt3A : f32 to vector<10000x40xf32>
    %div3A_30 = arith.divf %sub3A_16, %div3A_29 : vector<10000x40xf32>
    %swap3A = arith.constant 0 : index
    %swap3A_31 = arith.constant 0 : index
    %swap3A_32 = vector.load %arg3[%swap3A, %swap3A_31] : memref<10000x40xf32, #tpu.memory_space<vmem>>, vector<10000x40xf32>
    tpu.vector_store %arg3[%swap3A, %swap3A_31], %div3A_30 {strides = array<i32>} : memref<10000x40xf32, #tpu.memory_space<vmem>>, vector<10000x40xf32>,
    return
  }
}

</mosaic_0001>

<sc_bundles>
// kernel: kernel.12.cloned.1.call-start
scs
__scs_entry_jumppad:
0x0: {  	(pc) =	sbr.rel $0x88, $3  }
0x1: {  	(tag) =	ssettag $0x0;
	lr =	simm.s32 $0x1  }
0x2: {  	[smem:$0x3F9B] =	sst lr;
	_ =	strace $0xD0000000  }
0x3: {  	_ = 	snop  }
0x4: {  	_ = 	snop  }
0x5: {  	_ = 	snop  }
0x6: {  	_ = 	snop  }
0x7: {  	_ = 	snop  }
__scs_overlays_trampoline_lowered:
0x8: {  	[smem:$0x3FAA] =	sst s0  }
0x9: {  	[smem:$0x3FAB] =	sst s1  }
0xa: {  	[smem:$0x3FAC] =	sst s2  }
0xb: {  	[smem:$0x3FAD] =	sst s3  }
0xc: {  	[smem:$0x3FAE] =	sst s4  }
0xd: {  	[smem:$0x3FAF] =	sst s5  }
0xe: {  	[smem:$0x3FB0] =	sst s6  }
0xf: {  	[smem:$0x3FB1] =	sst s7  }
0x10: {  	[smem:$0x3FB2] =	sst s8  }
0x11: {  	[smem:$0x3FB3] =	sst s9;
	s0 =	simm.s32 @!p0 $0x0  }
0x12: {  	s1 =	sld [smem:$0x3F99];
	s0 =	simm.s32 @p0 $0x1  }
0x13: {  	[smem:$0x3FB4] =	sst s0;
	s0 =	simm.s32 @!p1 $0x0  }
0x14: {  	s2 =	sld [smem:$0x3F98];
	s0 =	simm.s32 @p1 $0x1  }
0x15: {  	[smem:$0x3FB5] =	sst s0;
	s0 =	simm.s32 @!p2 $0x0  }
0x16: {  	s3 =	sld [smem:$0x3FDB];
	s0 =	simm.s32 @p2 $0x1  }
0x17: {  	s4 =	simm.s32 $0x1BF5;
	[smem:$0x3FB7] =	sst s0  }
0x18: {  	s0 =	sld [smem:$0x3F9A];
	_ =	swait.ge [sflag:s4], $0x0  }
0x19: {  	s7 =	sld [smem:$0x3F9B]  }
0x1a: {  	s8 =	sadd.s32 $0xFFFFE003, lr  }
0x1b: {  	s9 =	sadd.s32 $0xFFFFFEF7, lr;
	s5 =	simm.s32 $0xFFFFFFFF;
	p2 =	slt.u32 s8, $0xFFFFF086  }
0x1c: {  	p1 =	slt.u32 s9, $0xF7A;
	s5 =	simm.s32 @!p2 $0x0  }
0x1d: {  	s5 =	simm.s32 @p1 $0x1;
	p0 =	seq.s32 s7, s2  }
0x1e: {  	s7 =	smul.u32 @!p0 $0xF7A, s2;
	p2 =	seq.s32 @!p0 s5, $0x0  }
0x1f: {  	s9 =	smul.u32 $0xF7A, s1;
	s8 =	simm.s32 @!p0 $0x1BF5;
	p2 =	por !p2, p0  }
0x20: {  	[sflag:s8] =	ssyncset.s32 @!p0 $0xFFFFF086;
	s6 =	sadd.s32 @!p0 s3, s7;
	s7 =	simm.s32 @!p0 $0x108  }
0x21: {  	s3 =	sadd.s32 s3, s9;
	s6 =	sadd.s32 @!p0 $0x88, s6;
	s7 =	simm.s32 @p2 $0x1082  }
0x22: {  	[simem:s7], [sflag:s8] =	dma.local @!p0 [hbm:s6], $0xF7A  }
0x23: {  	s9 =	sor.u32 $0xD0000000, s2;
	s6 =	simm.s32 $0x108;
	_ =	swait.ge @!p0 [sflag:s8], $0x0  }
0x24: {  	s3 =	sadd.s32 $0x88, s3;
	s6 =	simm.s32 @!p1 $0x1082;
	[sflag:s4] =	ssyncset.s32 $0xFFFFF086  }
0x25: {  	[simem:s6], [sflag:s4] =	dma.local [hbm:s3], $0xF7A  }
0x26: {  	[smem:$0x3F9B] =	sst s1;
	(tag) =	ssettag s2;
	_ =	strace s9  }
0x27: {  	s1 =	sld [smem:$0x3FAB]  }
0x28: {  	s2 =	sld [smem:$0x3FAC]  }
0x29: {  	s4 =	sld [smem:$0x3FAE]  }
0x2a: {  	p0 =	seq.s32 s5, $0x0;
	s5 =	sld [smem:$0x3FAF]  }
0x2b: {  	s6 =	sld [smem:$0x3FB0]  }
0x2c: {  	s7 =	sld [smem:$0x3FB1]  }
0x2d: {  	s3 =	simm.s32 $0x108;
	s8 =	sld [smem:$0x3FB2]  }
0x2e: {  	s3 =	simm.s32 @!p0 $0x1082;
	s9 =	sld [smem:$0x3FB3]  }
0x2f: {  	lr =	sadd.s32 s0, s3;
	s0 =	sld [smem:$0x3FAA]  }
0x30: {  	s3 =	sld [smem:$0x3FAD]  }
0x31: {  	[smem:$0x3FB6] =	sst s10  }
0x32: {  	s10 =	sld [smem:$0x3FB4];
	_ =	sdelay $0x3  }
0x33: {  	p0 =	seq.s32 s10, $0x1;
	s10 =	sld [smem:$0x3FB6];
	_ =	sdelay $0x3  }
0x34: {  	[smem:$0x3FB6] =	sst s10  }
0x35: {  	s10 =	sld [smem:$0x3FB5];
	_ =	sdelay $0x3  }
0x36: {  	p1 =	seq.s32 s10, $0x1;
	s10 =	sld [smem:$0x3FB6];
	_ =	sdelay $0x3  }
0x37: {  	[smem:$0x3FB6] =	sst s10  }
0x38: {  	s10 =	sld [smem:$0x3FB7]  }
0x39: {  	_ = 	snop;
	(pc) =	sbr.ind lr, $3  }
0x3a: {  	_ = 	snop  }
0x3b: {  	_ = 	snop  }
0x3c: {  	p2 =	seq.s32 s10, $0x1;
	s10 =	sld [smem:$0x3FB6]  }
0x3d: {  	_ =	shalt  }
0x3e: {  	_ =	shalt  }
0x3f: {  	_ =	shalt  }
0x40: {  	_ =	shalt  }
0x41: {  	_ =	shalt  }
0x42: {  	_ =	shalt  }
0x43: {  	_ =	shalt  }
0x44: {  	_ =	shalt  }
0x45: {  	_ =	shalt  }
0x46: {  	_ =	shalt  }
0x47: {  	_ =	shalt  }
0x48: {  	_ =	shalt  }
0x49: {  	_ =	shalt  }
0x4a: {  	_ =	shalt  }
0x4b: {  	_ =	shalt  }
0x4c: {  	_ =	shalt  }
0x4d: {  	_ =	shalt  }
0x4e: {  	_ =	shalt  }
0x4f: {  	_ =	shalt  }
0x50: {  	_ =	shalt  }
0x51: {  	_ =	shalt  }
0x52: {  	_ =	shalt  }
0x53: {  	_ =	shalt  }
0x54: {  	_ =	shalt  }
0x55: {  	_ =	shalt  }
0x56: {  	_ =	shalt  }
0x57: {  	_ =	shalt  }
0x58: {  	_ =	shalt  }
0x59: {  	_ =	shalt  }
0x5a: {  	_ =	shalt  }
0x5b: {  	_ =	shalt  }
0x5c: {  	_ =	shalt  }
0x5d: {  	_ =	shalt  }
0x5e: {  	_ =	shalt  }
0x5f: {  	_ =	shalt  }
0x60: {  	_ =	shalt  }
0x61: {  	_ =	shalt  }
0x62: {  	_ =	shalt  }
0x63: {  	_ =	shalt  }
0x64: {  	_ =	shalt  }
0x65: {  	_ =	shalt  }
0x66: {  	_ =	shalt  }
0x67: {  	_ =	shalt  }
0x68: {  	_ =	shalt  }
0x69: {  	_ =	shalt  }
0x6a: {  	_ =	shalt  }
0x6b: {  	_ =	shalt  }
0x6c: {  	_ =	shalt  }
0x6d: {  	_ =	shalt  }
0x6e: {  	_ =	shalt  }
0x6f: {  	_ =	shalt  }
0x70: {  	_ =	shalt  }
0x71: {  	_ =	shalt  }
0x72: {  	_ =	shalt  }
0x73: {  	_ =	shalt  }
0x74: {  	_ =	shalt  }
0x75: {  	_ =	shalt  }
0x76: {  	_ =	shalt  }
0x77: {  	_ =	shalt  }
0x78: {  	_ =	shalt  }
0x79: {  	_ =	shalt  }
0x7a: {  	_ =	shalt  }
0x7b: {  	_ =	shalt  }
0x7c: {  	_ =	shalt  }
0x7d: {  	_ =	shalt  }
0x7e: {  	_ =	shalt  }
0x7f: {  	_ =	shalt  }
0x80: {  	_ =	shalt  }
0x81: {  	_ =	shalt  }
0x82: {  	_ =	shalt  }
0x83: {  	_ =	shalt  }
0x84: {  	_ =	shalt  }
0x85: {  	_ =	shalt  }
0x86: {  	_ =	shalt  }
0x87: {  	_ =	shalt  }
.Lfunc_end0:
.L_simem_size_0:
called_computation.1_lowered:
.L_overlay_start_0:
0x88: {  	s2 =	sld [smem:$0x3FD9]  }
0x89: {  	s3 =	sld [smem:$0x3FFE];
	_ =	sdelay $0x1  }
0x8a: {  	s1 =	srdreg.scid  }
0x8b: {  	s0 =	sand.u32 $0x1, s1  }
0x8c: {  	s16 =	sshll.u32 s0, $0xA;
	s2 =	sadd.s32 s3, s2  }
0x8d: {  	s2 =	sadd.s32 s2, s16  }
0x8e: {  	[smem:$0x3FC2] =	sst s2  }
0x8f: {  	_ = 	snop  }
0x90: {  	(tm) =	ssettm $0x1  }
0x91: {  	s17 =	sld [smem:$0x3FFB];
	_ =	sdelay $0x3  }
0x92: {  	_ =	strace s17  }
0x93: {  	s2 =	sld [smem:$0x3FFC];
	_ =	sdelay $0x3  }
0x94: {  	_ =	strace s2  }
0x95: {  	s2 =	sld [smem:$0x3FFD];
	_ =	sdelay $0x3  }
0x96: {  	_ =	strace s2  }
0x97: {  	_ =	strace $0x8FFFFFFF  }
0x98: {  	s18 =	sld [smem:$0x3FDB];
	_ =	sdelay $0x1  }
0x99: {  	s19 =	simm.s32 $_scs_section_size  }
0x9a: {  	s4 =	simm.s32 $_size__tile_overlayer_lowered;
	s5 =	simm.s32 $_tile_overlayer_lowered  }
0x9b: {  	s22 =	simm.s32 $0x1BFF;
	s21 =	sshll.u32 s5, $0x1;
	s2 =	sadd.s32 s19, s18  }
0x9c: {  	s6 =	simm.s32 $0x0;
	s20 =	sshll.u32 s4, $0x1;
	s4 =	sadd.s32 s21, s2  }
0x9d: {  	[timem:s6], [sflag:s22] =	dma.local [hbm:s4], s20  }
0x9e: {  	_ =	swait.ge [sflag:s22], s20  }
0x9f: {  	s3 =	ssub.s32 $0x0, s20;
	[sflag:s22] =	ssyncset.done $0x0  }
0xa0: {  	[sflag:s22] =	ssyncadd.s32 s3;
	_ =	sdelay $0x1  }
0xa1: {  	s23 =	simm.s32 $0x1B8B  }
0xa2: {  	_ =	swait.ge [sflag:s23], $0x1  }
0xa3: {  	[sflag:s23] =	ssyncset.done $0x0  }
0xa4: {  	s25 =	simm.s32 $0x1B8E;
	s24 =	sld [smem:$0x3FFE];
	[sflag:s23] =	ssyncadd.s32 $0xFFFFFFFF  }
0xa5: {  	s26 =	simm.s32 $execute0_lowered;
	[smem:$0x3FD2] =	sst s25  }
0xa6: {  	s4 =	sshll.u32 s26, $0x1;
	_ =	strace $0x80000049;
	[dreg:$0x1] =	wrdreg $0xFFFFFFFF  }
0xa7: {  	s28 =	simm.s32 $_size_execute0_lowered;
	s2 =	sadd.s32 s2, s4;
	[dreg:$0x0] =	wrdreg $0x0  }
0xa8: {  	s4 =	sshll.u32 s28, $0x1;
	[dreg:$0x2] =	wrdreg s2  }
0xa9: {  	[dreg:$0x3] =	wrdreg s4  }
0xaa: {  	[dreg:$0x4] =	wrdreg $0xC0  }
0xab: {  	_ =	task [dreg:s6], $0x5FFFF  }
0xac: {  	[dreg:$0x1] =	wrdreg $0xFFFFFFFF  }
0xad: {  	[dreg:$0x0] =	wrdreg $0x60  }
0xae: {  	[dreg:$0x2] =	wrdreg s24  }
0xaf: {  	[dreg:$0x3] =	wrdreg $0xB2200  }
0xb0: {  	[dreg:$0x4] =	wrdreg $0x9  }
0xb1: {  	_ =	task.clear_ibuf [dreg:s6], $0x5FFFF;
	_ =	strace $0x90000049  }
0xb2: {  	s29 =	simm.s32 $0x9;
	_ =	strace $0x8000004B  }
0xb3: {  	_ =	swait.ge [sflag:s29], $0x1  }
0xb4: {  	[sflag:s29] =	ssyncadd.s32 $0xFFFFFFFF  }
0xb5: {  	_ =	strace $0x9000004B  }
0xb6: {  	_ =	sfence  }
0xb7: {  	s30 =	sld [smem:$0x0];
	_ =	sdelay $0x2  }
0xb8: {  	s31 =	sshll.u32 s1, $0xD;
	s1 =	sshrl.u32 s1, $0x2  }
0xb9: {  	s3 =	sand.u32 $0x4000, s31;
	s1 =	sadd.s32 s1, s30  }
0xba: {  	s0 =	sor.u32 s3, s0;
	s1 =	sshll.u32 s1, $0x11  }
0xbb: {  	s0 =	sor.u32 s1, s0  }
0xbc: {  	s0 =	sadd.s32 $0x8F2B, s0  }
0xbd: {  	[sflag:s0] =	ssyncadd.remote.s32 $0x1  }
0xbe: {  	_ =	sfence.sel $0xFFFF  }
0xbf: {  	[dreg:$0x0] =	wrdreg $0xFFFFFFFF;
	(pc) =	sbr.abs _section_cstart, $3  }
0xc0: {  	[dreg:$0x1] =	wrdreg $0xFFFFFFFF  }
0xc1: {  	_ =	task.clear_ibuf [dreg:s6], $0x2FFFF;
	_ =	strace $0x9FFFFFFF  }
0xc2: {  	(tm) =	ssettm $0x7FFFFFFF  }
0xc3: {  	_ =	shalt  }
tec
execute0_lowered:
.L_overlay_start_1:
0x0: {  	(tag) =	ssettag $0x1  }
0x1: {  	s0 =	srdreg.scid  }
0x2: {  	s11 =	stileid.u32;
	s5 =	rddreg [dreg:$0x0]  }
0x3: {  	s2 =	rddreg [dreg:$0x1];
	s3 =	simm.s32 $0x0;
	s12 =	simm.s32 $0x6  }
0x4: {  	s14 =	simm.s32 $0x28;
	s15 =	simm.s32 $0x4E20;
	s16 =	simm.s32 $0x6220  }
0x5: {  	s18 =	simm.s32 $0x7620;
	s20 =	simm.s32 $0x8A20;
	s22 =	simm.s32 $0x9E20  }
0x6: {  	s23 =	simm.s32 $0x1;
	s28 =	simm.s32 $0x5;
	s29 =	simm.s32 $0x4D58  }
0x7: {  	s30 =	simm.s32 $0x4D80;
	s31 =	simm.s32 $0x4DA8;
	s13 =	simm.s32 $0x0  }
0x8: {  	s0 =	sand.u32 $0x1, s0;
	s6 =	smul.u32 $0x13C00, s11;
	[smem:$0x7FF] =	sst s3  }
0x9: {  	s7 =	smul.u32 $0x2780, s11;
	s4 =	sadd.s32 $0x15C00, s5;
	s25 =	sshll.u32 s11, $0x6  }
0xa: {  	s1 =	sshll.u32 s0, $0x4;
	_ =	strace $0x8000004A;
	s8 =	smul.u32 $0x27800, s0  }
0xb: {  	s0 =	ssub.s32 $0x2, s0;
	s1 =	sor.u32 s11, s1;
	s9 =	sshrl.u32 s6, $0x3  }
0xc: {  	s24 =	sshrl.u32 s0, $0x1;
	s26 =	sadd.s32 s6, s2;
	s6 =	sor.u32 $0x1C06, s25  }
0xd: {  	s25 =	simm.s32 $0x3;
	s1 =	smul.u32 $0x2710, s1;
	s9 =	sadd.s32 s9, s5  }
0xe: {  	s7 =	sadd.s32 s7, s8;
	s0 =	ssub.s32 s0, s24;
	s11 =	sshrl.u32 s26, $0x3  }
0xf: {  	s24 =	simm.s32 $0x2;
	s26 =	simm.s32 $0x4;
	s1 =	sshrl.u32 s1, $0x3  }
0x10: {  	s10 =	sadd.s32 s7, s5;
	s1 =	sadd.s32 s1, s5;
	s5 =	sadd.s32 $0x3CE00, s9  }
0x11: {  	s9 =	sadd.s32 $0x64600, s10;
	s10 =	smax.u32 s0, $0x1;
	s0 =	simm.s32 $0x4DF8  }
0x12: {  	s7 =	sadd.s32 $0x2200, s1;
	s8 =	sadd.s32 $0xBE40, s1;
	s1 =	simm.s32 $0x4DD0  }
.LBB2_1:
0x13: {  	[spmem:s11], [sflag:s6] =	dma.local [hbm:s5], $0x2780  }
0x14: {  	_ =	swait.ge [sflag:s12], $0x2780  }
0x15: {  	[sflag:s12] =	ssyncset.done $0x0  }
0x16: {  	[sflag:s12] =	ssyncadd.s32 $0xFFFFD880  }
0x17: {  	[tilespmem:s3], [sflag:$0x6] =	stream.linear.gather [hbm4b:s7+s3], $0x2710, $0x38;
	[tilespmem:$0x1EE20] =	vst v63  }
0x18: {  	_ =	swait.ge [sflag:s12], $0x2710  }
0x19: {  	[sflag:s12] =	ssyncset.done $0x0  }
0x1a: {  	s17 =	simm.s32 $0x2710;
	[sflag:s12] =	ssyncadd.s32 $0xFFFFD8F0  }
0x1b: {  	[tilespmem:s17], [sflag:$0x6] =	stream.linear.gather [hbm4b:s8+s3], $0x2710, $0x38;
	[tilespmem:$0x1EE20] =	vst v63  }
0x1c: {  	_ =	swait.ge [sflag:s12], $0x2710  }
0x1d: {  	[sflag:s12] =	ssyncset.done $0x0  }
0x1e: {  	[sflag:s12] =	ssyncadd.s32 $0xFFFFD8F0  }
0x1f: {  	[bflag:$0x0] =	sbarrier.arrive $0xFFFF  }
0x20: {  	[tilespmem:s15], [sflag:$0x1] =	stream.indirect.gather [hbm4b:s4+s14], $0x80, s3, s14, $0xb8;
	[tilespmem:$0x1EE20] =	vst v63  }
0x21: {  	_ = 	snop  }
0x22: {  	[tilespmem:s16], [sflag:$0x2] =	stream.indirect.gather [hbm4b:s4+s14], $0x80, s14, s14, $0xb8;
	[tilespmem:$0x1EE20] =	vst v63  }
0x23: {  	s19 =	simm.s32 $0x50  }
0x24: {  	[tilespmem:s18], [sflag:$0x3] =	stream.indirect.gather [hbm4b:s4+s14], $0x80, s19, s14, $0xb8;
	[tilespmem:$0x1EE20] =	vst v63  }
0x25: {  	s21 =	simm.s32 $0x78  }
0x26: {  	[tilespmem:s20], [sflag:$0x4] =	stream.indirect.gather [hbm4b:s4+s14], $0x80, s21, s14, $0xb8;
	[tilespmem:$0x1EE20] =	vst v63  }
0x27: {  	s19 =	simm.s32 $0xA0  }
0x28: {  	[tilespmem:s22], [sflag:$0x5] =	stream.indirect.gather [hbm4b:s4+s14], $0x80, s19, s14, $0xb8;
	[tilespmem:$0x1EE20] =	vst v63  }
0x29: {  	_ =	swait.ge [sflag:s23], $0x1400  }
0x2a: {  	[sflag:s23] =	ssyncset.done $0x0  }
0x2b: {  	s21 =	simm.s32 $0x2710;
	[sflag:s23] =	ssyncadd.s32 $0xFFFFEC00  }
0x2c: {  	[spmem:s2] =	stream.indirect.scatter.add.f32 [tilespmem:s15], [sflag:$0x6], $0x80, s21, s14, $0xb8;
	[tilespmem:$0x1EE20] =	vst v63  }
0x2d: {  	_ =	swait.ge [sflag:s12], $0x1400  }
0x2e: {  	[sflag:s12] =	ssyncset.done $0x0  }
0x2f: {  	s19 =	simm.s32 $0xC8;
	[sflag:s12] =	ssyncadd.s32 $0xFFFFEC00  }
0x30: {  	[tilespmem:s15], [sflag:$0x1] =	stream.indirect.gather [hbm4b:s4+s14], $0x80, s19, s14, $0xb8;
	[tilespmem:$0x1EE20] =	vst v63  }
0x31: {  	_ =	swait.ge [sflag:s24], $0x1400  }
0x32: {  	[sflag:s24] =	ssyncset.done $0x0  }
0x33: {  	s21 =	simm.s32 $0x2738;
	[sflag:s24] =	ssyncadd.s32 $0xFFFFEC00  }
0x34: {  	[spmem:s2] =	stream.indirect.scatter.add.f32 [tilespmem:s16], [sflag:$0x6], $0x80, s21, s14, $0xb8;
	[tilespmem:$0x1EE20] =	vst v63  }
0x35: {  	_ =	swait.ge [sflag:s12], $0x1400  }
0x36: {  	[sflag:s12] =	ssyncset.done $0x0  }
0x37: {  	s19 =	simm.s32 $0xF0;
	[sflag:s12] =	ssyncadd.s32 $0xFFFFEC00  }
0x38: {  	[tilespmem:s16], [sflag:$0x2] =	stream.indirect.gather [hbm4b:s4+s14], $0x80, s19, s14, $0xb8;
	[tilespmem:$0x1EE20] =	vst v63  }
0x39: {  	_ =	swait.ge [sflag:s25], $0x1400  }
0x3a: {  	[sflag:s25] =	ssyncset.done $0x0  }
0x3b: {  	s21 =	simm.s32 $0x2760;
	[sflag:s25] =	ssyncadd.s32 $0xFFFFEC00  }
0x3c: {  	[spmem:s2] =	stream.indirect.scatter.add.f32 [tilespmem:s18], [sflag:$0x6], $0x80, s21, s14, $0xb8;
	[tilespmem:$0x1EE20] =	vst v63  }
0x3d: {  	_ =	swait.ge [sflag:s12], $0x1400  }
0x3e: {  	[sflag:s12] =	ssyncset.done $0x0  }
0x3f: {  	s19 =	simm.s32 $0x118;
	[sflag:s12] =	ssyncadd.s32 $0xFFFFEC00  }
0x40: {  	[tilespmem:s18], [sflag:$0x3] =	stream.indirect.gather [hbm4b:s4+s14], $0x80, s19, s14, $0xb8;
	[tilespmem:$0x1EE20] =	vst v63  }
0x41: {  	_ =	swait.ge [sflag:s26], $0x1400  }
0x42: {  	[sflag:s26] =	ssyncset.done $0x0  }
0x43: {  	s21 =	simm.s32 $0x2788;
	[sflag:s26] =	ssyncadd.s32 $0xFFFFEC00  }
0x44: {  	[spmem:s2] =	stream.indirect.scatter.add.f32 [tilespmem:s20], [sflag:$0x6], $0x80, s21, s14, $0xb8;
	[tilespmem:$0x1EE20] =	vst v63  }
0x45: {  	_ =	swait.ge [sflag:s12], $0x1400  }
0x46: {  	[sflag:s12] =	ssyncset.done $0x0  }
0x47: {  	s19 =	simm.s32 $0x140;
	[sflag:s12] =	ssyncadd.s32 $0xFFFFEC00  }
0x48: {  	[tilespmem:s20], [sflag:$0x4] =	stream.indirect.gather [hbm4b:s4+s14], $0x80, s19, s14, $0xb8;
	[tilespmem:$0x1EE20] =	vst v63  }
0x49: {  	_ =	swait.ge [sflag:s28], $0x1400  }
0x4a: {  	[sflag:s28] =	ssyncset.done $0x0  }
0x4b: {  	s21 =	simm.s32 $0x27B0;
	[sflag:s28] =	ssyncadd.s32 $0xFFFFEC00  }
0x4c: {  	[spmem:s2] =	stream.indirect.scatter.add.f32 [tilespmem:s22], [sflag:$0x6], $0x80, s21, s14, $0xb8;
	[tilespmem:$0x1EE20] =	vst v63  }
0x4d: {  	_ =	swait.ge [sflag:s12], $0x1400  }
0x4e: {  	[sflag:s12] =	ssyncset.done $0x0  }
0x4f: {  	s17 =	simm.s32 $0x320;
	s19 =	simm.s32 $0x168;
	[sflag:s12] =	ssyncadd.s32 $0xFFFFEC00  }
.LBB2_2:
0x50: {  	[tilespmem:s22], [sflag:$0x5] =	stream.indirect.gather [hbm4b:s4+s14], $0x80, s19, s14, $0xb8;
	[tilespmem:$0x1EE20] =	vst v63  }
0x51: {  	s19 =	smov.u32 s17  }
0x52: {  	p0 =	sne.s32 s17, $0x9600;
	s17 =	sadd.s32 $0x320, s17;
	_ =	swait.ge [sflag:s23], $0x1400  }
0x53: {  	s19 =	sshra.s32 s19, $0x2;
	[sflag:s23] =	ssyncset.done $0x0  }
0x54: {  	s21 =	sadd.s32 $0x2710, s19;
	[sflag:s23] =	ssyncadd.s32 $0xFFFFEC00  }
0x55: {  	[spmem:s2] =	stream.indirect.scatter.add.f32 [tilespmem:s15], [sflag:$0x6], $0x80, s21, s14, $0xb8;
	[tilespmem:$0x1EE20] =	vst v63  }
0x56: {  	_ =	swait.ge [sflag:s12], $0x1400  }
0x57: {  	[sflag:s12] =	ssyncset.done $0x0  }
0x58: {  	s21 =	sadd.s32 $0xC8, s19;
	[sflag:s12] =	ssyncadd.s32 $0xFFFFEC00  }
0x59: {  	[tilespmem:s15], [sflag:$0x1] =	stream.indirect.gather [hbm4b:s4+s14], $0x80, s21, s14, $0xb8;
	[tilespmem:$0x1EE20] =	vst v63  }
0x5a: {  	_ =	swait.ge [sflag:s24], $0x1400  }
0x5b: {  	[sflag:s24] =	ssyncset.done $0x0  }
0x5c: {  	s21 =	sadd.s32 $0x2738, s19;
	[sflag:s24] =	ssyncadd.s32 $0xFFFFEC00  }
0x5d: {  	[spmem:s2] =	stream.indirect.scatter.add.f32 [tilespmem:s16], [sflag:$0x6], $0x80, s21, s14, $0xb8;
	[tilespmem:$0x1EE20] =	vst v63  }
0x5e: {  	_ =	swait.ge [sflag:s12], $0x1400  }
0x5f: {  	[sflag:s12] =	ssyncset.done $0x0  }
0x60: {  	s21 =	sadd.s32 $0xF0, s19;
	[sflag:s12] =	ssyncadd.s32 $0xFFFFEC00  }
0x61: {  	[tilespmem:s16], [sflag:$0x2] =	stream.indirect.gather [hbm4b:s4+s14], $0x80, s21, s14, $0xb8;
	[tilespmem:$0x1EE20] =	vst v63  }
0x62: {  	_ =	swait.ge [sflag:s25], $0x1400  }
0x63: {  	[sflag:s25] =	ssyncset.done $0x0  }
0x64: {  	s21 =	sadd.s32 $0x2760, s19;
	[sflag:s25] =	ssyncadd.s32 $0xFFFFEC00  }
0x65: {  	[spmem:s2] =	stream.indirect.scatter.add.f32 [tilespmem:s18], [sflag:$0x6], $0x80, s21, s14, $0xb8;
	[tilespmem:$0x1EE20] =	vst v63  }
0x66: {  	_ =	swait.ge [sflag:s12], $0x1400  }
0x67: {  	[sflag:s12] =	ssyncset.done $0x0  }
0x68: {  	s21 =	sadd.s32 $0x118, s19;
	[sflag:s12] =	ssyncadd.s32 $0xFFFFEC00  }
0x69: {  	[tilespmem:s18], [sflag:$0x3] =	stream.indirect.gather [hbm4b:s4+s14], $0x80, s21, s14, $0xb8;
	[tilespmem:$0x1EE20] =	vst v63  }
0x6a: {  	_ =	swait.ge [sflag:s26], $0x1400  }
0x6b: {  	[sflag:s26] =	ssyncset.done $0x0  }
0x6c: {  	s21 =	sadd.s32 $0x2788, s19;
	[sflag:s26] =	ssyncadd.s32 $0xFFFFEC00  }
0x6d: {  	[spmem:s2] =	stream.indirect.scatter.add.f32 [tilespmem:s20], [sflag:$0x6], $0x80, s21, s14, $0xb8;
	[tilespmem:$0x1EE20] =	vst v63  }
0x6e: {  	_ =	swait.ge [sflag:s12], $0x1400  }
0x6f: {  	[sflag:s12] =	ssyncset.done $0x0  }
0x70: {  	s21 =	sadd.s32 $0x140, s19;
	[sflag:s12] =	ssyncadd.s32 $0xFFFFEC00  }
0x71: {  	[tilespmem:s20], [sflag:$0x4] =	stream.indirect.gather [hbm4b:s4+s14], $0x80, s21, s14, $0xb8;
	[tilespmem:$0x1EE20] =	vst v63  }
0x72: {  	_ =	swait.ge [sflag:s28], $0x1400  }
0x73: {  	[sflag:s28] =	ssyncset.done $0x0  }
.Ltmp0:
0x74: {  	s21 =	sadd.s32 $0x27B0, s19;
	[sflag:s28] =	ssyncadd.s32 $0xFFFFEC00;
	(pc) =	sbr.rel @p0 .LBB2_2-.Ltmp0, $4  }
0x75: {  	[spmem:s2] =	stream.indirect.scatter.add.f32 [tilespmem:s22], [sflag:$0x6], $0x80, s21, s14, $0xb8;
	[tilespmem:$0x1EE20] =	vst v63  }
0x76: {  	_ =	swait.ge [sflag:s12], $0x1400  }
0x77: {  	[sflag:s12] =	ssyncset.done $0x0  }
0x78: {  	s19 =	sadd.s32 $0x168, s19;
	[sflag:s12] =	ssyncadd.s32 $0xFFFFEC00  }
0x79: {  	[tilespmem:s22], [sflag:$0x5] =	stream.indirect.gather [hbm4b:s4+s14], $0x80, s19, s14, $0xb8;
	[tilespmem:$0x1EE20] =	vst v63  }
0x7a: {  	_ =	swait.ge [sflag:s23], $0x1400  }
0x7b: {  	[sflag:s23] =	ssyncset.done $0x0  }
0x7c: {  	[sflag:s23] =	ssyncadd.s32 $0xFFFFEC00  }
0x7d: {  	[spmem:s2] =	stream.indirect.scatter.add.f32 [tilespmem:s15], [sflag:$0x6], $0x80, s29, s14, $0xb8;
	[tilespmem:$0x1EE20] =	vst v63  }
0x7e: {  	_ =	swait.ge [sflag:s12], $0x1400  }
0x7f: {  	[sflag:s12] =	ssyncset.done $0x0  }
0x80: {  	[sflag:s12] =	ssyncadd.s32 $0xFFFFEC00  }
0x81: {  	_ =	swait.ge [sflag:s24], $0x1400  }
0x82: {  	[sflag:s24] =	ssyncset.done $0x0  }
0x83: {  	[sflag:s24] =	ssyncadd.s32 $0xFFFFEC00  }
0x84: {  	[spmem:s2] =	stream.indirect.scatter.add.f32 [tilespmem:s16], [sflag:$0x6], $0x80, s30, s14, $0xb8;
	[tilespmem:$0x1EE20] =	vst v63  }
0x85: {  	_ =	swait.ge [sflag:s12], $0x1400  }
0x86: {  	[sflag:s12] =	ssyncset.done $0x0  }
0x87: {  	[sflag:s12] =	ssyncadd.s32 $0xFFFFEC00  }
0x88: {  	_ =	swait.ge [sflag:s25], $0x1400  }
0x89: {  	[sflag:s25] =	ssyncset.done $0x0  }
0x8a: {  	[sflag:s25] =	ssyncadd.s32 $0xFFFFEC00  }
0x8b: {  	[spmem:s2] =	stream.indirect.scatter.add.f32 [tilespmem:s18], [sflag:$0x6], $0x80, s31, s14, $0xb8;
	[tilespmem:$0x1EE20] =	vst v63  }
0x8c: {  	_ =	swait.ge [sflag:s12], $0x1400  }
0x8d: {  	[sflag:s12] =	ssyncset.done $0x0  }
0x8e: {  	[sflag:s12] =	ssyncadd.s32 $0xFFFFEC00  }
0x8f: {  	_ =	swait.ge [sflag:s26], $0x1400  }
0x90: {  	[sflag:s26] =	ssyncset.done $0x0  }
0x91: {  	[sflag:s26] =	ssyncadd.s32 $0xFFFFEC00  }
0x92: {  	[spmem:s2] =	stream.indirect.scatter.add.f32 [tilespmem:s20], [sflag:$0x6], $0x80, s1, s14, $0xb8;
	[tilespmem:$0x1EE20] =	vst v63  }
0x93: {  	_ =	swait.ge [sflag:s12], $0x1400  }
0x94: {  	[sflag:s12] =	ssyncset.done $0x0  }
0x95: {  	[sflag:s12] =	ssyncadd.s32 $0xFFFFEC00  }
0x96: {  	_ =	swait.ge [sflag:s28], $0x1400  }
0x97: {  	[sflag:s28] =	ssyncset.done $0x0  }
0x98: {  	[sflag:s28] =	ssyncadd.s32 $0xFFFFEC00  }
0x99: {  	[spmem:s2] =	stream.indirect.scatter.add.f32 [tilespmem:s22], [sflag:$0x6], $0x80, s0, s14, $0xb8;
	[tilespmem:$0x1EE20] =	vst v63  }
0x9a: {  	_ =	swait.ge [sflag:s12], $0x1400  }
0x9b: {  	s13 =	sadd.s32 $0x1, s13;
	[sflag:s12] =	ssyncset.done $0x0  }
0x9c: {  	p0 =	sne.s32 s13, s10;
	[sflag:s12] =	ssyncadd.s32 $0xFFFFEC00  }
.Ltmp1:
0x9d: {  	[bflag:$0x0] =	sbarrier.arrive $0xFFFF;
	(pc) =	sbr.rel @p0 .LBB2_1-.Ltmp1, $4  }
0x9e: {  	[hbm:s9], [sflag:s6] =	dma.local [spmem:s11], $0x2780  }
0x9f: {  	_ =	swait.ge [sflag:s12], $0x2780  }
0xa0: {  	[sflag:s12] =	ssyncset.done $0x0  }
0xa1: {  	[sflag:s12] =	ssyncadd.s32 $0xFFFFD880  }
0xa2: {  	_ =	sfence.sel $0x180000  }
0xa3: {  	[bflag:$0x0] =	sbarrier.arrive $0xFFFF  }
0xa4: {  	_ =	strace $0x9000004A  }
0xa5: {  	s0 =	stileid.u32;
	[bflag:$0x2] =	sbarrier.arrive $0xFFFF  }
0xa6: {  	p0 =	sne.s32 s0, $0x0;
	s0 =	rddreg [dreg:$0x2]  }
0xa7: {  	s0 =	sadd.s32 @!p0 $0x100000, s0  }
0xa8: {  	[sflag:s0] =	ssyncadd.tile.s32 @!p0 $0x1;
	_ =	shalt  }
.Lfunc_end2:
_tile_overlayer_lowered:
.L_overlay_start_2:
0xa9: {  	(tag) =	ssettag $0x2  }
0xaa: {  	s0 =	rddreg [dreg:$0x0];
	s2 =	stileid.u32  }
0xab: {  	s1 =	rddreg [dreg:$0x1];
	p0 =	sne.s32 s2, $0x0  }
0xac: {  	s3 =	rddreg [dreg:$0x2];
	[bflag:$0x3] =	sbarrier.arrive $0xFFFF;
	s2 =	simm.s32 @!p0 $0x1C06  }
0xad: {  	[timem:s3], [sflag:s2] =	dma.local @!p0 [hbm:s0], s1  }
0xae: {  	s0 =	simm.s32 @!p0 $0x6  }
0xaf: {  	_ =	swait.ge @!p0 [sflag:s0], s1  }
0xb0: {  	s1 =	ssub.s32 @!p0 $0x0, s1;
	[sflag:s0] =	ssyncset.done @!p0 $0x0  }
0xb1: {  	[sflag:s0] =	ssyncadd.s32 @!p0 s1  }
0xb2: {  	[bflag:$0x3] =	sbarrier.arrive $0xFFFF  }
0xb3: {  	_ =	shalt  }

// kernel: kernel.15.cloned.1.call-start
scs
__scs_entry_jumppad:
0x0: {  	(pc) =	sbr.rel $0x88, $3  }
0x1: {  	(tag) =	ssettag $0x0;
	lr =	simm.s32 $0x1  }
0x2: {  	[smem:$0x3F9B] =	sst lr;
	_ =	strace $0xD0000000  }
0x3: {  	_ = 	snop  }
0x4: {  	_ = 	snop  }
0x5: {  	_ = 	snop  }
0x6: {  	_ = 	snop  }
0x7: {  	_ = 	snop  }
__scs_overlays_trampoline_lowered:
0x8: {  	[smem:$0x3FAA] =	sst s0  }
0x9: {  	[smem:$0x3FAB] =	sst s1  }
0xa: {  	[smem:$0x3FAC] =	sst s2  }
0xb: {  	[smem:$0x3FAD] =	sst s3  }
0xc: {  	[smem:$0x3FAE] =	sst s4  }
0xd: {  	[smem:$0x3FAF] =	sst s5  }
0xe: {  	[smem:$0x3FB0] =	sst s6  }
0xf: {  	[smem:$0x3FB1] =	sst s7  }
0x10: {  	[smem:$0x3FB2] =	sst s8  }
0x11: {  	[smem:$0x3FB3] =	sst s9;
	s0 =	simm.s32 @!p0 $0x0  }
0x12: {  	s1 =	sld [smem:$0x3F99];
	s0 =	simm.s32 @p0 $0x1  }
0x13: {  	[smem:$0x3FB4] =	sst s0;
	s0 =	simm.s32 @!p1 $0x0  }
0x14: {  	s2 =	sld [smem:$0x3F98];
	s0 =	simm.s32 @p1 $0x1  }
0x15: {  	[smem:$0x3FB5] =	sst s0;
	s0 =	simm.s32 @!p2 $0x0  }
0x16: {  	s3 =	sld [smem:$0x3FDB];
	s0 =	simm.s32 @p2 $0x1  }
0x17: {  	s4 =	simm.s32 $0x1BF5;
	[smem:$0x3FB7] =	sst s0  }
0x18: {  	s0 =	sld [smem:$0x3F9A];
	_ =	swait.ge [sflag:s4], $0x0  }
0x19: {  	s7 =	sld [smem:$0x3F9B]  }
0x1a: {  	s8 =	sadd.s32 $0xFFFFE003, lr  }
0x1b: {  	s9 =	sadd.s32 $0xFFFFFEF7, lr;
	s5 =	simm.s32 $0xFFFFFFFF;
	p2 =	slt.u32 s8, $0xFFFFF086  }
0x1c: {  	p1 =	slt.u32 s9, $0xF7A;
	s5 =	simm.s32 @!p2 $0x0  }
0x1d: {  	s5 =	simm.s32 @p1 $0x1;
	p0 =	seq.s32 s7, s2  }
0x1e: {  	s7 =	smul.u32 @!p0 $0xF7A, s2;
	p2 =	seq.s32 @!p0 s5, $0x0  }
0x1f: {  	s9 =	smul.u32 $0xF7A, s1;
	s8 =	simm.s32 @!p0 $0x1BF5;
	p2 =	por !p2, p0  }
0x20: {  	[sflag:s8] =	ssyncset.s32 @!p0 $0xFFFFF086;
	s6 =	sadd.s32 @!p0 s3, s7;
	s7 =	simm.s32 @!p0 $0x108  }
0x21: {  	s3 =	sadd.s32 s3, s9;
	s6 =	sadd.s32 @!p0 $0x88, s6;
	s7 =	simm.s32 @p2 $0x1082  }
0x22: {  	[simem:s7], [sflag:s8] =	dma.local @!p0 [hbm:s6], $0xF7A  }
0x23: {  	s9 =	sor.u32 $0xD0000000, s2;
	s6 =	simm.s32 $0x108;
	_ =	swait.ge @!p0 [sflag:s8], $0x0  }
0x24: {  	s3 =	sadd.s32 $0x88, s3;
	s6 =	simm.s32 @!p1 $0x1082;
	[sflag:s4] =	ssyncset.s32 $0xFFFFF086  }
0x25: {  	[simem:s6], [sflag:s4] =	dma.local [hbm:s3], $0xF7A  }
0x26: {  	[smem:$0x3F9B] =	sst s1;
	(tag) =	ssettag s2;
	_ =	strace s9  }
0x27: {  	s1 =	sld [smem:$0x3FAB]  }
0x28: {  	s2 =	sld [smem:$0x3FAC]  }
0x29: {  	s4 =	sld [smem:$0x3FAE]  }
0x2a: {  	p0 =	seq.s32 s5, $0x0;
	s5 =	sld [smem:$0x3FAF]  }
0x2b: {  	s6 =	sld [smem:$0x3FB0]  }
0x2c: {  	s7 =	sld [smem:$0x3FB1]  }
0x2d: {  	s3 =	simm.s32 $0x108;
	s8 =	sld [smem:$0x3FB2]  }
0x2e: {  	s3 =	simm.s32 @!p0 $0x1082;
	s9 =	sld [smem:$0x3FB3]  }
0x2f: {  	lr =	sadd.s32 s0, s3;
	s0 =	sld [smem:$0x3FAA]  }
0x30: {  	s3 =	sld [smem:$0x3FAD]  }
0x31: {  	[smem:$0x3FB6] =	sst s10  }
0x32: {  	s10 =	sld [smem:$0x3FB4];
	_ =	sdelay $0x3  }
0x33: {  	p0 =	seq.s32 s10, $0x1;
	s10 =	sld [smem:$0x3FB6];
	_ =	sdelay $0x3  }
0x34: {  	[smem:$0x3FB6] =	sst s10  }
0x35: {  	s10 =	sld [smem:$0x3FB5];
	_ =	sdelay $0x3  }
0x36: {  	p1 =	seq.s32 s10, $0x1;
	s10 =	sld [smem:$0x3FB6];
	_ =	sdelay $0x3  }
0x37: {  	[smem:$0x3FB6] =	sst s10  }
0x38: {  	s10 =	sld [smem:$0x3FB7]  }
0x39: {  	_ = 	snop;
	(pc) =	sbr.ind lr, $3  }
0x3a: {  	_ = 	snop  }
0x3b: {  	_ = 	snop  }
0x3c: {  	p2 =	seq.s32 s10, $0x1;
	s10 =	sld [smem:$0x3FB6]  }
0x3d: {  	_ =	shalt  }
0x3e: {  	_ =	shalt  }
0x3f: {  	_ =	shalt  }
0x40: {  	_ =	shalt  }
0x41: {  	_ =	shalt  }
0x42: {  	_ =	shalt  }
0x43: {  	_ =	shalt  }
0x44: {  	_ =	shalt  }
0x45: {  	_ =	shalt  }
0x46: {  	_ =	shalt  }
0x47: {  	_ =	shalt  }
0x48: {  	_ =	shalt  }
0x49: {  	_ =	shalt  }
0x4a: {  	_ =	shalt  }
0x4b: {  	_ =	shalt  }
0x4c: {  	_ =	shalt  }
0x4d: {  	_ =	shalt  }
0x4e: {  	_ =	shalt  }
0x4f: {  	_ =	shalt  }
0x50: {  	_ =	shalt  }
0x51: {  	_ =	shalt  }
0x52: {  	_ =	shalt  }
0x53: {  	_ =	shalt  }
0x54: {  	_ =	shalt  }
0x55: {  	_ =	shalt  }
0x56: {  	_ =	shalt  }
0x57: {  	_ =	shalt  }
0x58: {  	_ =	shalt  }
0x59: {  	_ =	shalt  }
0x5a: {  	_ =	shalt  }
0x5b: {  	_ =	shalt  }
0x5c: {  	_ =	shalt  }
0x5d: {  	_ =	shalt  }
0x5e: {  	_ =	shalt  }
0x5f: {  	_ =	shalt  }
0x60: {  	_ =	shalt  }
0x61: {  	_ =	shalt  }
0x62: {  	_ =	shalt  }
0x63: {  	_ =	shalt  }
0x64: {  	_ =	shalt  }
0x65: {  	_ =	shalt  }
0x66: {  	_ =	shalt  }
0x67: {  	_ =	shalt  }
0x68: {  	_ =	shalt  }
0x69: {  	_ =	shalt  }
0x6a: {  	_ =	shalt  }
0x6b: {  	_ =	shalt  }
0x6c: {  	_ =	shalt  }
0x6d: {  	_ =	shalt  }
0x6e: {  	_ =	shalt  }
0x6f: {  	_ =	shalt  }
0x70: {  	_ =	shalt  }
0x71: {  	_ =	shalt  }
0x72: {  	_ =	shalt  }
0x73: {  	_ =	shalt  }
0x74: {  	_ =	shalt  }
0x75: {  	_ =	shalt  }
0x76: {  	_ =	shalt  }
0x77: {  	_ =	shalt  }
0x78: {  	_ =	shalt  }
0x79: {  	_ =	shalt  }
0x7a: {  	_ =	shalt  }
0x7b: {  	_ =	shalt  }
0x7c: {  	_ =	shalt  }
0x7d: {  	_ =	shalt  }
0x7e: {  	_ =	shalt  }
0x7f: {  	_ =	shalt  }
0x80: {  	_ =	shalt  }
0x81: {  	_ =	shalt  }
0x82: {  	_ =	shalt  }
0x83: {  	_ =	shalt  }
0x84: {  	_ =	shalt  }
0x85: {  	_ =	shalt  }
0x86: {  	_ =	shalt  }
0x87: {  	_ =	shalt  }
.Lfunc_end0:
.L_simem_size_0:
called_computation.2_lowered:
.L_overlay_start_0:
0x88: {  	s2 =	sld [smem:$0x3FD9]  }
0x89: {  	s3 =	sld [smem:$0x3FFE];
	_ =	sdelay $0x1  }
0x8a: {  	s1 =	srdreg.scid  }
0x8b: {  	s0 =	sand.u32 $0x1, s1  }
0x8c: {  	s16 =	sshll.u32 s0, $0xA;
	s2 =	sadd.s32 s3, s2  }
0x8d: {  	s2 =	sadd.s32 s2, s16  }
0x8e: {  	[smem:$0x3FC2] =	sst s2  }
0x8f: {  	_ = 	snop  }
0x90: {  	(tm) =	ssettm $0x1  }
0x91: {  	s17 =	sld [smem:$0x3FFB];
	_ =	sdelay $0x3  }
0x92: {  	_ =	strace s17  }
0x93: {  	s2 =	sld [smem:$0x3FFC];
	_ =	sdelay $0x3  }
0x94: {  	_ =	strace s2  }
0x95: {  	s2 =	sld [smem:$0x3FFD];
	_ =	sdelay $0x3  }
0x96: {  	_ =	strace s2  }
0x97: {  	_ =	strace $0x8FFFFFFF  }
0x98: {  	s18 =	sld [smem:$0x3FDB];
	_ =	sdelay $0x1  }
0x99: {  	s19 =	simm.s32 $_scs_section_size  }
0x9a: {  	s4 =	simm.s32 $_size__tile_overlayer_lowered;
	s5 =	simm.s32 $_tile_overlayer_lowered  }
0x9b: {  	s22 =	simm.s32 $0x1BFF;
	s21 =	sshll.u32 s5, $0x1;
	s2 =	sadd.s32 s19, s18  }
0x9c: {  	s6 =	simm.s32 $0x0;
	s20 =	sshll.u32 s4, $0x1;
	s4 =	sadd.s32 s21, s2  }
0x9d: {  	[timem:s6], [sflag:s22] =	dma.local [hbm:s4], s20  }
0x9e: {  	_ =	swait.ge [sflag:s22], s20  }
0x9f: {  	s3 =	ssub.s32 $0x0, s20;
	[sflag:s22] =	ssyncset.done $0x0  }
0xa0: {  	[sflag:s22] =	ssyncadd.s32 s3;
	_ =	sdelay $0x1  }
0xa1: {  	s23 =	simm.s32 $0x1B8B  }
0xa2: {  	_ =	swait.ge [sflag:s23], $0x1  }
0xa3: {  	[sflag:s23] =	ssyncset.done $0x0  }
0xa4: {  	s25 =	simm.s32 $0x1B8E;
	s24 =	sld [smem:$0x3FFE];
	[sflag:s23] =	ssyncadd.s32 $0xFFFFFFFF  }
0xa5: {  	s26 =	simm.s32 $execute0_lowered;
	[smem:$0x3FD2] =	sst s25  }
0xa6: {  	s4 =	sshll.u32 s26, $0x1;
	_ =	strace $0x8000004C;
	[dreg:$0x1] =	wrdreg $0xFFFFFFFF  }
0xa7: {  	s28 =	simm.s32 $_size_execute0_lowered;
	s2 =	sadd.s32 s2, s4;
	[dreg:$0x0] =	wrdreg $0x0  }
0xa8: {  	s4 =	sshll.u32 s28, $0x1;
	[dreg:$0x2] =	wrdreg s2  }
0xa9: {  	[dreg:$0x3] =	wrdreg s4  }
0xaa: {  	[dreg:$0x4] =	wrdreg $0xC0  }
0xab: {  	_ =	task [dreg:s6], $0x5FFFF  }
0xac: {  	[dreg:$0x1] =	wrdreg $0xFFFFFFFF  }
0xad: {  	[dreg:$0x0] =	wrdreg $0x60  }
0xae: {  	[dreg:$0x2] =	wrdreg s24  }
0xaf: {  	[dreg:$0x3] =	wrdreg $0x99200  }
0xb0: {  	[dreg:$0x4] =	wrdreg $0x9  }
0xb1: {  	_ =	task.clear_ibuf [dreg:s6], $0x5FFFF;
	_ =	strace $0x9000004C  }
0xb2: {  	s29 =	simm.s32 $0x9;
	_ =	strace $0x8000004E  }
0xb3: {  	_ =	swait.ge [sflag:s29], $0x1  }
0xb4: {  	[sflag:s29] =	ssyncadd.s32 $0xFFFFFFFF  }
0xb5: {  	_ =	strace $0x9000004E  }
0xb6: {  	_ =	sfence  }
0xb7: {  	s30 =	sld [smem:$0x0];
	_ =	sdelay $0x2  }
0xb8: {  	s31 =	sshll.u32 s1, $0xD;
	s1 =	sshrl.u32 s1, $0x2  }
0xb9: {  	s3 =	sand.u32 $0x4000, s31;
	s1 =	sadd.s32 s1, s30  }
0xba: {  	s0 =	sor.u32 s3, s0;
	s1 =	sshll.u32 s1, $0x11  }
0xbb: {  	s0 =	sor.u32 s1, s0  }
0xbc: {  	s0 =	sadd.s32 $0x8F2B, s0  }
0xbd: {  	[sflag:s0] =	ssyncadd.remote.s32 $0x1  }
0xbe: {  	_ =	sfence.sel $0xFFFF  }
0xbf: {  	[dreg:$0x0] =	wrdreg $0xFFFFFFFF;
	(pc) =	sbr.abs _section_cstart, $3  }
0xc0: {  	[dreg:$0x1] =	wrdreg $0xFFFFFFFF  }
0xc1: {  	_ =	task.clear_ibuf [dreg:s6], $0x2FFFF;
	_ =	strace $0x9FFFFFFF  }
0xc2: {  	(tm) =	ssettm $0x7FFFFFFF  }
0xc3: {  	_ =	shalt  }
tec
execute0_lowered:
.L_overlay_start_1:
0x0: {  	(tag) =	ssettag $0x1  }
0x1: {  	s0 =	srdreg.scid;
	s5 =	rddreg [dreg:$0x0]  }
0x2: {  	s10 =	stileid.u32;
	s2 =	rddreg [dreg:$0x1];
	s3 =	simm.s32 $0x0  }
0x3: {  	s12 =	simm.s32 $0xB;
	s14 =	simm.s32 $0x28;
	s15 =	simm.s32 $0x4E20  }
0x4: {  	s18 =	simm.s32 $0x5D20;
	s22 =	simm.s32 $0x6C20;
	s31 =	simm.s32 $0x8A20  }
0x5: {  	s13 =	simm.s32 $0x1;
	s16 =	simm.s32 $0x3;
	s17 =	simm.s32 $0x5  }
0x6: {  	s19 =	simm.s32 $0x7;
	s20 =	simm.s32 $0x9;
	s21 =	simm.s32 $0xA  }
0x7: {  	s23 =	simm.s32 $0x0;
	s0 =	sand.u32 $0x1, s0;
	s6 =	smul.u32 $0x7680, s10  }
0x8: {  	[smem:$0x7FF] =	sst s3;
	s7 =	smul.u32 $0xED0, s10;
	s4 =	sadd.s32 $0x15C00, s5  }
0x9: {  	s26 =	sshll.u32 s10, $0x6;
	s1 =	sshll.u32 s0, $0x4;
	_ =	strace $0x8000004D  }
0xa: {  	s8 =	smul.u32 $0xED00, s0;
	s0 =	ssub.s32 $0x2, s0;
	s1 =	sor.u32 s10, s1  }
0xb: {  	s9 =	sshrl.u32 s6, $0x3;
	s25 =	sshrl.u32 s0, $0x1;
	s1 =	smul.u32 $0x2710, s1  }
0xc: {  	s11 =	sadd.s32 s6, s2;
	s6 =	sor.u32 $0x1C0B, s26;
	s26 =	simm.s32 $0x7B20  }
0xd: {  	s9 =	sadd.s32 s9, s5;
	s7 =	sadd.s32 s7, s8;
	s1 =	sshrl.u32 s1, $0x3  }
.Ltmp0:
0xe: {  	s28 =	sadd.s32 $0x24800, s9;
	s1 =	sadd.s32 s1, s5;
	(pc) =	sbr.rel .LBB2_1-.Ltmp0, $4  }
0xf: {  	s0 =	ssub.s32 s0, s25;
	[dreg:$0x3] =	wrdreg s28;
	s29 =	sadd.s32 $0x2200, s1  }
0x10: {  	s5 =	sadd.s32 s7, s5;
	s1 =	sadd.s32 $0xBE40, s1;
	[dreg:$0x4] =	wrdreg s29  }
0x11: {  	s11 =	sshrl.u32 s11, $0x3;
	s30 =	sadd.s32 $0x33600, s5;
	[dreg:$0x5] =	wrdreg s1  }
0x12: {  	s10 =	smax.u32 s0, $0x1;
	s0 =	simm.s32 $0x91A0;
	[dreg:$0x6] =	wrdreg s30  }
.LBB2_4:
0x13: {  	_ =	swait.ge [sflag:s21], $0x780  }
0x14: {  	[sflag:s21] =	ssyncset.done $0x0  }
0x15: {  	[sflag:s21] =	ssyncadd.s32 $0xFFFFF880  }
0x16: {  	[spmem:s2] =	stream.indirect.scatter.add.f32 [tilespmem:s0], [sflag:$0xB], $0x30, s1, s14, $0xb8;
	[tilespmem:$0x10FA0] =	vst v63  }
0x17: {  	_ =	swait.ge [sflag:s12], $0x780  }
0x18: {  	[sflag:s12] =	ssyncset.done $0x0  }
0x19: {  	s23 =	sadd.s32 $0x1, s23;
	[sflag:s12] =	ssyncadd.s32 $0xFFFFF880  }
0x1a: {  	p0 =	sne.s32 s23, s10;
	[bflag:$0x0] =	sbarrier.arrive $0xFFFF  }
.Ltmp1:
0x1b: {  	s30 =	rddreg [dreg:$0x6];
	(pc) =	sbr.rel @!p0 .LBB2_5-.Ltmp1, $4  }
0x1c: {  	[hbm:s30], [sflag:s6] =	dma.local [spmem:s11], $0xED0  }
0x1d: {  	_ =	swait.ge [sflag:s12], $0xED0  }
0x1e: {  	[sflag:s12] =	ssyncset.done $0x0  }
0x1f: {  	[sflag:s12] =	ssyncadd.s32 $0xFFFFF130  }
.LBB2_1:
0x20: {  	s1 =	rddreg [dreg:$0x3]  }
0x21: {  	[spmem:s11], [sflag:s6] =	dma.local [hbm:s1], $0xED0  }
0x22: {  	_ =	swait.ge [sflag:s12], $0xED0  }
0x23: {  	[sflag:s12] =	ssyncset.done $0x0  }
0x24: {  	s9 =	rddreg [dreg:$0x4];
	[sflag:s12] =	ssyncadd.s32 $0xFFFFF130  }
0x25: {  	[tilespmem:s3], [sflag:$0xB] =	stream.linear.gather [hbm4b:s9+s3], $0x2710, $0x38;
	[tilespmem:$0x10FA0] =	vst v63  }
0x26: {  	_ =	swait.ge [sflag:s12], $0x2710  }
0x27: {  	[sflag:s12] =	ssyncset.done $0x0  }
0x28: {  	s5 =	simm.s32 $0x2710;
	s24 =	rddreg [dreg:$0x5];
	[sflag:s12] =	ssyncadd.s32 $0xFFFFD8F0  }
0x29: {  	[tilespmem:s5], [sflag:$0xB] =	stream.linear.gather [hbm4b:s24+s3], $0x2710, $0x38;
	[tilespmem:$0x10FA0] =	vst v63  }
0x2a: {  	_ =	swait.ge [sflag:s12], $0x2710  }
0x2b: {  	[sflag:s12] =	ssyncset.done $0x0  }
0x2c: {  	[sflag:s12] =	ssyncadd.s32 $0xFFFFD8F0  }
0x2d: {  	[bflag:$0x0] =	sbarrier.arrive $0xFFFF  }
0x2e: {  	[tilespmem:s15], [sflag:$0x1] =	stream.indirect.gather [hbm4b:s4+s14], $0x30, s3, s14, $0xb8;
	[tilespmem:$0x10FA0] =	vst v63  }
0x2f: {  	s25 =	simm.s32 $0x55A0  }
0x30: {  	[tilespmem:s25], [sflag:$0x2] =	stream.indirect.gather [hbm4b:s4+s14], $0x30, s14, s14, $0xb8;
	[tilespmem:$0x10FA0] =	vst v63  }
0x31: {  	s28 =	simm.s32 $0x50  }
0x32: {  	[tilespmem:s18], [sflag:$0x3] =	stream.indirect.gather [hbm4b:s4+s14], $0x30, s28, s14, $0xb8;
	[tilespmem:$0x10FA0] =	vst v63  }
0x33: {  	s29 =	simm.s32 $0x78;
	s30 =	simm.s32 $0x64A0  }
0x34: {  	[tilespmem:s30], [sflag:$0x4] =	stream.indirect.gather [hbm4b:s4+s14], $0x30, s29, s14, $0xb8;
	[tilespmem:$0x10FA0] =	vst v63  }
0x35: {  	s7 =	simm.s32 $0xA0  }
0x36: {  	[tilespmem:s22], [sflag:$0x5] =	stream.indirect.gather [hbm4b:s4+s14], $0x30, s7, s14, $0xb8;
	[tilespmem:$0x10FA0] =	vst v63  }
0x37: {  	s8 =	simm.s32 $0xC8;
	s9 =	simm.s32 $0x73A0  }
0x38: {  	[tilespmem:s9], [sflag:$0x6] =	stream.indirect.gather [hbm4b:s4+s14], $0x30, s8, s14, $0xb8;
	[tilespmem:$0x10FA0] =	vst v63  }
0x39: {  	s24 =	simm.s32 $0xF0  }
0x3a: {  	[tilespmem:s26], [sflag:$0x7] =	stream.indirect.gather [hbm4b:s4+s14], $0x30, s24, s14, $0xb8;
	[tilespmem:$0x10FA0] =	vst v63  }
0x3b: {  	s25 =	simm.s32 $0x118;
	s28 =	simm.s32 $0x82A0  }
0x3c: {  	[tilespmem:s28], [sflag:$0x8] =	stream.indirect.gather [hbm4b:s4+s14], $0x30, s25, s14, $0xb8;
	[tilespmem:$0x10FA0] =	vst v63  }
0x3d: {  	s29 =	simm.s32 $0x140  }
0x3e: {  	[tilespmem:s31], [sflag:$0x9] =	stream.indirect.gather [hbm4b:s4+s14], $0x30, s29, s14, $0xb8;
	[tilespmem:$0x10FA0] =	vst v63  }
0x3f: {  	s30 =	simm.s32 $0x168;
	s24 =	simm.s32 $0x0  }
0x40: {  	[tilespmem:s0], [sflag:$0xA] =	stream.indirect.gather [hbm4b:s4+s14], $0x30, s30, s14, $0xb8;
	[tilespmem:$0x10FA0] =	vst v63  }
.LBB2_2:
0x41: {  	_ =	swait.ge [sflag:s13], $0x780  }
0x42: {  	s25 =	sshra.s32 s24, $0x2;
	[sflag:s13] =	ssyncset.done $0x0  }
0x43: {  	s1 =	sadd.s32 $0x2710, s25;
	[sflag:s13] =	ssyncadd.s32 $0xFFFFF880  }
0x44: {  	[spmem:s2] =	stream.indirect.scatter.add.f32 [tilespmem:s15], [sflag:$0xB], $0x30, s1, s14, $0xb8;
	[tilespmem:$0x10FA0] =	vst v63  }
0x45: {  	_ =	swait.ge [sflag:s12], $0x780  }
0x46: {  	p0 =	seq.s32 s24, $0x9600;
	[sflag:s12] =	ssyncset.done $0x0  }
0x47: {  	s1 =	simm.s32 @p0 $0x2;
	[sflag:s12] =	ssyncadd.s32 $0xFFFFF880  }
0x48: {  	_ =	swait.ge @p0 [sflag:s1], $0x780  }
0x49: {  	s30 =	sshra.s32 @p0 s24, $0x2;
	s7 =	simm.s32 @p0 $0x55A0;
	[sflag:s1] =	ssyncset.done @p0 $0x0  }
0x4a: {  	s5 =	sadd.s32 @p0 $0x2738, s30;
	[sflag:s1] =	ssyncadd.s32 @p0 $0xFFFFF880;
	s1 =	simm.s32 @p0 $0x28  }
0x4b: {  	[spmem:s2] =	stream.indirect.scatter.add.f32 @p0 [tilespmem:s7], [sflag:$0xB], $0x30, s5, s1, $0xb8;
	[tilespmem:$0x10FA0] =	vst v63  }
0x4c: {  	s5 =	simm.s32 @p0 $0xB  }
0x4d: {  	_ =	swait.ge @p0 [sflag:s5], $0x780  }
0x4e: {  	s28 =	sshra.s32 @!p0 s24, $0x2;
	s29 =	simm.s32 @!p0 $0x28;
	[sflag:s5] =	ssyncset.done @p0 $0x0  }
0x4f: {  	s8 =	simm.s32 @!p0 $0x4E20;
	s7 =	sadd.s32 @!p0 $0x190, s28;
	[sflag:s5] =	ssyncadd.s32 @p0 $0xFFFFF880  }
0x50: {  	[tilespmem:s8], [sflag:$0x1] =	stream.indirect.gather @!p0 [hbm4b:s4+s29], $0x30, s7, s29, $0xb8;
	[tilespmem:$0x10FA0] =	vst v63  }
0x51: {  	s7 =	simm.s32 @!p0 $0x2  }
0x52: {  	_ =	swait.ge @!p0 [sflag:s7], $0x780  }
0x53: {  	[sflag:s7] =	ssyncset.done @!p0 $0x0  }
0x54: {  	s8 =	simm.s32 @!p0 $0x55A0;
	[sflag:s7] =	ssyncadd.s32 @!p0 $0xFFFFF880;
	s7 =	sadd.s32 @!p0 $0x2738, s28  }
0x55: {  	[spmem:s2] =	stream.indirect.scatter.add.f32 @!p0 [tilespmem:s8], [sflag:$0xB], $0x30, s7, s29, $0xb8;
	[tilespmem:$0x10FA0] =	vst v63  }
0x56: {  	s7 =	simm.s32 @!p0 $0xB  }
0x57: {  	_ =	swait.ge @!p0 [sflag:s7], $0x780  }
0x58: {  	[sflag:s7] =	ssyncset.done @!p0 $0x0  }
0x59: {  	s9 =	sadd.s32 @!p0 $0x1B8, s28;
	[sflag:s7] =	ssyncadd.s32 @!p0 $0xFFFFF880  }
0x5a: {  	[tilespmem:s8], [sflag:$0x2] =	stream.indirect.gather @!p0 [hbm4b:s4+s29], $0x30, s9, s29, $0xb8;
	[tilespmem:$0x10FA0] =	vst v63  }
0x5b: {  	_ =	swait.ge [sflag:s16], $0x780  }
0x5c: {  	[sflag:s16] =	ssyncset.done $0x0  }
0x5d: {  	s9 =	sadd.s32 $0x2760, s25;
	[sflag:s16] =	ssyncadd.s32 $0xFFFFF880  }
0x5e: {  	[spmem:s2] =	stream.indirect.scatter.add.f32 [tilespmem:s18], [sflag:$0xB], $0x30, s9, s14, $0xb8;
	[tilespmem:$0x10FA0] =	vst v63  }
0x5f: {  	_ =	swait.ge [sflag:s12], $0x780  }
0x60: {  	[sflag:s12] =	ssyncset.done $0x0  }
0x61: {  	s8 =	simm.s32 @p0 $0x4;
	[sflag:s12] =	ssyncadd.s32 $0xFFFFF880  }
0x62: {  	_ =	swait.ge @p0 [sflag:s8], $0x780  }
0x63: {  	[sflag:s8] =	ssyncset.done @p0 $0x0  }
0x64: {  	s9 =	simm.s32 @p0 $0x64A0;
	[sflag:s8] =	ssyncadd.s32 @p0 $0xFFFFF880;
	s8 =	sadd.s32 @p0 $0x2788, s30  }
0x65: {  	[spmem:s2] =	stream.indirect.scatter.add.f32 @p0 [tilespmem:s9], [sflag:$0xB], $0x30, s8, s1, $0xb8;
	[tilespmem:$0x10FA0] =	vst v63  }
0x66: {  	_ =	swait.ge @p0 [sflag:s5], $0x780  }
0x67: {  	[sflag:s5] =	ssyncset.done @p0 $0x0  }
0x68: {  	s8 =	sadd.s32 @!p0 $0x1E0, s28;
	s9 =	simm.s32 @!p0 $0x5D20;
	[sflag:s5] =	ssyncadd.s32 @p0 $0xFFFFF880  }
0x69: {  	[tilespmem:s9], [sflag:$0x3] =	stream.indirect.gather @!p0 [hbm4b:s4+s29], $0x30, s8, s29, $0xb8;
	[tilespmem:$0x10FA0] =	vst v63  }
0x6a: {  	s8 =	simm.s32 @!p0 $0x4  }
0x6b: {  	_ =	swait.ge @!p0 [sflag:s8], $0x780  }
0x6c: {  	[sflag:s8] =	ssyncset.done @!p0 $0x0  }
0x6d: {  	s9 =	simm.s32 @!p0 $0x64A0;
	[sflag:s8] =	ssyncadd.s32 @!p0 $0xFFFFF880;
	s8 =	sadd.s32 @!p0 $0x2788, s28  }
0x6e: {  	[spmem:s2] =	stream.indirect.scatter.add.f32 @!p0 [tilespmem:s9], [sflag:$0xB], $0x30, s8, s29, $0xb8;
	[tilespmem:$0x10FA0] =	vst v63  }
0x6f: {  	_ =	swait.ge @!p0 [sflag:s7], $0x780  }
0x70: {  	[sflag:s7] =	ssyncset.done @!p0 $0x0  }
0x71: {  	s8 =	sadd.s32 @!p0 $0x208, s28;
	[sflag:s7] =	ssyncadd.s32 @!p0 $0xFFFFF880  }
0x72: {  	[tilespmem:s9], [sflag:$0x4] =	stream.indirect.gather @!p0 [hbm4b:s4+s29], $0x30, s8, s29, $0xb8;
	[tilespmem:$0x10FA0] =	vst v63  }
0x73: {  	_ =	swait.ge [sflag:s17], $0x780  }
0x74: {  	[sflag:s17] =	ssyncset.done $0x0  }
0x75: {  	s9 =	sadd.s32 $0x27B0, s25;
	[sflag:s17] =	ssyncadd.s32 $0xFFFFF880  }
0x76: {  	[spmem:s2] =	stream.indirect.scatter.add.f32 [tilespmem:s22], [sflag:$0xB], $0x30, s9, s14, $0xb8;
	[tilespmem:$0x10FA0] =	vst v63  }
0x77: {  	_ =	swait.ge [sflag:s12], $0x780  }
0x78: {  	[sflag:s12] =	ssyncset.done $0x0  }
0x79: {  	s8 =	simm.s32 @p0 $0x6;
	[sflag:s12] =	ssyncadd.s32 $0xFFFFF880  }
0x7a: {  	_ =	swait.ge @p0 [sflag:s8], $0x780  }
0x7b: {  	[sflag:s8] =	ssyncset.done @p0 $0x0  }
0x7c: {  	s9 =	simm.s32 @p0 $0x73A0;
	[sflag:s8] =	ssyncadd.s32 @p0 $0xFFFFF880;
	s8 =	sadd.s32 @p0 $0x27D8, s30  }
0x7d: {  	[spmem:s2] =	stream.indirect.scatter.add.f32 @p0 [tilespmem:s9], [sflag:$0xB], $0x30, s8, s1, $0xb8;
	[tilespmem:$0x10FA0] =	vst v63  }
0x7e: {  	_ =	swait.ge @p0 [sflag:s5], $0x780  }
0x7f: {  	[sflag:s5] =	ssyncset.done @p0 $0x0  }
0x80: {  	s8 =	sadd.s32 @!p0 $0x230, s28;
	s9 =	simm.s32 @!p0 $0x6C20;
	[sflag:s5] =	ssyncadd.s32 @p0 $0xFFFFF880  }
0x81: {  	[tilespmem:s9], [sflag:$0x5] =	stream.indirect.gather @!p0 [hbm4b:s4+s29], $0x30, s8, s29, $0xb8;
	[tilespmem:$0x10FA0] =	vst v63  }
0x82: {  	s8 =	simm.s32 @!p0 $0x6  }
0x83: {  	_ =	swait.ge @!p0 [sflag:s8], $0x780  }
0x84: {  	[sflag:s8] =	ssyncset.done @!p0 $0x0  }
0x85: {  	s9 =	simm.s32 @!p0 $0x73A0;
	[sflag:s8] =	ssyncadd.s32 @!p0 $0xFFFFF880;
	s8 =	sadd.s32 @!p0 $0x27D8, s28  }
0x86: {  	[spmem:s2] =	stream.indirect.scatter.add.f32 @!p0 [tilespmem:s9], [sflag:$0xB], $0x30, s8, s29, $0xb8;
	[tilespmem:$0x10FA0] =	vst v63  }
0x87: {  	_ =	swait.ge @!p0 [sflag:s7], $0x780  }
0x88: {  	[sflag:s7] =	ssyncset.done @!p0 $0x0  }
0x89: {  	s8 =	sadd.s32 @!p0 $0x258, s28;
	[sflag:s7] =	ssyncadd.s32 @!p0 $0xFFFFF880  }
0x8a: {  	[tilespmem:s9], [sflag:$0x6] =	stream.indirect.gather @!p0 [hbm4b:s4+s29], $0x30, s8, s29, $0xb8;
	[tilespmem:$0x10FA0] =	vst v63  }
0x8b: {  	_ =	swait.ge [sflag:s19], $0x780  }
0x8c: {  	[sflag:s19] =	ssyncset.done $0x0  }
0x8d: {  	s9 =	sadd.s32 $0x2800, s25;
	[sflag:s19] =	ssyncadd.s32 $0xFFFFF880  }
0x8e: {  	[spmem:s2] =	stream.indirect.scatter.add.f32 [tilespmem:s26], [sflag:$0xB], $0x30, s9, s14, $0xb8;
	[tilespmem:$0x10FA0] =	vst v63  }
0x8f: {  	_ =	swait.ge [sflag:s12], $0x780  }
0x90: {  	[sflag:s12] =	ssyncset.done $0x0  }
0x91: {  	s8 =	simm.s32 @p0 $0x8;
	[sflag:s12] =	ssyncadd.s32 $0xFFFFF880  }
0x92: {  	_ =	swait.ge @p0 [sflag:s8], $0x780  }
0x93: {  	[sflag:s8] =	ssyncset.done @p0 $0x0  }
0x94: {  	s9 =	simm.s32 @p0 $0x82A0;
	[sflag:s8] =	ssyncadd.s32 @p0 $0xFFFFF880;
	s8 =	sadd.s32 @p0 $0x2828, s30  }
0x95: {  	[spmem:s2] =	stream.indirect.scatter.add.f32 @p0 [tilespmem:s9], [sflag:$0xB], $0x30, s8, s1, $0xb8;
	[tilespmem:$0x10FA0] =	vst v63  }
0x96: {  	_ =	swait.ge @p0 [sflag:s5], $0x780  }
0x97: {  	[sflag:s5] =	ssyncset.done @p0 $0x0  }
0x98: {  	s1 =	sadd.s32 @!p0 $0x280, s28;
	[sflag:s5] =	ssyncadd.s32 @p0 $0xFFFFF880;
	s5 =	simm.s32 @!p0 $0x7B20  }
0x99: {  	[tilespmem:s5], [sflag:$0x7] =	stream.indirect.gather @!p0 [hbm4b:s4+s29], $0x30, s1, s29, $0xb8;
	[tilespmem:$0x10FA0] =	vst v63  }
0x9a: {  	s1 =	simm.s32 @!p0 $0x8  }
0x9b: {  	_ =	swait.ge @!p0 [sflag:s1], $0x780  }
0x9c: {  	[sflag:s1] =	ssyncset.done @!p0 $0x0  }
0x9d: {  	s5 =	simm.s32 @!p0 $0x82A0;
	[sflag:s1] =	ssyncadd.s32 @!p0 $0xFFFFF880;
	s1 =	sadd.s32 @!p0 $0x2828, s28  }
0x9e: {  	[spmem:s2] =	stream.indirect.scatter.add.f32 @!p0 [tilespmem:s5], [sflag:$0xB], $0x30, s1, s29, $0xb8;
	[tilespmem:$0x10FA0] =	vst v63  }
0x9f: {  	_ =	swait.ge @!p0 [sflag:s7], $0x780  }
0xa0: {  	[sflag:s7] =	ssyncset.done @!p0 $0x0  }
0xa1: {  	s1 =	sadd.s32 @!p0 $0x2A8, s28;
	[sflag:s7] =	ssyncadd.s32 @!p0 $0xFFFFF880  }
0xa2: {  	[tilespmem:s5], [sflag:$0x8] =	stream.indirect.gather @!p0 [hbm4b:s4+s29], $0x30, s1, s29, $0xb8;
	[tilespmem:$0x10FA0] =	vst v63  }
0xa3: {  	_ =	swait.ge [sflag:s20], $0x780  }
0xa4: {  	[sflag:s20] =	ssyncset.done $0x0  }
.Ltmp2:
0xa5: {  	s30 =	sadd.s32 $0x2850, s25;
	[sflag:s20] =	ssyncadd.s32 $0xFFFFF880;
	(pc) =	sbr.rel @p0 .LBB2_4-.Ltmp2, $4  }
0xa6: {  	[spmem:s2] =	stream.indirect.scatter.add.f32 [tilespmem:s31], [sflag:$0xB], $0x30, s30, s14, $0xb8;
	[tilespmem:$0x10FA0] =	vst v63  }
0xa7: {  	_ =	swait.ge [sflag:s12], $0x780  }
0xa8: {  	[sflag:s12] =	ssyncset.done $0x0  }
0xa9: {  	s1 =	sadd.s32 $0x2878, s25;
	[sflag:s12] =	ssyncadd.s32 $0xFFFFF880  }
0xaa: {  	s5 =	sadd.s32 $0x2D0, s25  }
0xab: {  	[tilespmem:s31], [sflag:$0x9] =	stream.indirect.gather [hbm4b:s4+s14], $0x30, s5, s14, $0xb8;
	[tilespmem:$0x10FA0] =	vst v63  }
0xac: {  	_ =	swait.ge [sflag:s21], $0x780  }
0xad: {  	[sflag:s21] =	ssyncset.done $0x0  }
0xae: {  	[sflag:s21] =	ssyncadd.s32 $0xFFFFF880  }
0xaf: {  	[spmem:s2] =	stream.indirect.scatter.add.f32 [tilespmem:s0], [sflag:$0xB], $0x30, s1, s14, $0xb8;
	[tilespmem:$0x10FA0] =	vst v63  }
.Ltmp3:
0xb0: {  	_ = 	snop;
	(pc) =	sbr.rel .LBB2_2-.Ltmp3, $4  }
0xb1: {  	_ =	swait.ge [sflag:s12], $0x780  }
0xb2: {  	[sflag:s12] =	ssyncset.done $0x0  }
0xb3: {  	s30 =	sadd.s32 $0x2F8, s25;
	s24 =	sadd.s32 $0x640, s24;
	[sflag:s12] =	ssyncadd.s32 $0xFFFFF880  }
0xb4: {  	[tilespmem:s0], [sflag:$0xA] =	stream.indirect.gather [hbm4b:s4+s14], $0x30, s30, s14, $0xb8;
	[tilespmem:$0x10FA0] =	vst v63  }
.LBB2_5:
0xb5: {  	_ =	sfence.sel $0x180000  }
0xb6: {  	[bflag:$0x0] =	sbarrier.arrive $0xFFFF  }
0xb7: {  	_ =	strace $0x9000004D  }
0xb8: {  	s0 =	stileid.u32;
	[bflag:$0x2] =	sbarrier.arrive $0xFFFF  }
0xb9: {  	p0 =	sne.s32 s0, $0x0;
	s0 =	rddreg [dreg:$0x2]  }
0xba: {  	s0 =	sadd.s32 @!p0 $0x100000, s0  }
0xbb: {  	[sflag:s0] =	ssyncadd.tile.s32 @!p0 $0x1;
	_ =	shalt  }
.Lfunc_end2:
_tile_overlayer_lowered:
.L_overlay_start_2:
0xbc: {  	(tag) =	ssettag $0x2  }
0xbd: {  	s0 =	rddreg [dreg:$0x0];
	s2 =	stileid.u32  }
0xbe: {  	s1 =	rddreg [dreg:$0x1];
	p0 =	sne.s32 s2, $0x0  }
0xbf: {  	s3 =	rddreg [dreg:$0x2];
	[bflag:$0x3] =	sbarrier.arrive $0xFFFF;
	s2 =	simm.s32 @!p0 $0x1C0B  }
0xc0: {  	[timem:s3], [sflag:s2] =	dma.local @!p0 [hbm:s0], s1  }
0xc1: {  	s0 =	simm.s32 @!p0 $0xB  }
0xc2: {  	_ =	swait.ge @!p0 [sflag:s0], s1  }
0xc3: {  	s1 =	ssub.s32 @!p0 $0x0, s1;
	[sflag:s0] =	ssyncset.done @!p0 $0x0  }
0xc4: {  	[sflag:s0] =	ssyncadd.s32 @!p0 s1  }
0xc5: {  	[bflag:$0x3] =	sbarrier.arrive $0xFFFF  }
0xc6: {  	_ =	shalt  }

// kernel: kernel.9.cloned.1.call-start
scs
__scs_entry_jumppad:
0x0: {  	(pc) =	sbr.rel $0x88, $3  }
0x1: {  	(tag) =	ssettag $0x0;
	lr =	simm.s32 $0x1  }
0x2: {  	[smem:$0x3F9B] =	sst lr;
	_ =	strace $0xD0000000  }
0x3: {  	_ = 	snop  }
0x4: {  	_ = 	snop  }
0x5: {  	_ = 	snop  }
0x6: {  	_ = 	snop  }
0x7: {  	_ = 	snop  }
__scs_overlays_trampoline_lowered:
0x8: {  	[smem:$0x3FAA] =	sst s0  }
0x9: {  	[smem:$0x3FAB] =	sst s1  }
0xa: {  	[smem:$0x3FAC] =	sst s2  }
0xb: {  	[smem:$0x3FAD] =	sst s3  }
0xc: {  	[smem:$0x3FAE] =	sst s4  }
0xd: {  	[smem:$0x3FAF] =	sst s5  }
0xe: {  	[smem:$0x3FB0] =	sst s6  }
0xf: {  	[smem:$0x3FB1] =	sst s7  }
0x10: {  	[smem:$0x3FB2] =	sst s8  }
0x11: {  	[smem:$0x3FB3] =	sst s9;
	s0 =	simm.s32 @!p0 $0x0  }
0x12: {  	s1 =	sld [smem:$0x3F99];
	s0 =	simm.s32 @p0 $0x1  }
0x13: {  	[smem:$0x3FB4] =	sst s0;
	s0 =	simm.s32 @!p1 $0x0  }
0x14: {  	s2 =	sld [smem:$0x3F98];
	s0 =	simm.s32 @p1 $0x1  }
0x15: {  	[smem:$0x3FB5] =	sst s0;
	s0 =	simm.s32 @!p2 $0x0  }
0x16: {  	s3 =	sld [smem:$0x3FDB];
	s0 =	simm.s32 @p2 $0x1  }
0x17: {  	s4 =	simm.s32 $0x1BF5;
	[smem:$0x3FB7] =	sst s0  }
0x18: {  	s0 =	sld [smem:$0x3F9A];
	_ =	swait.ge [sflag:s4], $0x0  }
0x19: {  	s7 =	sld [smem:$0x3F9B]  }
0x1a: {  	s8 =	sadd.s32 $0xFFFFE003, lr  }
0x1b: {  	s9 =	sadd.s32 $0xFFFFFEF7, lr;
	s5 =	simm.s32 $0xFFFFFFFF;
	p2 =	slt.u32 s8, $0xFFFFF086  }
0x1c: {  	p1 =	slt.u32 s9, $0xF7A;
	s5 =	simm.s32 @!p2 $0x0  }
0x1d: {  	s5 =	simm.s32 @p1 $0x1;
	p0 =	seq.s32 s7, s2  }
0x1e: {  	s7 =	smul.u32 @!p0 $0xF7A, s2;
	p2 =	seq.s32 @!p0 s5, $0x0  }
0x1f: {  	s9 =	smul.u32 $0xF7A, s1;
	s8 =	simm.s32 @!p0 $0x1BF5;
	p2 =	por !p2, p0  }
0x20: {  	[sflag:s8] =	ssyncset.s32 @!p0 $0xFFFFF086;
	s6 =	sadd.s32 @!p0 s3, s7;
	s7 =	simm.s32 @!p0 $0x108  }
0x21: {  	s3 =	sadd.s32 s3, s9;
	s6 =	sadd.s32 @!p0 $0x88, s6;
	s7 =	simm.s32 @p2 $0x1082  }
0x22: {  	[simem:s7], [sflag:s8] =	dma.local @!p0 [hbm:s6], $0xF7A  }
0x23: {  	s9 =	sor.u32 $0xD0000000, s2;
	s6 =	simm.s32 $0x108;
	_ =	swait.ge @!p0 [sflag:s8], $0x0  }
0x24: {  	s3 =	sadd.s32 $0x88, s3;
	s6 =	simm.s32 @!p1 $0x1082;
	[sflag:s4] =	ssyncset.s32 $0xFFFFF086  }
0x25: {  	[simem:s6], [sflag:s4] =	dma.local [hbm:s3], $0xF7A  }
0x26: {  	[smem:$0x3F9B] =	sst s1;
	(tag) =	ssettag s2;
	_ =	strace s9  }
0x27: {  	s1 =	sld [smem:$0x3FAB]  }
0x28: {  	s2 =	sld [smem:$0x3FAC]  }
0x29: {  	s4 =	sld [smem:$0x3FAE]  }
0x2a: {  	p0 =	seq.s32 s5, $0x0;
	s5 =	sld [smem:$0x3FAF]  }
0x2b: {  	s6 =	sld [smem:$0x3FB0]  }
0x2c: {  	s7 =	sld [smem:$0x3FB1]  }
0x2d: {  	s3 =	simm.s32 $0x108;
	s8 =	sld [smem:$0x3FB2]  }
0x2e: {  	s3 =	simm.s32 @!p0 $0x1082;
	s9 =	sld [smem:$0x3FB3]  }
0x2f: {  	lr =	sadd.s32 s0, s3;
	s0 =	sld [smem:$0x3FAA]  }
0x30: {  	s3 =	sld [smem:$0x3FAD]  }
0x31: {  	[smem:$0x3FB6] =	sst s10  }
0x32: {  	s10 =	sld [smem:$0x3FB4];
	_ =	sdelay $0x3  }
0x33: {  	p0 =	seq.s32 s10, $0x1;
	s10 =	sld [smem:$0x3FB6];
	_ =	sdelay $0x3  }
0x34: {  	[smem:$0x3FB6] =	sst s10  }
0x35: {  	s10 =	sld [smem:$0x3FB5];
	_ =	sdelay $0x3  }
0x36: {  	p1 =	seq.s32 s10, $0x1;
	s10 =	sld [smem:$0x3FB6];
	_ =	sdelay $0x3  }
0x37: {  	[smem:$0x3FB6] =	sst s10  }
0x38: {  	s10 =	sld [smem:$0x3FB7]  }
0x39: {  	_ = 	snop;
	(pc) =	sbr.ind lr, $3  }
0x3a: {  	_ = 	snop  }
0x3b: {  	_ = 	snop  }
0x3c: {  	p2 =	seq.s32 s10, $0x1;
	s10 =	sld [smem:$0x3FB6]  }
0x3d: {  	_ =	shalt  }
0x3e: {  	_ =	shalt  }
0x3f: {  	_ =	shalt  }
0x40: {  	_ =	shalt  }
0x41: {  	_ =	shalt  }
0x42: {  	_ =	shalt  }
0x43: {  	_ =	shalt  }
0x44: {  	_ =	shalt  }
0x45: {  	_ =	shalt  }
0x46: {  	_ =	shalt  }
0x47: {  	_ =	shalt  }
0x48: {  	_ =	shalt  }
0x49: {  	_ =	shalt  }
0x4a: {  	_ =	shalt  }
0x4b: {  	_ =	shalt  }
0x4c: {  	_ =	shalt  }
0x4d: {  	_ =	shalt  }
0x4e: {  	_ =	shalt  }
0x4f: {  	_ =	shalt  }
0x50: {  	_ =	shalt  }
0x51: {  	_ =	shalt  }
0x52: {  	_ =	shalt  }
0x53: {  	_ =	shalt  }
0x54: {  	_ =	shalt  }
0x55: {  	_ =	shalt  }
0x56: {  	_ =	shalt  }
0x57: {  	_ =	shalt  }
0x58: {  	_ =	shalt  }
0x59: {  	_ =	shalt  }
0x5a: {  	_ =	shalt  }
0x5b: {  	_ =	shalt  }
0x5c: {  	_ =	shalt  }
0x5d: {  	_ =	shalt  }
0x5e: {  	_ =	shalt  }
0x5f: {  	_ =	shalt  }
0x60: {  	_ =	shalt  }
0x61: {  	_ =	shalt  }
0x62: {  	_ =	shalt  }
0x63: {  	_ =	shalt  }
0x64: {  	_ =	shalt  }
0x65: {  	_ =	shalt  }
0x66: {  	_ =	shalt  }
0x67: {  	_ =	shalt  }
0x68: {  	_ =	shalt  }
0x69: {  	_ =	shalt  }
0x6a: {  	_ =	shalt  }
0x6b: {  	_ =	shalt  }
0x6c: {  	_ =	shalt  }
0x6d: {  	_ =	shalt  }
0x6e: {  	_ =	shalt  }
0x6f: {  	_ =	shalt  }
0x70: {  	_ =	shalt  }
0x71: {  	_ =	shalt  }
0x72: {  	_ =	shalt  }
0x73: {  	_ =	shalt  }
0x74: {  	_ =	shalt  }
0x75: {  	_ =	shalt  }
0x76: {  	_ =	shalt  }
0x77: {  	_ =	shalt  }
0x78: {  	_ =	shalt  }
0x79: {  	_ =	shalt  }
0x7a: {  	_ =	shalt  }
0x7b: {  	_ =	shalt  }
0x7c: {  	_ =	shalt  }
0x7d: {  	_ =	shalt  }
0x7e: {  	_ =	shalt  }
0x7f: {  	_ =	shalt  }
0x80: {  	_ =	shalt  }
0x81: {  	_ =	shalt  }
0x82: {  	_ =	shalt  }
0x83: {  	_ =	shalt  }
0x84: {  	_ =	shalt  }
0x85: {  	_ =	shalt  }
0x86: {  	_ =	shalt  }
0x87: {  	_ =	shalt  }
.Lfunc_end0:
.L_simem_size_0:
called_computation_lowered:
.L_overlay_start_0:
0x88: {  	s2 =	sld [smem:$0x3FD9]  }
0x89: {  	s3 =	sld [smem:$0x3FFE];
	_ =	sdelay $0x1  }
0x8a: {  	s1 =	srdreg.scid  }
0x8b: {  	s0 =	sand.u32 $0x1, s1  }
0x8c: {  	s17 =	sshll.u32 s0, $0xA;
	s2 =	sadd.s32 s3, s2  }
0x8d: {  	s2 =	sadd.s32 s2, s17  }
0x8e: {  	[smem:$0x3FC2] =	sst s2  }
0x8f: {  	_ = 	snop  }
0x90: {  	s2 =	sld [smem:$0x3FD0];
	(tm) =	ssettm $0x1  }
0x91: {  	s18 =	sld [smem:$0x3FFB];
	_ =	sdelay $0x3  }
0x92: {  	_ =	strace s18  }
0x93: {  	s3 =	sld [smem:$0x3FFC];
	_ =	sdelay $0x3  }
0x94: {  	_ =	strace s3  }
0x95: {  	s3 =	sld [smem:$0x3FFD];
	_ =	sdelay $0x3  }
0x96: {  	_ =	strace s3  }
0x97: {  	_ =	strace $0x8FFFFFFF  }
0x98: {  	s19 =	sld [smem:$0x3FDB];
	_ =	sdelay $0x1  }
0x99: {  	s4 =	simm.s32 $_scs_section_size  }
0x9a: {  	s5 =	simm.s32 $_size__tile_overlayer_lowered;
	s6 =	simm.s32 $_tile_overlayer_lowered  }
0x9b: {  	s22 =	simm.s32 $0x1BFF;
	s21 =	sshll.u32 s6, $0x1;
	s3 =	sadd.s32 s4, s19  }
0x9c: {  	s7 =	simm.s32 $0x0;
	s20 =	sshll.u32 s5, $0x1;
	s5 =	sadd.s32 s21, s3  }
0x9d: {  	[timem:s7], [sflag:s22] =	dma.local [hbm:s5], s20  }
0x9e: {  	_ =	swait.ge [sflag:s22], s20  }
0x9f: {  	s4 =	ssub.s32 $0x0, s20;
	[sflag:s22] =	ssyncset.done $0x0  }
0xa0: {  	[sflag:s22] =	ssyncadd.s32 s4;
	_ =	sdelay $0x1  }
0xa1: {  	s23 =	simm.s32 $0x1B8B  }
0xa2: {  	_ =	swait.ge [sflag:s23], $0x1  }
0xa3: {  	[sflag:s23] =	ssyncset.done $0x0  }
0xa4: {  	s25 =	simm.s32 $0x1B8E;
	s24 =	sld [smem:$0x3FFE];
	[sflag:s23] =	ssyncadd.s32 $0xFFFFFFFF  }
0xa5: {  	s26 =	simm.s32 $execute0_lowered;
	[smem:$0x3FD2] =	sst s25  }
0xa6: {  	s5 =	sshll.u32 s26, $0x1;
	_ =	strace $0x80000046;
	[dreg:$0x1] =	wrdreg $0xFFFFFFFF  }
0xa7: {  	s28 =	simm.s32 $_size_execute0_lowered;
	s3 =	sadd.s32 s3, s5;
	[dreg:$0x0] =	wrdreg $0x0  }
0xa8: {  	s5 =	sshll.u32 s28, $0x1;
	[dreg:$0x2] =	wrdreg s3  }
0xa9: {  	[dreg:$0x3] =	wrdreg s5  }
0xaa: {  	[dreg:$0x4] =	wrdreg $0xC0  }
0xab: {  	_ =	task [dreg:s7], $0x5FFFF  }
0xac: {  	[dreg:$0x1] =	wrdreg $0xFFFFFFFF  }
0xad: {  	[dreg:$0x0] =	wrdreg $0x60  }
0xae: {  	[dreg:$0x2] =	wrdreg s24  }
0xaf: {  	[dreg:$0x3] =	wrdreg s2  }
0xb0: {  	[dreg:$0x4] =	wrdreg $0x28500  }
0xb1: {  	[dreg:$0x5] =	wrdreg $0x9  }
0xb2: {  	_ =	task.clear_ibuf [dreg:s7], $0x6FFFF;
	_ =	strace $0x90000046  }
0xb3: {  	s29 =	simm.s32 $0x9;
	_ =	strace $0x80000048  }
0xb4: {  	_ =	swait.ge [sflag:s29], $0x1  }
0xb5: {  	[sflag:s29] =	ssyncadd.s32 $0xFFFFFFFF  }
0xb6: {  	_ =	strace $0x90000048  }
0xb7: {  	_ =	sfence  }
0xb8: {  	s30 =	sld [smem:$0x0];
	_ =	sdelay $0x2  }
0xb9: {  	s31 =	sshll.u32 s1, $0xD;
	s1 =	sshrl.u32 s1, $0x2  }
0xba: {  	s3 =	sand.u32 $0x4000, s31;
	s1 =	sadd.s32 s1, s30  }
0xbb: {  	s0 =	sor.u32 s3, s0;
	s1 =	sshll.u32 s1, $0x11  }
0xbc: {  	s0 =	sor.u32 s1, s0  }
0xbd: {  	s0 =	sadd.s32 $0x8F2B, s0  }
0xbe: {  	[sflag:s0] =	ssyncadd.remote.s32 $0x1  }
0xbf: {  	_ =	sfence.sel $0xFFFF  }
0xc0: {  	[dreg:$0x0] =	wrdreg $0xFFFFFFFF;
	(pc) =	sbr.abs _section_cstart, $3  }
0xc1: {  	[dreg:$0x1] =	wrdreg $0xFFFFFFFF  }
0xc2: {  	_ =	task.clear_ibuf [dreg:s7], $0x2FFFF;
	_ =	strace $0x9FFFFFFF  }
0xc3: {  	(tm) =	ssettm $0x7FFFFFFF  }
tec
execute0_lowered:
.L_overlay_start_1:
0x0: {  	(tag) =	ssettag $0x1  }
0x1: {  	s6 =	rddreg [dreg:$0x0]  }
0x2: {  	s8 =	rddreg [dreg:$0x1]  }
0x3: {  	s1 =	rddreg [dreg:$0x2]  }
0x4: {  	s0 =	rddreg [dreg:$0x3];
	s3 =	simm.s32 $0x0;
	s4 =	srdreg.scid  }
0x5: {  	s2 =	stileid.u32;
	s15 =	simm.s32 $0x78;
	s16 =	simm.s32 $0xA0  }
0x6: {  	s17 =	simm.s32 $0x1;
	s18 =	simm.s32 $0x2;
	s19 =	simm.s32 $0x3  }
0x7: {  	s20 =	simm.s32 $0x4;
	s21 =	simm.s32 $0x5;
	s22 =	simm.s32 $0x0  }
0x8: {  	[smem:$0x7FF] =	sst s3;
	s7 =	sand.u32 $0x1, s4;
	s5 =	smul.u32 $0x13C0, s2  }
0x9: {  	s4 =	sadd.s32 $0x18400, s6;
	s30 =	smul.u32 $0x278, s2;
	s31 =	sshll.u32 s2, $0x6  }
0xa: {  	_ =	strace $0x80000047;
	s9 =	sshll.u32 s7, $0x4;
	s10 =	ssub.s32 $0x2, s7  }
0xb: {  	s14 =	smul.u32 $0x2780, s7;
	s9 =	sor.u32 s2, s9;
	s11 =	sshrl.u32 s5, $0x3  }
0xc: {  	s12 =	sshrl.u32 s10, $0x1;
	s13 =	sadd.s32 s5, s1;
	s9 =	smul.u32 $0x2710, s9  }
0xd: {  	s8 =	sadd.s32 s8, s30;
	s11 =	sadd.s32 s11, s6;
	s10 =	ssub.s32 s10, s12  }
0xe: {  	s8 =	sadd.s32 s14, s8;
	s12 =	simm.s32 $0x2710;
	s9 =	sshrl.u32 s9, $0x3  }
0xf: {  	s14 =	simm.s32 $0x50;
	s5 =	sadd.s32 $0x15C00, s11;
	s9 =	sadd.s32 s6, s9  }
0x10: {  	s11 =	simm.s32 $0x6;
	s6 =	sor.u32 $0x1C06, s31;
	s7 =	sadd.s32 $0xBE40, s9  }
0x11: {  	s9 =	smax.u32 s10, $0x1;
	s10 =	sshrl.u32 s13, $0x3;
	s13 =	simm.s32 $0x28  }
.LBB2_1:
0x12: {  	[spmem:s10], [sflag:s6] =	dma.local [hbm:s5], $0x278  }
0x13: {  	_ =	swait.ge [sflag:s11], $0x278  }
0x14: {  	[sflag:s11] =	ssyncset.done $0x0  }
0x15: {  	[sflag:s11] =	ssyncadd.s32 $0xFFFFFD88  }
0x16: {  	[tilespmem:s12], [sflag:$0x6] =	stream.linear.gather [hbm4b:s4+s3], $0x140, $0x38;
	[tilespmem:$0x3C10] =	vst v63  }
0x17: {  	_ =	swait.ge [sflag:s11], $0x140  }
0x18: {  	[sflag:s11] =	ssyncset.done $0x0  }
0x19: {  	[sflag:s11] =	ssyncadd.s32 $0xFFFFFEC0  }
0x1a: {  	[tilespmem:s3], [sflag:$0x6] =	stream.linear.gather [hbm4b:s7+s3], $0x2710, $0x38;
	[tilespmem:$0x3C10] =	vst v63  }
0x1b: {  	_ =	swait.ge [sflag:s11], $0x2710  }
0x1c: {  	[sflag:s11] =	ssyncset.done $0x0  }
0x1d: {  	[sflag:s11] =	ssyncadd.s32 $0xFFFFD8F0  }
0x1e: {  	[bflag:$0x0] =	sbarrier.arrive $0xFFFF  }
0x1f: {  	[spmem:s1] =	stream.indirect.scatter.add.f32 [tilespmem:s12], [sflag:$0x1], $0x8, s3, s13, $0xb8;
	[tilespmem:$0x3C10] =	vst v63  }
0x20: {  	_ = 	snop  }
0x21: {  	[spmem:s1] =	stream.indirect.scatter.add.f32 [tilespmem:s12], [sflag:$0x2], $0x8, s13, s13, $0xb8;
	[tilespmem:$0x3C10] =	vst v63  }
0x22: {  	_ = 	snop  }
0x23: {  	[spmem:s1] =	stream.indirect.scatter.add.f32 [tilespmem:s12], [sflag:$0x3], $0x8, s14, s13, $0xb8;
	[tilespmem:$0x3C10] =	vst v63  }
0x24: {  	_ = 	snop  }
0x25: {  	[spmem:s1] =	stream.indirect.scatter.add.f32 [tilespmem:s12], [sflag:$0x4], $0x8, s15, s13, $0xb8;
	[tilespmem:$0x3C10] =	vst v63  }
0x26: {  	_ = 	snop  }
0x27: {  	[spmem:s1] =	stream.indirect.scatter.add.f32 [tilespmem:s12], [sflag:$0x5], $0x8, s16, s13, $0xb8;
	[tilespmem:$0x3C10] =	vst v63  }
0x28: {  	_ =	swait.ge [sflag:s17], $0x140  }
0x29: {  	[sflag:s17] =	ssyncset.done $0x0  }
0x2a: {  	s23 =	simm.s32 $0xC8;
	[sflag:s17] =	ssyncadd.s32 $0xFFFFFEC0  }
0x2b: {  	[spmem:s1] =	stream.indirect.scatter.add.f32 [tilespmem:s12], [sflag:$0x1], $0x8, s23, s13, $0xb8;
	[tilespmem:$0x3C10] =	vst v63  }
0x2c: {  	_ =	swait.ge [sflag:s18], $0x140  }
0x2d: {  	[sflag:s18] =	ssyncset.done $0x0  }
0x2e: {  	s29 =	simm.s32 $0xF0;
	[sflag:s18] =	ssyncadd.s32 $0xFFFFFEC0  }
0x2f: {  	[spmem:s1] =	stream.indirect.scatter.add.f32 [tilespmem:s12], [sflag:$0x2], $0x8, s29, s13, $0xb8;
	[tilespmem:$0x3C10] =	vst v63  }
0x30: {  	_ =	swait.ge [sflag:s19], $0x140  }
0x31: {  	[sflag:s19] =	ssyncset.done $0x0  }
0x32: {  	s30 =	simm.s32 $0x118;
	[sflag:s19] =	ssyncadd.s32 $0xFFFFFEC0  }
0x33: {  	[spmem:s1] =	stream.indirect.scatter.add.f32 [tilespmem:s12], [sflag:$0x3], $0x8, s30, s13, $0xb8;
	[tilespmem:$0x3C10] =	vst v63  }
0x34: {  	_ =	swait.ge [sflag:s20], $0x140  }
0x35: {  	[sflag:s20] =	ssyncset.done $0x0  }
0x36: {  	s31 =	simm.s32 $0x140;
	[sflag:s20] =	ssyncadd.s32 $0xFFFFFEC0  }
0x37: {  	[spmem:s1] =	stream.indirect.scatter.add.f32 [tilespmem:s12], [sflag:$0x4], $0x8, s31, s13, $0xb8;
	[tilespmem:$0x3C10] =	vst v63  }
0x38: {  	_ =	swait.ge [sflag:s21], $0x140  }
0x39: {  	[sflag:s21] =	ssyncset.done $0x0  }
0x3a: {  	s24 =	simm.s32 $0x168;
	s23 =	simm.s32 $0xFFFF6A00;
	[sflag:s21] =	ssyncadd.s32 $0xFFFFFEC0  }
.LBB2_2:
0x3b: {  	[spmem:s1] =	stream.indirect.scatter.add.f32 [tilespmem:s12], [sflag:$0x5], $0x8, s24, s13, $0xb8;
	[tilespmem:$0x3C10] =	vst v63  }
0x3c: {  	s24 =	smov.u32 s23  }
0x3d: {  	p0 =	sne.s32 s23, $0xFFFFFCE0;
	s23 =	sadd.s32 $0x320, s23;
	_ =	swait.ge [sflag:s17], $0x140  }
0x3e: {  	s24 =	sshra.s32 s24, $0x2;
	[sflag:s17] =	ssyncset.done $0x0  }
0x3f: {  	s25 =	sadd.s32 $0x2710, s24;
	[sflag:s17] =	ssyncadd.s32 $0xFFFFFEC0  }
0x40: {  	[spmem:s1] =	stream.indirect.scatter.add.f32 [tilespmem:s12], [sflag:$0x1], $0x8, s25, s13, $0xb8;
	[tilespmem:$0x3C10] =	vst v63  }
0x41: {  	_ =	swait.ge [sflag:s18], $0x140  }
0x42: {  	[sflag:s18] =	ssyncset.done $0x0  }
0x43: {  	s25 =	sadd.s32 $0x2738, s24;
	[sflag:s18] =	ssyncadd.s32 $0xFFFFFEC0  }
0x44: {  	[spmem:s1] =	stream.indirect.scatter.add.f32 [tilespmem:s12], [sflag:$0x2], $0x8, s25, s13, $0xb8;
	[tilespmem:$0x3C10] =	vst v63  }
0x45: {  	_ =	swait.ge [sflag:s19], $0x140  }
0x46: {  	[sflag:s19] =	ssyncset.done $0x0  }
0x47: {  	s25 =	sadd.s32 $0x2760, s24;
	[sflag:s19] =	ssyncadd.s32 $0xFFFFFEC0  }
0x48: {  	[spmem:s1] =	stream.indirect.scatter.add.f32 [tilespmem:s12], [sflag:$0x3], $0x8, s25, s13, $0xb8;
	[tilespmem:$0x3C10] =	vst v63  }
0x49: {  	_ =	swait.ge [sflag:s20], $0x140  }
0x4a: {  	[sflag:s20] =	ssyncset.done $0x0  }
.Ltmp0:
0x4b: {  	s25 =	sadd.s32 $0x2788, s24;
	[sflag:s20] =	ssyncadd.s32 $0xFFFFFEC0;
	(pc) =	sbr.rel @p0 .LBB2_2-.Ltmp0, $4  }
0x4c: {  	[spmem:s1] =	stream.indirect.scatter.add.f32 [tilespmem:s12], [sflag:$0x4], $0x8, s25, s13, $0xb8;
	[tilespmem:$0x3C10] =	vst v63  }
0x4d: {  	_ =	swait.ge [sflag:s21], $0x140  }
0x4e: {  	[sflag:s21] =	ssyncset.done $0x0  }
0x4f: {  	s24 =	sadd.s32 $0x27B0, s24;
	[sflag:s21] =	ssyncadd.s32 $0xFFFFFEC0  }
0x50: {  	[spmem:s1] =	stream.indirect.scatter.add.f32 [tilespmem:s12], [sflag:$0x5], $0x8, s24, s13, $0xb8;
	[tilespmem:$0x3C10] =	vst v63  }
0x51: {  	_ =	swait.ge [sflag:s17], $0x140  }
0x52: {  	[sflag:s17] =	ssyncset.done $0x0  }
0x53: {  	[sflag:s17] =	ssyncadd.s32 $0xFFFFFEC0  }
0x54: {  	_ =	swait.ge [sflag:s18], $0x140  }
0x55: {  	[sflag:s18] =	ssyncset.done $0x0  }
0x56: {  	[sflag:s18] =	ssyncadd.s32 $0xFFFFFEC0  }
0x57: {  	_ =	swait.ge [sflag:s19], $0x140  }
0x58: {  	[sflag:s19] =	ssyncset.done $0x0  }
0x59: {  	[sflag:s19] =	ssyncadd.s32 $0xFFFFFEC0  }
0x5a: {  	_ =	swait.ge [sflag:s20], $0x140  }
0x5b: {  	[sflag:s20] =	ssyncset.done $0x0  }
0x5c: {  	[sflag:s20] =	ssyncadd.s32 $0xFFFFFEC0  }
0x5d: {  	_ =	swait.ge [sflag:s21], $0x140  }
0x5e: {  	s22 =	sadd.s32 $0x1, s22;
	[sflag:s21] =	ssyncset.done $0x0  }
0x5f: {  	p0 =	sne.s32 s22, s9;
	[sflag:s21] =	ssyncadd.s32 $0xFFFFFEC0  }
.Ltmp1:
0x60: {  	[bflag:$0x0] =	sbarrier.arrive $0xFFFF;
	(pc) =	sbr.rel @p0 .LBB2_1-.Ltmp1, $4  }
0x61: {  	[hbm:s8], [sflag:s6] =	dma.local [spmem:s10], $0x278  }
0x62: {  	_ =	swait.ge [sflag:s11], $0x278  }
0x63: {  	[sflag:s11] =	ssyncset.done $0x0  }
0x64: {  	[sflag:s11] =	ssyncadd.s32 $0xFFFFFD88  }
0x65: {  	_ =	sfence.sel $0x180000  }
0x66: {  	[bflag:$0x0] =	sbarrier.arrive $0xFFFF  }
0x67: {  	p0 =	sne.s32 s2, $0x0;
	_ =	strace $0x90000047  }
0x68: {  	s0 =	sadd.s32 @!p0 $0x100000, s0;
	[bflag:$0x2] =	sbarrier.arrive $0xFFFF  }
0x69: {  	[sflag:s0] =	ssyncadd.tile.s32 @!p0 $0x1;
	_ =	shalt  }
.Lfunc_end2:
_tile_overlayer_lowered:
.L_overlay_start_2:
0x6a: {  	(tag) =	ssettag $0x2  }
0x6b: {  	s0 =	rddreg [dreg:$0x0];
	s2 =	stileid.u32  }
0x6c: {  	s1 =	rddreg [dreg:$0x1];
	p0 =	sne.s32 s2, $0x0  }
0x6d: {  	s3 =	rddreg [dreg:$0x2];
	[bflag:$0x3] =	sbarrier.arrive $0xFFFF;
	s2 =	simm.s32 @!p0 $0x1C06  }
0x6e: {  	[timem:s3], [sflag:s2] =	dma.local @!p0 [hbm:s0], s1  }
0x6f: {  	s0 =	simm.s32 @!p0 $0x6  }
0x70: {  	_ =	swait.ge @!p0 [sflag:s0], s1  }
0x71: {  	s1 =	ssub.s32 @!p0 $0x0, s1;
	[sflag:s0] =	ssyncset.done @!p0 $0x0  }
0x72: {  	[sflag:s0] =	ssyncadd.s32 @!p0 s1  }
0x73: {  	[bflag:$0x3] =	sbarrier.arrive $0xFFFF  }
0x74: {  	_ =	shalt  }

</sc_bundles>
